<compile_context>
chip_gen: v7x
topology: tpu7x:2x2x1
jax: 0.10.2.dev20260603
libtpu: 0.0.44.dev20260713+nightly
codegen_flags: <defaults>
</compile_context>

<pallas_src>
import functools

import jax
import jax.numpy as jnp
from jax import lax
from jax.experimental import pallas as pl
from jax.experimental.pallas import tpu as pltpu
from jax.experimental.pallas import tpu_sc as plsc

_NC = 2
_NS = 16
_NW = _NC * _NS
_R = 4096
_S = 50
_B = _R * _S
_D = 128
_L = 16
_BPW = _B // _NW
_RPW = _R // _NW
_CR = 8
_NCHUNK = _RPW // _CR

_mesh = plsc.VectorSubcoreMesh(core_axis_name="c", subcore_axis_name="s")

_DNUMS = lax.GatherDimensionNumbers(
    offset_dims=(), collapsed_slice_dims=(0,), start_index_map=(0,))


def _bcast_lane(vec, j):
    idx = jnp.full((_L, 1), j, dtype=jnp.int32)
    return lax.gather(vec, idx, _DNUMS, slice_sizes=(1,),
                      mode=lax.GatherScatterMode.PROMISE_IN_BOUNDS)


@functools.partial(
    pl.kernel,
    out_type=jax.ShapeDtypeStruct((_S, _R, _D), jnp.float32),
    mesh=_mesh,
    compiler_params=pltpu.CompilerParams(use_tc_tiling_on_sc=True),
    scratch_types=[
        pltpu.VMEM((2, _D), jnp.float32),
        pltpu.VMEM((_BPW,), jnp.int32),
        pltpu.VMEM((2, _S, _CR, _D), jnp.float32),
        pltpu.SemaphoreType.DMA((2,)),
    ],
)
def _emb_lookup_sc(idx_hbm, table_hbm, out_hbm,
                   table_v, idx_v, rows_v, sems):
    wid = lax.axis_index("s") * _NC + lax.axis_index("c")
    rbase = wid * _RPW
    pltpu.sync_copy(table_hbm, table_v)
    pltpu.sync_copy(idx_hbm.at[pl.ds(wid * _BPW, _BPW)], idx_v)
    row1 = [table_v[1, pl.ds(k * _L, _L)] for k in range(_D // _L)]
    diff = [table_v[0, pl.ds(k * _L, _L)] - row1[k] for k in range(_D // _L)]
    def compute_chunk(i, buf):
        def body(g, carry):
            q = g * _L
            i16 = idx_v[pl.ds(i * (_CR * _S) + q, _L)]
            mf = (1 - i16).astype(jnp.float32)
            for j in range(_L):
                p = q + j
                r = p // _S
                c = p - r * _S
                m = _bcast_lane(mf, j)
                for k in range(_D // _L):
                    buf[c, r, pl.ds(k * _L, _L)] = m * diff[k] + row1[k]
            return carry

        lax.fori_loop(0, _CR * _S // _L, body, 0)

    def dst(i):
        return out_hbm.at[:, pl.ds(rbase + i * _CR, _CR)]

    def step(i, carry):
        p = i % 2
        buf = rows_v.at[p]
        sem = sems.at[p]

        @pl.when(i >= 2)
        def _drain():
            pltpu.make_async_copy(buf, dst(i), sem).wait()

        compute_chunk(i, buf)
        pltpu.async_copy(buf, dst(i), sem)
        return carry

    lax.fori_loop(0, _NCHUNK, step, 0)
    pltpu.make_async_copy(rows_v.at[0], dst(_NCHUNK - 2), sems.at[0]).wait()
    pltpu.make_async_copy(rows_v.at[1], dst(_NCHUNK - 1), sems.at[1]).wait()


def kernel(inputs, table):
    idx = inputs.reshape(_B)
    out_t = _emb_lookup_sc(idx, table)
    return out_t.transpose(1, 0, 2)

# --- scband reference (transcript-rebuilt; emitter-appended) ---
"""Pipeline reference for scband-sequencing-direction-embedding-layer-78847009620242 (READ-ONLY COPY).

The authoritative reference and input builder live on the scoring server;
editing this copy changes nothing except your own understanding.
"""

import jax, jax.numpy as jnp
import numpy as np


def setup_inputs(seed: int = 0) -> dict:
    key = jax.random.key(seed)
    k1, k2 = jax.random.split(key)
    # sequencing direction indices in {0, 1}
    inputs = jax.random.randint(k1, (4096, 50), 0, 2, dtype=jnp.int32)
    # embedding table: nn.Embedding(num_embeddings=2, embedding_dim=128, padding_idx=-1)
    # padding_idx=-1 normalizes to row 1, which torch initializes to zeros
    table = jax.random.normal(k2, (2, 128), dtype=jnp.float32)
    table = table.at[1].set(0.0)
    return {"inputs": inputs, "table": table}


def reference(inputs, table):
    # embedding lookup: embeddings = self.embedding(inputs)
    embeddings = jnp.take(table, inputs, axis=0)
    return embeddings

if __name__ == "__main__":
    import jax
    _d = setup_inputs()
    print(jax.jit(kernel)(*tuple(_d.values())))

</pallas_src>

<mosaic_0001>
#map = affine_map<(d0, d1) -> (0)>
#map1 = affine_map<(d0, d1) -> (0, 0)>
#map2 = affine_map<(d0, d1) -> (0, 0, 0)>
module attributes {stable_mosaic.version = 14 : i64} {
  func.func @_emb_lookup_sc(%arg0: i32, %arg1: i32, %arg2: memref<204800xi32, #tpu.memory_space<hbm>>, %arg3: memref<2x128xf32, #tpu.memory_space<hbm>>, %arg4: memref<50x4096x128xf32, #tpu.memory_space<hbm>>, %arg5: memref<2x128xf32, #tpu.memory_space<vmem>>, %arg6: memref<6400xi32, #tpu.memory_space<vmem>>, %arg7: memref<2x50x8x128xf32, #tpu.memory_space<vmem>>, %arg8: memref<2x!tpu.dma_semaphore, #tpu.memory_space<semaphore_mem>>) attributes {dimension_semantics = [#tpu.dimension_semantics<core_parallel>, #tpu.dimension_semantics<subcore_parallel>], iteration_bounds = array<i64: 2, 16>, scalar_prefetch = 0 : i64, scratch_operands = 4 : i64, tpu.core_type = #tpu.core_type<sc_vector_subcore>, window_params = [{transform_indices = #map}, {transform_indices = #map1}, {transform_indices = #map2}]} {
    %mul3A = arith.constant 2 : i32
    %mul3A_0 = arith.muli %arg1, %mul3A : i32
    %add3A = arith.addi %mul3A_0, %arg0 : i32
    %mul3A_1 = arith.constant 128 : i32
    %mul3A_2 = arith.muli %add3A, %mul3A_1 : i32
    "tpu.region"() ({
      %run_scoped3A = tpu.sem_alloc : memref<!tpu.dma_semaphore, #tpu.memory_space<semaphore_mem>>
      tpu.enqueue_dma source(%arg3 : memref<2x128xf32, #tpu.memory_space<hbm>>) target(%arg5 : memref<2x128xf32, #tpu.memory_space<vmem>>) target_semaphore(%run_scoped3A : memref<!tpu.dma_semaphore, #tpu.memory_space<semaphore_mem>>)
      tpu.wait_dma2 semaphore(%run_scoped3A : memref<!tpu.dma_semaphore, #tpu.memory_space<semaphore_mem>>) src(%arg3 : memref<2x128xf32, #tpu.memory_space<hbm>>) dst(%arg5 : memref<2x128xf32, #tpu.memory_space<vmem>>)
      tpu.yield
    }) : () -> ()
    %mul3A_3 = arith.constant 6400 : i32
    %mul3A_4 = arith.muli %add3A, %mul3A_3 : i32
    "tpu.region"() ({
      %run_scoped3A = tpu.sem_alloc : memref<!tpu.dma_semaphore, #tpu.memory_space<semaphore_mem>>
      %dma_start3A = tpu.memref_slice %arg2[%mul3A_4] : memref<204800xi32, #tpu.memory_space<hbm>> -> memref<6400xi32, #tpu.memory_space<hbm>>
      %dma_start3A_139 = tpu.memref_slice %arg2[%mul3A_4] : memref<204800xi32, #tpu.memory_space<hbm>> -> memref<6400xi32, #tpu.memory_space<hbm>>
      tpu.enqueue_dma source(%dma_start3A_139 : memref<6400xi32, #tpu.memory_space<hbm>>) target(%arg6 : memref<6400xi32, #tpu.memory_space<vmem>>) target_semaphore(%run_scoped3A : memref<!tpu.dma_semaphore, #tpu.memory_space<semaphore_mem>>)
      %dma_wait3A_140 = tpu.memref_slice %arg2[%mul3A_4] : memref<204800xi32, #tpu.memory_space<hbm>> -> memref<6400xi32, #tpu.memory_space<hbm>>
      %dma_wait3A_141 = tpu.memref_slice %arg2[%mul3A_4] : memref<204800xi32, #tpu.memory_space<hbm>> -> memref<6400xi32, #tpu.memory_space<hbm>>
      tpu.wait_dma2 semaphore(%run_scoped3A : memref<!tpu.dma_semaphore, #tpu.memory_space<semaphore_mem>>) src(%dma_wait3A_141 : memref<6400xi32, #tpu.memory_space<hbm>>) dst(%arg6 : memref<6400xi32, #tpu.memory_space<vmem>>)
      tpu.yield
    }) : () -> ()
    %get3A = arith.constant 1 : i32
    %get3A_5 = arith.index_cast %get3A : i32 to index
    %get3A_6 = arith.constant 0 : index
    %get3A_7 = tpu.vector_load %arg5[%get3A_5, %get3A_6] {strides = array<i32>} : memref<2x128xf32, #tpu.memory_space<vmem>>, vector<1x16xf32>,
    %get3A_8 = vector.shape_cast %get3A_7 : vector<1x16xf32> to vector<16xf32>
    %get3A_9 = arith.constant 1 : i32
    %get3A_10 = arith.index_cast %get3A_9 : i32 to index
    %get3A_11 = arith.constant 16 : index
    %get3A_12 = tpu.vector_load %arg5[%get3A_10, %get3A_11] {strides = array<i32>} : memref<2x128xf32, #tpu.memory_space<vmem>>, vector<1x16xf32>,
    %get3A_13 = vector.shape_cast %get3A_12 : vector<1x16xf32> to vector<16xf32>
    %get3A_14 = arith.constant 1 : i32
    %get3A_15 = arith.index_cast %get3A_14 : i32 to index
    %get3A_16 = arith.constant 32 : index
    %get3A_17 = tpu.vector_load %arg5[%get3A_15, %get3A_16] {strides = array<i32>} : memref<2x128xf32, #tpu.memory_space<vmem>>, vector<1x16xf32>,
    %get3A_18 = vector.shape_cast %get3A_17 : vector<1x16xf32> to vector<16xf32>
    %get3A_19 = arith.constant 1 : i32
    %get3A_20 = arith.index_cast %get3A_19 : i32 to index
    %get3A_21 = arith.constant 48 : index
    %get3A_22 = tpu.vector_load %arg5[%get3A_20, %get3A_21] {strides = array<i32>} : memref<2x128xf32, #tpu.memory_space<vmem>>, vector<1x16xf32>,
    %get3A_23 = vector.shape_cast %get3A_22 : vector<1x16xf32> to vector<16xf32>
    %get3A_24 = arith.constant 1 : i32
    %get3A_25 = arith.index_cast %get3A_24 : i32 to index
    %get3A_26 = arith.constant 64 : index
    %get3A_27 = tpu.vector_load %arg5[%get3A_25, %get3A_26] {strides = array<i32>} : memref<2x128xf32, #tpu.memory_space<vmem>>, vector<1x16xf32>,
    %get3A_28 = vector.shape_cast %get3A_27 : vector<1x16xf32> to vector<16xf32>
    %get3A_29 = arith.constant 1 : i32
    %get3A_30 = arith.index_cast %get3A_29 : i32 to index
    %get3A_31 = arith.constant 80 : index
    %get3A_32 = tpu.vector_load %arg5[%get3A_30, %get3A_31] {strides = array<i32>} : memref<2x128xf32, #tpu.memory_space<vmem>>, vector<1x16xf32>,
    %get3A_33 = vector.shape_cast %get3A_32 : vector<1x16xf32> to vector<16xf32>
    %get3A_34 = arith.constant 1 : i32
    %get3A_35 = arith.index_cast %get3A_34 : i32 to index
    %get3A_36 = arith.constant 96 : index
    %get3A_37 = tpu.vector_load %arg5[%get3A_35, %get3A_36] {strides = array<i32>} : memref<2x128xf32, #tpu.memory_space<vmem>>, vector<1x16xf32>,
    %get3A_38 = vector.shape_cast %get3A_37 : vector<1x16xf32> to vector<16xf32>
    %get3A_39 = arith.constant 1 : i32
    %get3A_40 = arith.index_cast %get3A_39 : i32 to index
    %get3A_41 = arith.constant 112 : index
    %get3A_42 = tpu.vector_load %arg5[%get3A_40, %get3A_41] {strides = array<i32>} : memref<2x128xf32, #tpu.memory_space<vmem>>, vector<1x16xf32>,
    %get3A_43 = vector.shape_cast %get3A_42 : vector<1x16xf32> to vector<16xf32>
    %get3A_44 = arith.constant 0 : i32
    %get3A_45 = arith.index_cast %get3A_44 : i32 to index
    %get3A_46 = arith.constant 0 : index
    %get3A_47 = tpu.vector_load %arg5[%get3A_45, %get3A_46] {strides = array<i32>} : memref<2x128xf32, #tpu.memory_space<vmem>>, vector<1x16xf32>,
    %get3A_48 = vector.shape_cast %get3A_47 : vector<1x16xf32> to vector<16xf32>
    %sub3A = arith.subf %get3A_48, %get3A_8 : vector<16xf32>
    %get3A_49 = arith.constant 0 : i32
    %get3A_50 = arith.index_cast %get3A_49 : i32 to index
    %get3A_51 = arith.constant 16 : index
    %get3A_52 = tpu.vector_load %arg5[%get3A_50, %get3A_51] {strides = array<i32>} : memref<2x128xf32, #tpu.memory_space<vmem>>, vector<1x16xf32>,
    %get3A_53 = vector.shape_cast %get3A_52 : vector<1x16xf32> to vector<16xf32>
    %sub3A_54 = arith.subf %get3A_53, %get3A_13 : vector<16xf32>
    %get3A_55 = arith.constant 0 : i32
    %get3A_56 = arith.index_cast %get3A_55 : i32 to index
    %get3A_57 = arith.constant 32 : index
    %get3A_58 = tpu.vector_load %arg5[%get3A_56, %get3A_57] {strides = array<i32>} : memref<2x128xf32, #tpu.memory_space<vmem>>, vector<1x16xf32>,
    %get3A_59 = vector.shape_cast %get3A_58 : vector<1x16xf32> to vector<16xf32>
    %sub3A_60 = arith.subf %get3A_59, %get3A_18 : vector<16xf32>
    %get3A_61 = arith.constant 0 : i32
    %get3A_62 = arith.index_cast %get3A_61 : i32 to index
    %get3A_63 = arith.constant 48 : index
    %get3A_64 = tpu.vector_load %arg5[%get3A_62, %get3A_63] {strides = array<i32>} : memref<2x128xf32, #tpu.memory_space<vmem>>, vector<1x16xf32>,
    %get3A_65 = vector.shape_cast %get3A_64 : vector<1x16xf32> to vector<16xf32>
    %sub3A_66 = arith.subf %get3A_65, %get3A_23 : vector<16xf32>
    %get3A_67 = arith.constant 0 : i32
    %get3A_68 = arith.index_cast %get3A_67 : i32 to index
    %get3A_69 = arith.constant 64 : index
    %get3A_70 = tpu.vector_load %arg5[%get3A_68, %get3A_69] {strides = array<i32>} : memref<2x128xf32, #tpu.memory_space<vmem>>, vector<1x16xf32>,
    %get3A_71 = vector.shape_cast %get3A_70 : vector<1x16xf32> to vector<16xf32>
    %sub3A_72 = arith.subf %get3A_71, %get3A_28 : vector<16xf32>
    %get3A_73 = arith.constant 0 : i32
    %get3A_74 = arith.index_cast %get3A_73 : i32 to index
    %get3A_75 = arith.constant 80 : index
    %get3A_76 = tpu.vector_load %arg5[%get3A_74, %get3A_75] {strides = array<i32>} : memref<2x128xf32, #tpu.memory_space<vmem>>, vector<1x16xf32>,
    %get3A_77 = vector.shape_cast %get3A_76 : vector<1x16xf32> to vector<16xf32>
    %sub3A_78 = arith.subf %get3A_77, %get3A_33 : vector<16xf32>
    %get3A_79 = arith.constant 0 : i32
    %get3A_80 = arith.index_cast %get3A_79 : i32 to index
    %get3A_81 = arith.constant 96 : index
    %get3A_82 = tpu.vector_load %arg5[%get3A_80, %get3A_81] {strides = array<i32>} : memref<2x128xf32, #tpu.memory_space<vmem>>, vector<1x16xf32>,
    %get3A_83 = vector.shape_cast %get3A_82 : vector<1x16xf32> to vector<16xf32>
    %sub3A_84 = arith.subf %get3A_83, %get3A_38 : vector<16xf32>
    %get3A_85 = arith.constant 0 : i32
    %get3A_86 = arith.index_cast %get3A_85 : i32 to index
    %get3A_87 = arith.constant 112 : index
    %get3A_88 = tpu.vector_load %arg5[%get3A_86, %get3A_87] {strides = array<i32>} : memref<2x128xf32, #tpu.memory_space<vmem>>, vector<1x16xf32>,
    %get3A_89 = vector.shape_cast %get3A_88 : vector<1x16xf32> to vector<16xf32>
    %sub3A_90 = arith.subf %get3A_89, %get3A_43 : vector<16xf32>
    %scan3A = arith.constant 0 : i32
    %scan3A_91 = arith.constant 0 : i32
    %scan3A_92 = arith.constant 16 : i32
    %scan3A_93 = arith.addi %scan3A_91, %scan3A_92 : i32
    %scan3A_94 = arith.constant 1 : i32
    scf.for %scan3A_139 = %scan3A_91 to %scan3A_93 step %scan3A_94  : i32 {
      %jit3A = arith.constant 2 : i32
      %eq3A = arith.constant 0 : i32
      %eq3A_140 = arith.cmpi eq, %jit3A, %eq3A : i32
      %jit3A_141 = arith.constant 1 : i32
      %select_n3A = arith.select %eq3A_140, %jit3A_141, %jit3A : i32
      %rem3A = arith.remsi %scan3A_139, %select_n3A : i32
      %ne3A = arith.constant 0 : i32
      %ne3A_142 = arith.cmpi ne, %rem3A, %ne3A : i32
      %lt3A = arith.constant 0 : i32
      %lt3A_143 = arith.cmpi slt, %rem3A, %lt3A : i32
      %lt3A_144 = arith.constant 0 : i32
      %lt3A_145 = arith.cmpi slt, %select_n3A, %lt3A_144 : i32
      %ne3A_146 = arith.xori %lt3A_143, %lt3A_145 : i1
      %and3A = arith.andi %ne3A_146, %ne3A_142 : i1
      %add3A_147 = arith.addi %rem3A, %select_n3A : i32
      %select_n3A_148 = arith.select %and3A, %add3A_147, %rem3A : i32
      %ge3A = arith.constant 2 : i32
      %ge3A_149 = arith.cmpi sge, %scan3A_139, %ge3A : i32
      %convert_element_type3A = arith.extui %ge3A_149 : i1 to i32
      %cond3A = arith.constant 0 : i32
      %cond3A_150 = arith.cmpi ne, %convert_element_type3A, %cond3A : i32
      scf.if %cond3A_150 {
        %mul3A_177 = arith.constant 8 : i32
        %mul3A_178 = arith.muli %scan3A_139, %mul3A_177 : i32
        %add3A_179 = arith.addi %mul3A_2, %mul3A_178 : i32
        %dma_wait3A_180 = arith.constant 0 : i32
        %dma_wait3A_181 = arith.constant 0 : i32
        %dma_wait3A_182 = arith.constant 0 : i32
        %dma_wait3A_183 = tpu.memref_slice %arg7[%select_n3A_148, %dma_wait3A_180, %dma_wait3A_181, %dma_wait3A_182] : memref<2x50x8x128xf32, #tpu.memory_space<vmem>> -> memref<1x50x8x128xf32, #tpu.memory_space<vmem>>
        %dma_wait3A_184 = tpu.memref_squeeze %dma_wait3A_183 : memref<1x50x8x128xf32, #tpu.memory_space<vmem>> -> memref<50x8x128xf32, #tpu.memory_space<vmem>>
        %dma_wait3A_185 = arith.constant 0 : i32
        %dma_wait3A_186 = arith.constant 0 : i32
        %dma_wait3A_187 = tpu.memref_slice %arg4[%dma_wait3A_185, %add3A_179, %dma_wait3A_186] : memref<50x4096x128xf32, #tpu.memory_space<hbm>> -> memref<50x8x128xf32, #tpu.memory_space<hbm>>
        %dma_wait3A_188 = tpu.memref_slice %arg8[%select_n3A_148] : memref<2x!tpu.dma_semaphore, #tpu.memory_space<semaphore_mem>> -> memref<1x!tpu.dma_semaphore, #tpu.memory_space<semaphore_mem>>
        %dma_wait3A_189 = tpu.memref_squeeze %dma_wait3A_188 : memref<1x!tpu.dma_semaphore, #tpu.memory_space<semaphore_mem>> -> memref<!tpu.dma_semaphore, #tpu.memory_space<semaphore_mem>>
        %dma_wait3A_190 = arith.constant 0 : i32
        %dma_wait3A_191 = arith.constant 0 : i32
        %dma_wait3A_192 = tpu.memref_slice %arg4[%dma_wait3A_190, %add3A_179, %dma_wait3A_191] : memref<50x4096x128xf32, #tpu.memory_space<hbm>> -> memref<50x8x128xf32, #tpu.memory_space<hbm>>
        %dma_wait3A_193 = arith.constant 0 : i32
        %dma_wait3A_194 = arith.constant 0 : i32
        %dma_wait3A_195 = arith.constant 0 : i32
        %dma_wait3A_196 = tpu.memref_slice %arg7[%select_n3A_148, %dma_wait3A_193, %dma_wait3A_194, %dma_wait3A_195] : memref<2x50x8x128xf32, #tpu.memory_space<vmem>> -> memref<1x50x8x128xf32, #tpu.memory_space<vmem>>
        %dma_wait3A_197 = tpu.memref_squeeze %dma_wait3A_196 : memref<1x50x8x128xf32, #tpu.memory_space<vmem>> -> memref<50x8x128xf32, #tpu.memory_space<vmem>>
        tpu.wait_dma2 semaphore(%dma_wait3A_189 : memref<!tpu.dma_semaphore, #tpu.memory_space<semaphore_mem>>) src(%dma_wait3A_197 : memref<50x8x128xf32, #tpu.memory_space<vmem>>) dst(%dma_wait3A_192 : memref<50x8x128xf32, #tpu.memory_space<hbm>>)
      } else {
      }
      %scan3A_151 = arith.constant 0 : i32
      %scan3A_152 = arith.constant 0 : i32
      %scan3A_153 = arith.constant 25 : i32
      %scan3A_154 = arith.addi %scan3A_152, %scan3A_153 : i32
      %scan3A_155 = arith.constant 1 : i32
      scf.for %scan3A_177 = %scan3A_152 to %scan3A_154 step %scan3A_155  : i32 {
        %mul3A_178 = arith.constant 16 : i32
        %mul3A_179 = arith.muli %scan3A_177, %mul3A_178 : i32
        %mul3A_180 = arith.constant 400 : i32
        %mul3A_181 = arith.muli %scan3A_139, %mul3A_180 : i32
        %add3A_182 = arith.addi %mul3A_181, %mul3A_179 : i32
        %get3A_183 = arith.index_cast %add3A_182 : i32 to index
        %get3A_184 = tpu.vector_load %arg6[%get3A_183] {strides = array<i32>} : memref<6400xi32, #tpu.memory_space<vmem>>, vector<16xi32>,
        %get3A_185 = vector.shape_cast %get3A_184 : vector<16xi32> to vector<16xi32>
        %sub3A_186 = arith.constant 1 : i32
        %sub3A_187 = vector.broadcast %sub3A_186 : i32 to vector<16xi32>
        %sub3A_188 = arith.subi %sub3A_187, %get3A_185 : vector<16xi32>
        %convert_element_type3A_189 = arith.sitofp %sub3A_188 : vector<16xi32> to vector<16xf32>
        %add3A_190 = arith.constant 0 : i32
        %add3A_191 = arith.addi %mul3A_179, %add3A_190 : i32
        %jit3A_192 = arith.constant 50 : i32
        %div3A = arith.divsi %add3A_191, %jit3A_192 : i32
        %sign3A = arith.constant 0 : i32
        %sign3A_193 = arith.cmpi sgt, %add3A_191, %sign3A : i32
        %sign3A_194 = arith.extui %sign3A_193 : i1 to i32
        %sign3A_195 = arith.constant 0 : i32
        %sign3A_196 = arith.cmpi slt, %add3A_191, %sign3A_195 : i32
        %sign3A_197 = arith.extui %sign3A_196 : i1 to i32
        %sign3A_198 = arith.subi %sign3A_194, %sign3A_197 : i32
        %sign3A_199 = arith.constant 0 : i32
        %sign3A_200 = arith.cmpi sgt, %jit3A_192, %sign3A_199 : i32
        %sign3A_201 = arith.extui %sign3A_200 : i1 to i32
        %sign3A_202 = arith.constant 0 : i32
        %sign3A_203 = arith.cmpi slt, %jit3A_192, %sign3A_202 : i32
        %sign3A_204 = arith.extui %sign3A_203 : i1 to i32
        %sign3A_205 = arith.subi %sign3A_201, %sign3A_204 : i32
        %ne3A_206 = arith.cmpi ne, %sign3A_198, %sign3A_205 : i32
        %rem3A_207 = arith.remsi %add3A_191, %jit3A_192 : i32
        %ne3A_208 = arith.constant 0 : i32
        %ne3A_209 = arith.cmpi ne, %rem3A_207, %ne3A_208 : i32
        %and3A_210 = arith.andi %ne3A_206, %ne3A_209 : i1
        %sub3A_211 = arith.constant 1 : i32
        %sub3A_212 = arith.subi %div3A, %sub3A_211 : i32
        %select_n3A_213 = arith.select %and3A_210, %sub3A_212, %div3A : i32
        %mul3A_214 = arith.constant 50 : i32
        %mul3A_215 = arith.muli %select_n3A_213, %mul3A_214 : i32
        %sub3A_216 = arith.subi %add3A_191, %mul3A_215 : i32
        %broadcast_in_dim3A = arith.constant 0 : i32
        %broadcast_in_dim3A_217 = vector.broadcast %broadcast_in_dim3A : i32 to vector<16x1xi32>
        %gather3A = vector.shape_cast %broadcast_in_dim3A_217 : vector<16x1xi32> to vector<16xi32>
        %gather3A_218 = tpu.dynamic_gather %convert_element_type3A_189[%gather3A] in [0] : vector<16xf32>, vector<16xi32> -> vector<16xf32>
        %mul3A_219 = arith.mulf %gather3A_218, %sub3A : vector<16xf32>
        %add3A_220 = arith.addf %mul3A_219, %get3A_8 : vector<16xf32>
        %swap3A = arith.constant 0 : i32
        %swap3A_221 = arith.constant 0 : i32
        %swap3A_222 = arith.constant 0 : i32
        %swap3A_223 = tpu.memref_slice %arg7[%select_n3A_148, %swap3A, %swap3A_221, %swap3A_222] : memref<2x50x8x128xf32, #tpu.memory_space<vmem>> -> memref<1x50x8x128xf32, #tpu.memory_space<vmem>>
        %swap3A_224 = tpu.memref_squeeze %swap3A_223 : memref<1x50x8x128xf32, #tpu.memory_space<vmem>> -> memref<50x8x128xf32, #tpu.memory_space<vmem>>
        %swap3A_225 = arith.index_cast %sub3A_216 : i32 to index
        %swap3A_226 = arith.index_cast %select_n3A_213 : i32 to index
        %swap3A_227 = arith.constant 0 : index
        %swap3A_228 = tpu.vector_load %swap3A_224[%swap3A_225, %swap3A_226, %swap3A_227] {strides = array<i32>} : memref<50x8x128xf32, #tpu.memory_space<vmem>>, vector<1x1x16xf32>,
        %swap3A_229 = vector.shape_cast %swap3A_228 : vector<1x1x16xf32> to vector<16xf32>
        %swap3A_230 = vector.shape_cast %add3A_220 : vector<16xf32> to vector<1x1x16xf32>
        tpu.vector_store %swap3A_224[%swap3A_225, %swap3A_226, %swap3A_227], %swap3A_230 {strides = array<i32>} : memref<50x8x128xf32, #tpu.memory_space<vmem>>, vector<1x1x16xf32>,
        %mul3A_231 = arith.mulf %gather3A_218, %sub3A_54 : vector<16xf32>
        %add3A_232 = arith.addf %mul3A_231, %get3A_13 : vector<16xf32>
        %swap3A_233 = arith.constant 0 : i32
        %swap3A_234 = arith.constant 0 : i32
        %swap3A_235 = arith.constant 0 : i32
        %swap3A_236 = tpu.memref_slice %arg7[%select_n3A_148, %swap3A_233, %swap3A_234, %swap3A_235] : memref<2x50x8x128xf32, #tpu.memory_space<vmem>> -> memref<1x50x8x128xf32, #tpu.memory_space<vmem>>
        %swap3A_237 = tpu.memref_squeeze %swap3A_236 : memref<1x50x8x128xf32, #tpu.memory_space<vmem>> -> memref<50x8x128xf32, #tpu.memory_space<vmem>>
        %swap3A_238 = arith.index_cast %sub3A_216 : i32 to index
        %swap3A_239 = arith.index_cast %select_n3A_213 : i32 to index
        %swap3A_240 = arith.constant 16 : index
        %swap3A_241 = tpu.vector_load %swap3A_237[%swap3A_238, %swap3A_239, %swap3A_240] {strides = array<i32>} : memref<50x8x128xf32, #tpu.memory_space<vmem>>, vector<1x1x16xf32>,
        %swap3A_242 = vector.shape_cast %swap3A_241 : vector<1x1x16xf32> to vector<16xf32>
        %swap3A_243 = vector.shape_cast %add3A_232 : vector<16xf32> to vector<1x1x16xf32>
        tpu.vector_store %swap3A_237[%swap3A_238, %swap3A_239, %swap3A_240], %swap3A_243 {strides = array<i32>} : memref<50x8x128xf32, #tpu.memory_space<vmem>>, vector<1x1x16xf32>,
        %mul3A_244 = arith.mulf %gather3A_218, %sub3A_60 : vector<16xf32>
        %add3A_245 = arith.addf %mul3A_244, %get3A_18 : vector<16xf32>
        %swap3A_246 = arith.constant 0 : i32
        %swap3A_247 = arith.constant 0 : i32
        %swap3A_248 = arith.constant 0 : i32
        %swap3A_249 = tpu.memref_slice %arg7[%select_n3A_148, %swap3A_246, %swap3A_247, %swap3A_248] : memref<2x50x8x128xf32, #tpu.memory_space<vmem>> -> memref<1x50x8x128xf32, #tpu.memory_space<vmem>>
        %swap3A_250 = tpu.memref_squeeze %swap3A_249 : memref<1x50x8x128xf32, #tpu.memory_space<vmem>> -> memref<50x8x128xf32, #tpu.memory_space<vmem>>
        %swap3A_251 = arith.index_cast %sub3A_216 : i32 to index
        %swap3A_252 = arith.index_cast %select_n3A_213 : i32 to index
        %swap3A_253 = arith.constant 32 : index
        %swap3A_254 = tpu.vector_load %swap3A_250[%swap3A_251, %swap3A_252, %swap3A_253] {strides = array<i32>} : memref<50x8x128xf32, #tpu.memory_space<vmem>>, vector<1x1x16xf32>,
        %swap3A_255 = vector.shape_cast %swap3A_254 : vector<1x1x16xf32> to vector<16xf32>
        %swap3A_256 = vector.shape_cast %add3A_245 : vector<16xf32> to vector<1x1x16xf32>
        tpu.vector_store %swap3A_250[%swap3A_251, %swap3A_252, %swap3A_253], %swap3A_256 {strides = array<i32>} : memref<50x8x128xf32, #tpu.memory_space<vmem>>, vector<1x1x16xf32>,
        %mul3A_257 = arith.mulf %gather3A_218, %sub3A_66 : vector<16xf32>
        %add3A_258 = arith.addf %mul3A_257, %get3A_23 : vector<16xf32>
        %swap3A_259 = arith.constant 0 : i32
        %swap3A_260 = arith.constant 0 : i32
        %swap3A_261 = arith.constant 0 : i32
        %swap3A_262 = tpu.memref_slice %arg7[%select_n3A_148, %swap3A_259, %swap3A_260, %swap3A_261] : memref<2x50x8x128xf32, #tpu.memory_space<vmem>> -> memref<1x50x8x128xf32, #tpu.memory_space<vmem>>
        %swap3A_263 = tpu.memref_squeeze %swap3A_262 : memref<1x50x8x128xf32, #tpu.memory_space<vmem>> -> memref<50x8x128xf32, #tpu.memory_space<vmem>>
        %swap3A_264 = arith.index_cast %sub3A_216 : i32 to index
        %swap3A_265 = arith.index_cast %select_n3A_213 : i32 to index
        %swap3A_266 = arith.constant 48 : index
        %swap3A_267 = tpu.vector_load %swap3A_263[%swap3A_264, %swap3A_265, %swap3A_266] {strides = array<i32>} : memref<50x8x128xf32, #tpu.memory_space<vmem>>, vector<1x1x16xf32>,
        %swap3A_268 = vector.shape_cast %swap3A_267 : vector<1x1x16xf32> to vector<16xf32>
        %swap3A_269 = vector.shape_cast %add3A_258 : vector<16xf32> to vector<1x1x16xf32>
        tpu.vector_store %swap3A_263[%swap3A_264, %swap3A_265, %swap3A_266], %swap3A_269 {strides = array<i32>} : memref<50x8x128xf32, #tpu.memory_space<vmem>>, vector<1x1x16xf32>,
        %mul3A_270 = arith.mulf %gather3A_218, %sub3A_72 : vector<16xf32>
        %add3A_271 = arith.addf %mul3A_270, %get3A_28 : vector<16xf32>
        %swap3A_272 = arith.constant 0 : i32
        %swap3A_273 = arith.constant 0 : i32
        %swap3A_274 = arith.constant 0 : i32
        %swap3A_275 = tpu.memref_slice %arg7[%select_n3A_148, %swap3A_272, %swap3A_273, %swap3A_274] : memref<2x50x8x128xf32, #tpu.memory_space<vmem>> -> memref<1x50x8x128xf32, #tpu.memory_space<vmem>>
        %swap3A_276 = tpu.memref_squeeze %swap3A_275 : memref<1x50x8x128xf32, #tpu.memory_space<vmem>> -> memref<50x8x128xf32, #tpu.memory_space<vmem>>
        %swap3A_277 = arith.index_cast %sub3A_216 : i32 to index
        %swap3A_278 = arith.index_cast %select_n3A_213 : i32 to index
        %swap3A_279 = arith.constant 64 : index
        %swap3A_280 = tpu.vector_load %swap3A_276[%swap3A_277, %swap3A_278, %swap3A_279] {strides = array<i32>} : memref<50x8x128xf32, #tpu.memory_space<vmem>>, vector<1x1x16xf32>,
        %swap3A_281 = vector.shape_cast %swap3A_280 : vector<1x1x16xf32> to vector<16xf32>
        %swap3A_282 = vector.shape_cast %add3A_271 : vector<16xf32> to vector<1x1x16xf32>
        tpu.vector_store %swap3A_276[%swap3A_277, %swap3A_278, %swap3A_279], %swap3A_282 {strides = array<i32>} : memref<50x8x128xf32, #tpu.memory_space<vmem>>, vector<1x1x16xf32>,
        %mul3A_283 = arith.mulf %gather3A_218, %sub3A_78 : vector<16xf32>
        %add3A_284 = arith.addf %mul3A_283, %get3A_33 : vector<16xf32>
        %swap3A_285 = arith.constant 0 : i32
        %swap3A_286 = arith.constant 0 : i32
        %swap3A_287 = arith.constant 0 : i32
        %swap3A_288 = tpu.memref_slice %arg7[%select_n3A_148, %swap3A_285, %swap3A_286, %swap3A_287] : memref<2x50x8x128xf32, #tpu.memory_space<vmem>> -> memref<1x50x8x128xf32, #tpu.memory_space<vmem>>
        %swap3A_289 = tpu.memref_squeeze %swap3A_288 : memref<1x50x8x128xf32, #tpu.memory_space<vmem>> -> memref<50x8x128xf32, #tpu.memory_space<vmem>>
        %swap3A_290 = arith.index_cast %sub3A_216 : i32 to index
        %swap3A_291 = arith.index_cast %select_n3A_213 : i32 to index
        %swap3A_292 = arith.constant 80 : index
        %swap3A_293 = tpu.vector_load %swap3A_289[%swap3A_290, %swap3A_291, %swap3A_292] {strides = array<i32>} : memref<50x8x128xf32, #tpu.memory_space<vmem>>, vector<1x1x16xf32>,
        %swap3A_294 = vector.shape_cast %swap3A_293 : vector<1x1x16xf32> to vector<16xf32>
        %swap3A_295 = vector.shape_cast %add3A_284 : vector<16xf32> to vector<1x1x16xf32>
        tpu.vector_store %swap3A_289[%swap3A_290, %swap3A_291, %swap3A_292], %swap3A_295 {strides = array<i32>} : memref<50x8x128xf32, #tpu.memory_space<vmem>>, vector<1x1x16xf32>,
        %mul3A_296 = arith.mulf %gather3A_218, %sub3A_84 : vector<16xf32>
        %add3A_297 = arith.addf %mul3A_296, %get3A_38 : vector<16xf32>
        %swap3A_298 = arith.constant 0 : i32
        %swap3A_299 = arith.constant 0 : i32
        %swap3A_300 = arith.constant 0 : i32
        %swap3A_301 = tpu.memref_slice %arg7[%select_n3A_148, %swap3A_298, %swap3A_299, %swap3A_300] : memref<2x50x8x128xf32, #tpu.memory_space<vmem>> -> memref<1x50x8x128xf32, #tpu.memory_space<vmem>>
        %swap3A_302 = tpu.memref_squeeze %swap3A_301 : memref<1x50x8x128xf32, #tpu.memory_space<vmem>> -> memref<50x8x128xf32, #tpu.memory_space<vmem>>
        %swap3A_303 = arith.index_cast %sub3A_216 : i32 to index
        %swap3A_304 = arith.index_cast %select_n3A_213 : i32 to index
        %swap3A_305 = arith.constant 96 : index
        %swap3A_306 = tpu.vector_load %swap3A_302[%swap3A_303, %swap3A_304, %swap3A_305] {strides = array<i32>} : memref<50x8x128xf32, #tpu.memory_space<vmem>>, vector<1x1x16xf32>,
        %swap3A_307 = vector.shape_cast %swap3A_306 : vector<1x1x16xf32> to vector<16xf32>
        %swap3A_308 = vector.shape_cast %add3A_297 : vector<16xf32> to vector<1x1x16xf32>
        tpu.vector_store %swap3A_302[%swap3A_303, %swap3A_304, %swap3A_305], %swap3A_308 {strides = array<i32>} : memref<50x8x128xf32, #tpu.memory_space<vmem>>, vector<1x1x16xf32>,
        %mul3A_309 = arith.mulf %gather3A_218, %sub3A_90 : vector<16xf32>
        %add3A_310 = arith.addf %mul3A_309, %get3A_43 : vector<16xf32>
        %swap3A_311 = arith.constant 0 : i32
        %swap3A_312 = arith.constant 0 : i32
        %swap3A_313 = arith.constant 0 : i32
        %swap3A_314 = tpu.memref_slice %arg7[%select_n3A_148, %swap3A_311, %swap3A_312, %swap3A_313] : memref<2x50x8x128xf32, #tpu.memory_space<vmem>> -> memref<1x50x8x128xf32, #tpu.memory_space<vmem>>
        %swap3A_315 = tpu.memref_squeeze %swap3A_314 : memref<1x50x8x128xf32, #tpu.memory_space<vmem>> -> memref<50x8x128xf32, #tpu.memory_space<vmem>>
        %swap3A_316 = arith.index_cast %sub3A_216 : i32 to index
        %swap3A_317 = arith.index_cast %select_n3A_213 : i32 to index
        %swap3A_318 = arith.constant 112 : index
        %swap3A_319 = tpu.vector_load %swap3A_315[%swap3A_316, %swap3A_317, %swap3A_318] {strides = array<i32>} : memref<50x8x128xf32, #tpu.memory_space<vmem>>, vector<1x1x16xf32>,
        %swap3A_320 = vector.shape_cast %swap3A_319 : vector<1x1x16xf32> to vector<16xf32>
        %swap3A_321 = vector.shape_cast %add3A_310 : vector<16xf32> to vector<1x1x16xf32>
        tpu.vector_store %swap3A_315[%swap3A_316, %swap3A_317, %swap3A_318], %swap3A_321 {strides = array<i32>} : memref<50x8x128xf32, #tpu.memory_space<vmem>>, vector<1x1x16xf32>,
        %add3A_322 = arith.constant 1 : i32
        %add3A_323 = arith.addi %mul3A_179, %add3A_322 : i32
        %jit3A_324 = arith.constant 50 : i32
        %div3A_325 = arith.divsi %add3A_323, %jit3A_324 : i32
        %sign3A_326 = arith.constant 0 : i32
        %sign3A_327 = arith.cmpi sgt, %add3A_323, %sign3A_326 : i32
        %sign3A_328 = arith.extui %sign3A_327 : i1 to i32
        %sign3A_329 = arith.constant 0 : i32
        %sign3A_330 = arith.cmpi slt, %add3A_323, %sign3A_329 : i32
        %sign3A_331 = arith.extui %sign3A_330 : i1 to i32
        %sign3A_332 = arith.subi %sign3A_328, %sign3A_331 : i32
        %sign3A_333 = arith.constant 0 : i32
        %sign3A_334 = arith.cmpi sgt, %jit3A_324, %sign3A_333 : i32
        %sign3A_335 = arith.extui %sign3A_334 : i1 to i32
        %sign3A_336 = arith.constant 0 : i32
        %sign3A_337 = arith.cmpi slt, %jit3A_324, %sign3A_336 : i32
        %sign3A_338 = arith.extui %sign3A_337 : i1 to i32
        %sign3A_339 = arith.subi %sign3A_335, %sign3A_338 : i32
        %ne3A_340 = arith.cmpi ne, %sign3A_332, %sign3A_339 : i32
        %rem3A_341 = arith.remsi %add3A_323, %jit3A_324 : i32
        %ne3A_342 = arith.constant 0 : i32
        %ne3A_343 = arith.cmpi ne, %rem3A_341, %ne3A_342 : i32
        %and3A_344 = arith.andi %ne3A_340, %ne3A_343 : i1
        %sub3A_345 = arith.constant 1 : i32
        %sub3A_346 = arith.subi %div3A_325, %sub3A_345 : i32
        %select_n3A_347 = arith.select %and3A_344, %sub3A_346, %div3A_325 : i32
        %mul3A_348 = arith.constant 50 : i32
        %mul3A_349 = arith.muli %select_n3A_347, %mul3A_348 : i32
        %sub3A_350 = arith.subi %add3A_323, %mul3A_349 : i32
        %broadcast_in_dim3A_351 = arith.constant 1 : i32
        %broadcast_in_dim3A_352 = vector.broadcast %broadcast_in_dim3A_351 : i32 to vector<16x1xi32>
        %gather3A_353 = vector.shape_cast %broadcast_in_dim3A_352 : vector<16x1xi32> to vector<16xi32>
        %gather3A_354 = tpu.dynamic_gather %convert_element_type3A_189[%gather3A_353] in [0] : vector<16xf32>, vector<16xi32> -> vector<16xf32>
        %mul3A_355 = arith.mulf %gather3A_354, %sub3A : vector<16xf32>
        %add3A_356 = arith.addf %mul3A_355, %get3A_8 : vector<16xf32>
        %swap3A_357 = arith.constant 0 : i32
        %swap3A_358 = arith.constant 0 : i32
        %swap3A_359 = arith.constant 0 : i32
        %swap3A_360 = tpu.memref_slice %arg7[%select_n3A_148, %swap3A_357, %swap3A_358, %swap3A_359] : memref<2x50x8x128xf32, #tpu.memory_space<vmem>> -> memref<1x50x8x128xf32, #tpu.memory_space<vmem>>
        %swap3A_361 = tpu.memref_squeeze %swap3A_360 : memref<1x50x8x128xf32, #tpu.memory_space<vmem>> -> memref<50x8x128xf32, #tpu.memory_space<vmem>>
        %swap3A_362 = arith.index_cast %sub3A_350 : i32 to index
        %swap3A_363 = arith.index_cast %select_n3A_347 : i32 to index
        %swap3A_364 = arith.constant 0 : index
        %swap3A_365 = tpu.vector_load %swap3A_361[%swap3A_362, %swap3A_363, %swap3A_364] {strides = array<i32>} : memref<50x8x128xf32, #tpu.memory_space<vmem>>, vector<1x1x16xf32>,
        %swap3A_366 = vector.shape_cast %swap3A_365 : vector<1x1x16xf32> to vector<16xf32>
        %swap3A_367 = vector.shape_cast %add3A_356 : vector<16xf32> to vector<1x1x16xf32>
        tpu.vector_store %swap3A_361[%swap3A_362, %swap3A_363, %swap3A_364], %swap3A_367 {strides = array<i32>} : memref<50x8x128xf32, #tpu.memory_space<vmem>>, vector<1x1x16xf32>,
        %mul3A_368 = arith.mulf %gather3A_354, %sub3A_54 : vector<16xf32>
        %add3A_369 = arith.addf %mul3A_368, %get3A_13 : vector<16xf32>
        %swap3A_370 = arith.constant 0 : i32
        %swap3A_371 = arith.constant 0 : i32
        %swap3A_372 = arith.constant 0 : i32
        %swap3A_373 = tpu.memref_slice %arg7[%select_n3A_148, %swap3A_370, %swap3A_371, %swap3A_372] : memref<2x50x8x128xf32, #tpu.memory_space<vmem>> -> memref<1x50x8x128xf32, #tpu.memory_space<vmem>>
        %swap3A_374 = tpu.memref_squeeze %swap3A_373 : memref<1x50x8x128xf32, #tpu.memory_space<vmem>> -> memref<50x8x128xf32, #tpu.memory_space<vmem>>
        %swap3A_375 = arith.index_cast %sub3A_350 : i32 to index
        %swap3A_376 = arith.index_cast %select_n3A_347 : i32 to index
        %swap3A_377 = arith.constant 16 : index
        %swap3A_378 = tpu.vector_load %swap3A_374[%swap3A_375, %swap3A_376, %swap3A_377] {strides = array<i32>} : memref<50x8x128xf32, #tpu.memory_space<vmem>>, vector<1x1x16xf32>,
        %swap3A_379 = vector.shape_cast %swap3A_378 : vector<1x1x16xf32> to vector<16xf32>
        %swap3A_380 = vector.shape_cast %add3A_369 : vector<16xf32> to vector<1x1x16xf32>
        tpu.vector_store %swap3A_374[%swap3A_375, %swap3A_376, %swap3A_377], %swap3A_380 {strides = array<i32>} : memref<50x8x128xf32, #tpu.memory_space<vmem>>, vector<1x1x16xf32>,
        %mul3A_381 = arith.mulf %gather3A_354, %sub3A_60 : vector<16xf32>
        %add3A_382 = arith.addf %mul3A_381, %get3A_18 : vector<16xf32>
        %swap3A_383 = arith.constant 0 : i32
        %swap3A_384 = arith.constant 0 : i32
        %swap3A_385 = arith.constant 0 : i32
        %swap3A_386 = tpu.memref_slice %arg7[%select_n3A_148, %swap3A_383, %swap3A_384, %swap3A_385] : memref<2x50x8x128xf32, #tpu.memory_space<vmem>> -> memref<1x50x8x128xf32, #tpu.memory_space<vmem>>
        %swap3A_387 = tpu.memref_squeeze %swap3A_386 : memref<1x50x8x128xf32, #tpu.memory_space<vmem>> -> memref<50x8x128xf32, #tpu.memory_space<vmem>>
        %swap3A_388 = arith.index_cast %sub3A_350 : i32 to index
        %swap3A_389 = arith.index_cast %select_n3A_347 : i32 to index
        %swap3A_390 = arith.constant 32 : index
        %swap3A_391 = tpu.vector_load %swap3A_387[%swap3A_388, %swap3A_389, %swap3A_390] {strides = array<i32>} : memref<50x8x128xf32, #tpu.memory_space<vmem>>, vector<1x1x16xf32>,
        %swap3A_392 = vector.shape_cast %swap3A_391 : vector<1x1x16xf32> to vector<16xf32>
        %swap3A_393 = vector.shape_cast %add3A_382 : vector<16xf32> to vector<1x1x16xf32>
        tpu.vector_store %swap3A_387[%swap3A_388, %swap3A_389, %swap3A_390], %swap3A_393 {strides = array<i32>} : memref<50x8x128xf32, #tpu.memory_space<vmem>>, vector<1x1x16xf32>,
        %mul3A_394 = arith.mulf %gather3A_354, %sub3A_66 : vector<16xf32>
        %add3A_395 = arith.addf %mul3A_394, %get3A_23 : vector<16xf32>
        %swap3A_396 = arith.constant 0 : i32
        %swap3A_397 = arith.constant 0 : i32
        %swap3A_398 = arith.constant 0 : i32
        %swap3A_399 = tpu.memref_slice %arg7[%select_n3A_148, %swap3A_396, %swap3A_397, %swap3A_398] : memref<2x50x8x128xf32, #tpu.memory_space<vmem>> -> memref<1x50x8x128xf32, #tpu.memory_space<vmem>>
        %swap3A_400 = tpu.memref_squeeze %swap3A_399 : memref<1x50x8x128xf32, #tpu.memory_space<vmem>> -> memref<50x8x128xf32, #tpu.memory_space<vmem>>
        %swap3A_401 = arith.index_cast %sub3A_350 : i32 to index
        %swap3A_402 = arith.index_cast %select_n3A_347 : i32 to index
        %swap3A_403 = arith.constant 48 : index
        %swap3A_404 = tpu.vector_load %swap3A_400[%swap3A_401, %swap3A_402, %swap3A_403] {strides = array<i32>} : memref<50x8x128xf32, #tpu.memory_space<vmem>>, vector<1x1x16xf32>,
        %swap3A_405 = vector.shape_cast %swap3A_404 : vector<1x1x16xf32> to vector<16xf32>
        %swap3A_406 = vector.shape_cast %add3A_395 : vector<16xf32> to vector<1x1x16xf32>
        tpu.vector_store %swap3A_400[%swap3A_401, %swap3A_402, %swap3A_403], %swap3A_406 {strides = array<i32>} : memref<50x8x128xf32, #tpu.memory_space<vmem>>, vector<1x1x16xf32>,
        %mul3A_407 = arith.mulf %gather3A_354, %sub3A_72 : vector<16xf32>
        %add3A_408 = arith.addf %mul3A_407, %get3A_28 : vector<16xf32>
        %swap3A_409 = arith.constant 0 : i32
        %swap3A_410 = arith.constant 0 : i32
        %swap3A_411 = arith.constant 0 : i32
        %swap3A_412 = tpu.memref_slice %arg7[%select_n3A_148, %swap3A_409, %swap3A_410, %swap3A_411] : memref<2x50x8x128xf32, #tpu.memory_space<vmem>> -> memref<1x50x8x128xf32, #tpu.memory_space<vmem>>
        %swap3A_413 = tpu.memref_squeeze %swap3A_412 : memref<1x50x8x128xf32, #tpu.memory_space<vmem>> -> memref<50x8x128xf32, #tpu.memory_space<vmem>>
        %swap3A_414 = arith.index_cast %sub3A_350 : i32 to index
        %swap3A_415 = arith.index_cast %select_n3A_347 : i32 to index
        %swap3A_416 = arith.constant 64 : index
        %swap3A_417 = tpu.vector_load %swap3A_413[%swap3A_414, %swap3A_415, %swap3A_416] {strides = array<i32>} : memref<50x8x128xf32, #tpu.memory_space<vmem>>, vector<1x1x16xf32>,
        %swap3A_418 = vector.shape_cast %swap3A_417 : vector<1x1x16xf32> to vector<16xf32>
        %swap3A_419 = vector.shape_cast %add3A_408 : vector<16xf32> to vector<1x1x16xf32>
        tpu.vector_store %swap3A_413[%swap3A_414, %swap3A_415, %swap3A_416], %swap3A_419 {strides = array<i32>} : memref<50x8x128xf32, #tpu.memory_space<vmem>>, vector<1x1x16xf32>,
        %mul3A_420 = arith.mulf %gather3A_354, %sub3A_78 : vector<16xf32>
        %add3A_421 = arith.addf %mul3A_420, %get3A_33 : vector<16xf32>
        %swap3A_422 = arith.constant 0 : i32
        %swap3A_423 = arith.constant 0 : i32
        %swap3A_424 = arith.constant 0 : i32
        %swap3A_425 = tpu.memref_slice %arg7[%select_n3A_148, %swap3A_422, %swap3A_423, %swap3A_424] : memref<2x50x8x128xf32, #tpu.memory_space<vmem>> -> memref<1x50x8x128xf32, #tpu.memory_space<vmem>>
        %swap3A_426 = tpu.memref_squeeze %swap3A_425 : memref<1x50x8x128xf32, #tpu.memory_space<vmem>> -> memref<50x8x128xf32, #tpu.memory_space<vmem>>
        %swap3A_427 = arith.index_cast %sub3A_350 : i32 to index
        %swap3A_428 = arith.index_cast %select_n3A_347 : i32 to index
        %swap3A_429 = arith.constant 80 : index
        %swap3A_430 = tpu.vector_load %swap3A_426[%swap3A_427, %swap3A_428, %swap3A_429] {strides = array<i32>} : memref<50x8x128xf32, #tpu.memory_space<vmem>>, vector<1x1x16xf32>,
        %swap3A_431 = vector.shape_cast %swap3A_430 : vector<1x1x16xf32> to vector<16xf32>
        %swap3A_432 = vector.shape_cast %add3A_421 : vector<16xf32> to vector<1x1x16xf32>
        tpu.vector_store %swap3A_426[%swap3A_427, %swap3A_428, %swap3A_429], %swap3A_432 {strides = array<i32>} : memref<50x8x128xf32, #tpu.memory_space<vmem>>, vector<1x1x16xf32>,
        %mul3A_433 = arith.mulf %gather3A_354, %sub3A_84 : vector<16xf32>
        %add3A_434 = arith.addf %mul3A_433, %get3A_38 : vector<16xf32>
        %swap3A_435 = arith.constant 0 : i32
        %swap3A_436 = arith.constant 0 : i32
        %swap3A_437 = arith.constant 0 : i32
        %swap3A_438 = tpu.memref_slice %arg7[%select_n3A_148, %swap3A_435, %swap3A_436, %swap3A_437] : memref<2x50x8x128xf32, #tpu.memory_space<vmem>> -> memref<1x50x8x128xf32, #tpu.memory_space<vmem>>
        %swap3A_439 = tpu.memref_squeeze %swap3A_438 : memref<1x50x8x128xf32, #tpu.memory_space<vmem>> -> memref<50x8x128xf32, #tpu.memory_space<vmem>>
        %swap3A_440 = arith.index_cast %sub3A_350 : i32 to index
        %swap3A_441 = arith.index_cast %select_n3A_347 : i32 to index
        %swap3A_442 = arith.constant 96 : index
        %swap3A_443 = tpu.vector_load %swap3A_439[%swap3A_440, %swap3A_441, %swap3A_442] {strides = array<i32>} : memref<50x8x128xf32, #tpu.memory_space<vmem>>, vector<1x1x16xf32>,
        %swap3A_444 = vector.shape_cast %swap3A_443 : vector<1x1x16xf32> to vector<16xf32>
        %swap3A_445 = vector.shape_cast %add3A_434 : vector<16xf32> to vector<1x1x16xf32>
        tpu.vector_store %swap3A_439[%swap3A_440, %swap3A_441, %swap3A_442], %swap3A_445 {strides = array<i32>} : memref<50x8x128xf32, #tpu.memory_space<vmem>>, vector<1x1x16xf32>,
        %mul3A_446 = arith.mulf %gather3A_354, %sub3A_90 : vector<16xf32>
        %add3A_447 = arith.addf %mul3A_446, %get3A_43 : vector<16xf32>
        %swap3A_448 = arith.constant 0 : i32
        %swap3A_449 = arith.constant 0 : i32
        %swap3A_450 = arith.constant 0 : i32
        %swap3A_451 = tpu.memref_slice %arg7[%select_n3A_148, %swap3A_448, %swap3A_449, %swap3A_450] : memref<2x50x8x128xf32, #tpu.memory_space<vmem>> -> memref<1x50x8x128xf32, #tpu.memory_space<vmem>>
        %swap3A_452 = tpu.memref_squeeze %swap3A_451 : memref<1x50x8x128xf32, #tpu.memory_space<vmem>> -> memref<50x8x128xf32, #tpu.memory_space<vmem>>
        %swap3A_453 = arith.index_cast %sub3A_350 : i32 to index
        %swap3A_454 = arith.index_cast %select_n3A_347 : i32 to index
        %swap3A_455 = arith.constant 112 : index
        %swap3A_456 = tpu.vector_load %swap3A_452[%swap3A_453, %swap3A_454, %swap3A_455] {strides = array<i32>} : memref<50x8x128xf32, #tpu.memory_space<vmem>>, vector<1x1x16xf32>,
        %swap3A_457 = vector.shape_cast %swap3A_456 : vector<1x1x16xf32> to vector<16xf32>
        %swap3A_458 = vector.shape_cast %add3A_447 : vector<16xf32> to vector<1x1x16xf32>
        tpu.vector_store %swap3A_452[%swap3A_453, %swap3A_454, %swap3A_455], %swap3A_458 {strides = array<i32>} : memref<50x8x128xf32, #tpu.memory_space<vmem>>, vector<1x1x16xf32>,
        %add3A_459 = arith.constant 2 : i32
        %add3A_460 = arith.addi %mul3A_179, %add3A_459 : i32
        %jit3A_461 = arith.constant 50 : i32
        %div3A_462 = arith.divsi %add3A_460, %jit3A_461 : i32
        %sign3A_463 = arith.constant 0 : i32
        %sign3A_464 = arith.cmpi sgt, %add3A_460, %sign3A_463 : i32
        %sign3A_465 = arith.extui %sign3A_464 : i1 to i32
        %sign3A_466 = arith.constant 0 : i32
        %sign3A_467 = arith.cmpi slt, %add3A_460, %sign3A_466 : i32
        %sign3A_468 = arith.extui %sign3A_467 : i1 to i32
        %sign3A_469 = arith.subi %sign3A_465, %sign3A_468 : i32
        %sign3A_470 = arith.constant 0 : i32
        %sign3A_471 = arith.cmpi sgt, %jit3A_461, %sign3A_470 : i32
        %sign3A_472 = arith.extui %sign3A_471 : i1 to i32
        %sign3A_473 = arith.constant 0 : i32
        %sign3A_474 = arith.cmpi slt, %jit3A_461, %sign3A_473 : i32
        %sign3A_475 = arith.extui %sign3A_474 : i1 to i32
        %sign3A_476 = arith.subi %sign3A_472, %sign3A_475 : i32
        %ne3A_477 = arith.cmpi ne, %sign3A_469, %sign3A_476 : i32
        %rem3A_478 = arith.remsi %add3A_460, %jit3A_461 : i32
        %ne3A_479 = arith.constant 0 : i32
        %ne3A_480 = arith.cmpi ne, %rem3A_478, %ne3A_479 : i32
        %and3A_481 = arith.andi %ne3A_477, %ne3A_480 : i1
        %sub3A_482 = arith.constant 1 : i32
        %sub3A_483 = arith.subi %div3A_462, %sub3A_482 : i32
        %select_n3A_484 = arith.select %and3A_481, %sub3A_483, %div3A_462 : i32
        %mul3A_485 = arith.constant 50 : i32
        %mul3A_486 = arith.muli %select_n3A_484, %mul3A_485 : i32
        %sub3A_487 = arith.subi %add3A_460, %mul3A_486 : i32
        %broadcast_in_dim3A_488 = arith.constant 2 : i32
        %broadcast_in_dim3A_489 = vector.broadcast %broadcast_in_dim3A_488 : i32 to vector<16x1xi32>
        %gather3A_490 = vector.shape_cast %broadcast_in_dim3A_489 : vector<16x1xi32> to vector<16xi32>
        %gather3A_491 = tpu.dynamic_gather %convert_element_type3A_189[%gather3A_490] in [0] : vector<16xf32>, vector<16xi32> -> vector<16xf32>
        %mul3A_492 = arith.mulf %gather3A_491, %sub3A : vector<16xf32>
        %add3A_493 = arith.addf %mul3A_492, %get3A_8 : vector<16xf32>
        %swap3A_494 = arith.constant 0 : i32
        %swap3A_495 = arith.constant 0 : i32
        %swap3A_496 = arith.constant 0 : i32
        %swap3A_497 = tpu.memref_slice %arg7[%select_n3A_148, %swap3A_494, %swap3A_495, %swap3A_496] : memref<2x50x8x128xf32, #tpu.memory_space<vmem>> -> memref<1x50x8x128xf32, #tpu.memory_space<vmem>>
        %swap3A_498 = tpu.memref_squeeze %swap3A_497 : memref<1x50x8x128xf32, #tpu.memory_space<vmem>> -> memref<50x8x128xf32, #tpu.memory_space<vmem>>
        %swap3A_499 = arith.index_cast %sub3A_487 : i32 to index
        %swap3A_500 = arith.index_cast %select_n3A_484 : i32 to index
        %swap3A_501 = arith.constant 0 : index
        %swap3A_502 = tpu.vector_load %swap3A_498[%swap3A_499, %swap3A_500, %swap3A_501] {strides = array<i32>} : memref<50x8x128xf32, #tpu.memory_space<vmem>>, vector<1x1x16xf32>,
        %swap3A_503 = vector.shape_cast %swap3A_502 : vector<1x1x16xf32> to vector<16xf32>
        %swap3A_504 = vector.shape_cast %add3A_493 : vector<16xf32> to vector<1x1x16xf32>
        tpu.vector_store %swap3A_498[%swap3A_499, %swap3A_500, %swap3A_501], %swap3A_504 {strides = array<i32>} : memref<50x8x128xf32, #tpu.memory_space<vmem>>, vector<1x1x16xf32>,
        %mul3A_505 = arith.mulf %gather3A_491, %sub3A_54 : vector<16xf32>
        %add3A_506 = arith.addf %mul3A_505, %get3A_13 : vector<16xf32>
        %swap3A_507 = arith.constant 0 : i32
        %swap3A_508 = arith.constant 0 : i32
        %swap3A_509 = arith.constant 0 : i32
        %swap3A_510 = tpu.memref_slice %arg7[%select_n3A_148, %swap3A_507, %swap3A_508, %swap3A_509] : memref<2x50x8x128xf32, #tpu.memory_space<vmem>> -> memref<1x50x8x128xf32, #tpu.memory_space<vmem>>
        %swap3A_511 = tpu.memref_squeeze %swap3A_510 : memref<1x50x8x128xf32, #tpu.memory_space<vmem>> -> memref<50x8x128xf32, #tpu.memory_space<vmem>>
        %swap3A_512 = arith.index_cast %sub3A_487 : i32 to index
        %swap3A_513 = arith.index_cast %select_n3A_484 : i32 to index
        %swap3A_514 = arith.constant 16 : index
        %swap3A_515 = tpu.vector_load %swap3A_511[%swap3A_512, %swap3A_513, %swap3A_514] {strides = array<i32>} : memref<50x8x128xf32, #tpu.memory_space<vmem>>, vector<1x1x16xf32>,
        %swap3A_516 = vector.shape_cast %swap3A_515 : vector<1x1x16xf32> to vector<16xf32>
        %swap3A_517 = vector.shape_cast %add3A_506 : vector<16xf32> to vector<1x1x16xf32>
        tpu.vector_store %swap3A_511[%swap3A_512, %swap3A_513, %swap3A_514], %swap3A_517 {strides = array<i32>} : memref<50x8x128xf32, #tpu.memory_space<vmem>>, vector<1x1x16xf32>,
        %mul3A_518 = arith.mulf %gather3A_491, %sub3A_60 : vector<16xf32>
        %add3A_519 = arith.addf %mul3A_518, %get3A_18 : vector<16xf32>
        %swap3A_520 = arith.constant 0 : i32
        %swap3A_521 = arith.constant 0 : i32
        %swap3A_522 = arith.constant 0 : i32
        %swap3A_523 = tpu.memref_slice %arg7[%select_n3A_148, %swap3A_520, %swap3A_521, %swap3A_522] : memref<2x50x8x128xf32, #tpu.memory_space<vmem>> -> memref<1x50x8x128xf32, #tpu.memory_space<vmem>>
        %swap3A_524 = tpu.memref_squeeze %swap3A_523 : memref<1x50x8x128xf32, #tpu.memory_space<vmem>> -> memref<50x8x128xf32, #tpu.memory_space<vmem>>
        %swap3A_525 = arith.index_cast %sub3A_487 : i32 to index
        %swap3A_526 = arith.index_cast %select_n3A_484 : i32 to index
        %swap3A_527 = arith.constant 32 : index
        %swap3A_528 = tpu.vector_load %swap3A_524[%swap3A_525, %swap3A_526, %swap3A_527] {strides = array<i32>} : memref<50x8x128xf32, #tpu.memory_space<vmem>>, vector<1x1x16xf32>,
        %swap3A_529 = vector.shape_cast %swap3A_528 : vector<1x1x16xf32> to vector<16xf32>
        %swap3A_530 = vector.shape_cast %add3A_519 : vector<16xf32> to vector<1x1x16xf32>
        tpu.vector_store %swap3A_524[%swap3A_525, %swap3A_526, %swap3A_527], %swap3A_530 {strides = array<i32>} : memref<50x8x128xf32, #tpu.memory_space<vmem>>, vector<1x1x16xf32>,
        %mul3A_531 = arith.mulf %gather3A_491, %sub3A_66 : vector<16xf32>
        %add3A_532 = arith.addf %mul3A_531, %get3A_23 : vector<16xf32>
        %swap3A_533 = arith.constant 0 : i32
        %swap3A_534 = arith.constant 0 : i32
        %swap3A_535 = arith.constant 0 : i32
        %swap3A_536 = tpu.memref_slice %arg7[%select_n3A_148, %swap3A_533, %swap3A_534, %swap3A_535] : memref<2x50x8x128xf32, #tpu.memory_space<vmem>> -> memref<1x50x8x128xf32, #tpu.memory_space<vmem>>
        %swap3A_537 = tpu.memref_squeeze %swap3A_536 : memref<1x50x8x128xf32, #tpu.memory_space<vmem>> -> memref<50x8x128xf32, #tpu.memory_space<vmem>>
        %swap3A_538 = arith.index_cast %sub3A_487 : i32 to index
        %swap3A_539 = arith.index_cast %select_n3A_484 : i32 to index
        %swap3A_540 = arith.constant 48 : index
        %swap3A_541 = tpu.vector_load %swap3A_537[%swap3A_538, %swap3A_539, %swap3A_540] {strides = array<i32>} : memref<50x8x128xf32, #tpu.memory_space<vmem>>, vector<1x1x16xf32>,
        %swap3A_542 = vector.shape_cast %swap3A_541 : vector<1x1x16xf32> to vector<16xf32>
        %swap3A_543 = vector.shape_cast %add3A_532 : vector<16xf32> to vector<1x1x16xf32>
        tpu.vector_store %swap3A_537[%swap3A_538, %swap3A_539, %swap3A_540], %swap3A_543 {strides = array<i32>} : memref<50x8x128xf32, #tpu.memory_space<vmem>>, vector<1x1x16xf32>,
        %mul3A_544 = arith.mulf %gather3A_491, %sub3A_72 : vector<16xf32>
        %add3A_545 = arith.addf %mul3A_544, %get3A_28 : vector<16xf32>
        %swap3A_546 = arith.constant 0 : i32
        %swap3A_547 = arith.constant 0 : i32
        %swap3A_548 = arith.constant 0 : i32
        %swap3A_549 = tpu.memref_slice %arg7[%select_n3A_148, %swap3A_546, %swap3A_547, %swap3A_548] : memref<2x50x8x128xf32, #tpu.memory_space<vmem>> -> memref<1x50x8x128xf32, #tpu.memory_space<vmem>>
        %swap3A_550 = tpu.memref_squeeze %swap3A_549 : memref<1x50x8x128xf32, #tpu.memory_space<vmem>> -> memref<50x8x128xf32, #tpu.memory_space<vmem>>
        %swap3A_551 = arith.index_cast %sub3A_487 : i32 to index
        %swap3A_552 = arith.index_cast %select_n3A_484 : i32 to index
        %swap3A_553 = arith.constant 64 : index
        %swap3A_554 = tpu.vector_load %swap3A_550[%swap3A_551, %swap3A_552, %swap3A_553] {strides = array<i32>} : memref<50x8x128xf32, #tpu.memory_space<vmem>>, vector<1x1x16xf32>,
        %swap3A_555 = vector.shape_cast %swap3A_554 : vector<1x1x16xf32> to vector<16xf32>
        %swap3A_556 = vector.shape_cast %add3A_545 : vector<16xf32> to vector<1x1x16xf32>
        tpu.vector_store %swap3A_550[%swap3A_551, %swap3A_552, %swap3A_553], %swap3A_556 {strides = array<i32>} : memref<50x8x128xf32, #tpu.memory_space<vmem>>, vector<1x1x16xf32>,
        %mul3A_557 = arith.mulf %gather3A_491, %sub3A_78 : vector<16xf32>
        %add3A_558 = arith.addf %mul3A_557, %get3A_33 : vector<16xf32>
        %swap3A_559 = arith.constant 0 : i32
        %swap3A_560 = arith.constant 0 : i32
        %swap3A_561 = arith.constant 0 : i32
        %swap3A_562 = tpu.memref_slice %arg7[%select_n3A_148, %swap3A_559, %swap3A_560, %swap3A_561] : memref<2x50x8x128xf32, #tpu.memory_space<vmem>> -> memref<1x50x8x128xf32, #tpu.memory_space<vmem>>
        %swap3A_563 = tpu.memref_squeeze %swap3A_562 : memref<1x50x8x128xf32, #tpu.memory_space<vmem>> -> memref<50x8x128xf32, #tpu.memory_space<vmem>>
        %swap3A_564 = arith.index_cast %sub3A_487 : i32 to index
        %swap3A_565 = arith.index_cast %select_n3A_484 : i32 to index
        %swap3A_566 = arith.constant 80 : index
        %swap3A_567 = tpu.vector_load %swap3A_563[%swap3A_564, %swap3A_565, %swap3A_566] {strides = array<i32>} : memref<50x8x128xf32, #tpu.memory_space<vmem>>, vector<1x1x16xf32>,
        %swap3A_568 = vector.shape_cast %swap3A_567 : vector<1x1x16xf32> to vector<16xf32>
        %swap3A_569 = vector.shape_cast %add3A_558 : vector<16xf32> to vector<1x1x16xf32>
        tpu.vector_store %swap3A_563[%swap3A_564, %swap3A_565, %swap3A_566], %swap3A_569 {strides = array<i32>} : memref<50x8x128xf32, #tpu.memory_space<vmem>>, vector<1x1x16xf32>,
        %mul3A_570 = arith.mulf %gather3A_491, %sub3A_84 : vector<16xf32>
        %add3A_571 = arith.addf %mul3A_570, %get3A_38 : vector<16xf32>
        %swap3A_572 = arith.constant 0 : i32
        %swap3A_573 = arith.constant 0 : i32
        %swap3A_574 = arith.constant 0 : i32
        %swap3A_575 = tpu.memref_slice %arg7[%select_n3A_148, %swap3A_572, %swap3A_573, %swap3A_574] : memref<2x50x8x128xf32, #tpu.memory_space<vmem>> -> memref<1x50x8x128xf32, #tpu.memory_space<vmem>>
        %swap3A_576 = tpu.memref_squeeze %swap3A_575 : memref<1x50x8x128xf32, #tpu.memory_space<vmem>> -> memref<50x8x128xf32, #tpu.memory_space<vmem>>
        %swap3A_577 = arith.index_cast %sub3A_487 : i32 to index
        %swap3A_578 = arith.index_cast %select_n3A_484 : i32 to index
        %swap3A_579 = arith.constant 96 : index
        %swap3A_580 = tpu.vector_load %swap3A_576[%swap3A_577, %swap3A_578, %swap3A_579] {strides = array<i32>} : memref<50x8x128xf32, #tpu.memory_space<vmem>>, vector<1x1x16xf32>,
        %swap3A_581 = vector.shape_cast %swap3A_580 : vector<1x1x16xf32> to vector<16xf32>
        %swap3A_582 = vector.shape_cast %add3A_571 : vector<16xf32> to vector<1x1x16xf32>
        tpu.vector_store %swap3A_576[%swap3A_577, %swap3A_578, %swap3A_579], %swap3A_582 {strides = array<i32>} : memref<50x8x128xf32, #tpu.memory_space<vmem>>, vector<1x1x16xf32>,
        %mul3A_583 = arith.mulf %gather3A_491, %sub3A_90 : vector<16xf32>
        %add3A_584 = arith.addf %mul3A_583, %get3A_43 : vector<16xf32>
        %swap3A_585 = arith.constant 0 : i32
        %swap3A_586 = arith.constant 0 : i32
        %swap3A_587 = arith.constant 0 : i32
        %swap3A_588 = tpu.memref_slice %arg7[%select_n3A_148, %swap3A_585, %swap3A_586, %swap3A_587] : memref<2x50x8x128xf32, #tpu.memory_space<vmem>> -> memref<1x50x8x128xf32, #tpu.memory_space<vmem>>
        %swap3A_589 = tpu.memref_squeeze %swap3A_588 : memref<1x50x8x128xf32, #tpu.memory_space<vmem>> -> memref<50x8x128xf32, #tpu.memory_space<vmem>>
        %swap3A_590 = arith.index_cast %sub3A_487 : i32 to index
        %swap3A_591 = arith.index_cast %select_n3A_484 : i32 to index
        %swap3A_592 = arith.constant 112 : index
        %swap3A_593 = tpu.vector_load %swap3A_589[%swap3A_590, %swap3A_591, %swap3A_592] {strides = array<i32>} : memref<50x8x128xf32, #tpu.memory_space<vmem>>, vector<1x1x16xf32>,
        %swap3A_594 = vector.shape_cast %swap3A_593 : vector<1x1x16xf32> to vector<16xf32>
        %swap3A_595 = vector.shape_cast %add3A_584 : vector<16xf32> to vector<1x1x16xf32>
        tpu.vector_store %swap3A_589[%swap3A_590, %swap3A_591, %swap3A_592], %swap3A_595 {strides = array<i32>} : memref<50x8x128xf32, #tpu.memory_space<vmem>>, vector<1x1x16xf32>,
        %add3A_596 = arith.constant 3 : i32
        %add3A_597 = arith.addi %mul3A_179, %add3A_596 : i32
        %jit3A_598 = arith.constant 50 : i32
        %div3A_599 = arith.divsi %add3A_597, %jit3A_598 : i32
        %sign3A_600 = arith.constant 0 : i32
        %sign3A_601 = arith.cmpi sgt, %add3A_597, %sign3A_600 : i32
        %sign3A_602 = arith.extui %sign3A_601 : i1 to i32
        %sign3A_603 = arith.constant 0 : i32
        %sign3A_604 = arith.cmpi slt, %add3A_597, %sign3A_603 : i32
        %sign3A_605 = arith.extui %sign3A_604 : i1 to i32
        %sign3A_606 = arith.subi %sign3A_602, %sign3A_605 : i32
        %sign3A_607 = arith.constant 0 : i32
        %sign3A_608 = arith.cmpi sgt, %jit3A_598, %sign3A_607 : i32
        %sign3A_609 = arith.extui %sign3A_608 : i1 to i32
        %sign3A_610 = arith.constant 0 : i32
        %sign3A_611 = arith.cmpi slt, %jit3A_598, %sign3A_610 : i32
        %sign3A_612 = arith.extui %sign3A_611 : i1 to i32
        %sign3A_613 = arith.subi %sign3A_609, %sign3A_612 : i32
        %ne3A_614 = arith.cmpi ne, %sign3A_606, %sign3A_613 : i32
        %rem3A_615 = arith.remsi %add3A_597, %jit3A_598 : i32
        %ne3A_616 = arith.constant 0 : i32
        %ne3A_617 = arith.cmpi ne, %rem3A_615, %ne3A_616 : i32
        %and3A_618 = arith.andi %ne3A_614, %ne3A_617 : i1
        %sub3A_619 = arith.constant 1 : i32
        %sub3A_620 = arith.subi %div3A_599, %sub3A_619 : i32
        %select_n3A_621 = arith.select %and3A_618, %sub3A_620, %div3A_599 : i32
        %mul3A_622 = arith.constant 50 : i32
        %mul3A_623 = arith.muli %select_n3A_621, %mul3A_622 : i32
        %sub3A_624 = arith.subi %add3A_597, %mul3A_623 : i32
        %broadcast_in_dim3A_625 = arith.constant 3 : i32
        %broadcast_in_dim3A_626 = vector.broadcast %broadcast_in_dim3A_625 : i32 to vector<16x1xi32>
        %gather3A_627 = vector.shape_cast %broadcast_in_dim3A_626 : vector<16x1xi32> to vector<16xi32>
        %gather3A_628 = tpu.dynamic_gather %convert_element_type3A_189[%gather3A_627] in [0] : vector<16xf32>, vector<16xi32> -> vector<16xf32>
        %mul3A_629 = arith.mulf %gather3A_628, %sub3A : vector<16xf32>
        %add3A_630 = arith.addf %mul3A_629, %get3A_8 : vector<16xf32>
        %swap3A_631 = arith.constant 0 : i32
        %swap3A_632 = arith.constant 0 : i32
        %swap3A_633 = arith.constant 0 : i32
        %swap3A_634 = tpu.memref_slice %arg7[%select_n3A_148, %swap3A_631, %swap3A_632, %swap3A_633] : memref<2x50x8x128xf32, #tpu.memory_space<vmem>> -> memref<1x50x8x128xf32, #tpu.memory_space<vmem>>
        %swap3A_635 = tpu.memref_squeeze %swap3A_634 : memref<1x50x8x128xf32, #tpu.memory_space<vmem>> -> memref<50x8x128xf32, #tpu.memory_space<vmem>>
        %swap3A_636 = arith.index_cast %sub3A_624 : i32 to index
        %swap3A_637 = arith.index_cast %select_n3A_621 : i32 to index
        %swap3A_638 = arith.constant 0 : index
        %swap3A_639 = tpu.vector_load %swap3A_635[%swap3A_636, %swap3A_637, %swap3A_638] {strides = array<i32>} : memref<50x8x128xf32, #tpu.memory_space<vmem>>, vector<1x1x16xf32>,
        %swap3A_640 = vector.shape_cast %swap3A_639 : vector<1x1x16xf32> to vector<16xf32>
        %swap3A_641 = vector.shape_cast %add3A_630 : vector<16xf32> to vector<1x1x16xf32>
        tpu.vector_store %swap3A_635[%swap3A_636, %swap3A_637, %swap3A_638], %swap3A_641 {strides = array<i32>} : memref<50x8x128xf32, #tpu.memory_space<vmem>>, vector<1x1x16xf32>,
        %mul3A_642 = arith.mulf %gather3A_628, %sub3A_54 : vector<16xf32>
        %add3A_643 = arith.addf %mul3A_642, %get3A_13 : vector<16xf32>
        %swap3A_644 = arith.constant 0 : i32
        %swap3A_645 = arith.constant 0 : i32
        %swap3A_646 = arith.constant 0 : i32
        %swap3A_647 = tpu.memref_slice %arg7[%select_n3A_148, %swap3A_644, %swap3A_645, %swap3A_646] : memref<2x50x8x128xf32, #tpu.memory_space<vmem>> -> memref<1x50x8x128xf32, #tpu.memory_space<vmem>>
        %swap3A_648 = tpu.memref_squeeze %swap3A_647 : memref<1x50x8x128xf32, #tpu.memory_space<vmem>> -> memref<50x8x128xf32, #tpu.memory_space<vmem>>
        %swap3A_649 = arith.index_cast %sub3A_624 : i32 to index
        %swap3A_650 = arith.index_cast %select_n3A_621 : i32 to index
        %swap3A_651 = arith.constant 16 : index
        %swap3A_652 = tpu.vector_load %swap3A_648[%swap3A_649, %swap3A_650, %swap3A_651] {strides = array<i32>} : memref<50x8x128xf32, #tpu.memory_space<vmem>>, vector<1x1x16xf32>,
        %swap3A_653 = vector.shape_cast %swap3A_652 : vector<1x1x16xf32> to vector<16xf32>
        %swap3A_654 = vector.shape_cast %add3A_643 : vector<16xf32> to vector<1x1x16xf32>
        tpu.vector_store %swap3A_648[%swap3A_649, %swap3A_650, %swap3A_651], %swap3A_654 {strides = array<i32>} : memref<50x8x128xf32, #tpu.memory_space<vmem>>, vector<1x1x16xf32>,
        %mul3A_655 = arith.mulf %gather3A_628, %sub3A_60 : vector<16xf32>
        %add3A_656 = arith.addf %mul3A_655, %get3A_18 : vector<16xf32>
        %swap3A_657 = arith.constant 0 : i32
        %swap3A_658 = arith.constant 0 : i32
        %swap3A_659 = arith.constant 0 : i32
        %swap3A_660 = tpu.memref_slice %arg7[%select_n3A_148, %swap3A_657, %swap3A_658, %swap3A_659] : memref<2x50x8x128xf32, #tpu.memory_space<vmem>> -> memref<1x50x8x128xf32, #tpu.memory_space<vmem>>
        %swap3A_661 = tpu.memref_squeeze %swap3A_660 : memref<1x50x8x128xf32, #tpu.memory_space<vmem>> -> memref<50x8x128xf32, #tpu.memory_space<vmem>>
        %swap3A_662 = arith.index_cast %sub3A_624 : i32 to index
        %swap3A_663 = arith.index_cast %select_n3A_621 : i32 to index
        %swap3A_664 = arith.constant 32 : index
        %swap3A_665 = tpu.vector_load %swap3A_661[%swap3A_662, %swap3A_663, %swap3A_664] {strides = array<i32>} : memref<50x8x128xf32, #tpu.memory_space<vmem>>, vector<1x1x16xf32>,
        %swap3A_666 = vector.shape_cast %swap3A_665 : vector<1x1x16xf32> to vector<16xf32>
        %swap3A_667 = vector.shape_cast %add3A_656 : vector<16xf32> to vector<1x1x16xf32>
        tpu.vector_store %swap3A_661[%swap3A_662, %swap3A_663, %swap3A_664], %swap3A_667 {strides = array<i32>} : memref<50x8x128xf32, #tpu.memory_space<vmem>>, vector<1x1x16xf32>,
        %mul3A_668 = arith.mulf %gather3A_628, %sub3A_66 : vector<16xf32>
        %add3A_669 = arith.addf %mul3A_668, %get3A_23 : vector<16xf32>
        %swap3A_670 = arith.constant 0 : i32
        %swap3A_671 = arith.constant 0 : i32
        %swap3A_672 = arith.constant 0 : i32
        %swap3A_673 = tpu.memref_slice %arg7[%select_n3A_148, %swap3A_670, %swap3A_671, %swap3A_672] : memref<2x50x8x128xf32, #tpu.memory_space<vmem>> -> memref<1x50x8x128xf32, #tpu.memory_space<vmem>>
        %swap3A_674 = tpu.memref_squeeze %swap3A_673 : memref<1x50x8x128xf32, #tpu.memory_space<vmem>> -> memref<50x8x128xf32, #tpu.memory_space<vmem>>
        %swap3A_675 = arith.index_cast %sub3A_624 : i32 to index
        %swap3A_676 = arith.index_cast %select_n3A_621 : i32 to index
        %swap3A_677 = arith.constant 48 : index
        %swap3A_678 = tpu.vector_load %swap3A_674[%swap3A_675, %swap3A_676, %swap3A_677] {strides = array<i32>} : memref<50x8x128xf32, #tpu.memory_space<vmem>>, vector<1x1x16xf32>,
        %swap3A_679 = vector.shape_cast %swap3A_678 : vector<1x1x16xf32> to vector<16xf32>
        %swap3A_680 = vector.shape_cast %add3A_669 : vector<16xf32> to vector<1x1x16xf32>
        tpu.vector_store %swap3A_674[%swap3A_675, %swap3A_676, %swap3A_677], %swap3A_680 {strides = array<i32>} : memref<50x8x128xf32, #tpu.memory_space<vmem>>, vector<1x1x16xf32>,
        %mul3A_681 = arith.mulf %gather3A_628, %sub3A_72 : vector<16xf32>
        %add3A_682 = arith.addf %mul3A_681, %get3A_28 : vector<16xf32>
        %swap3A_683 = arith.constant 0 : i32
        %swap3A_684 = arith.constant 0 : i32
        %swap3A_685 = arith.constant 0 : i32
        %swap3A_686 = tpu.memref_slice %arg7[%select_n3A_148, %swap3A_683, %swap3A_684, %swap3A_685] : memref<2x50x8x128xf32, #tpu.memory_space<vmem>> -> memref<1x50x8x128xf32, #tpu.memory_space<vmem>>
        %swap3A_687 = tpu.memref_squeeze %swap3A_686 : memref<1x50x8x128xf32, #tpu.memory_space<vmem>> -> memref<50x8x128xf32, #tpu.memory_space<vmem>>
        %swap3A_688 = arith.index_cast %sub3A_624 : i32 to index
        %swap3A_689 = arith.index_cast %select_n3A_621 : i32 to index
        %swap3A_690 = arith.constant 64 : index
        %swap3A_691 = tpu.vector_load %swap3A_687[%swap3A_688, %swap3A_689, %swap3A_690] {strides = array<i32>} : memref<50x8x128xf32, #tpu.memory_space<vmem>>, vector<1x1x16xf32>,
        %swap3A_692 = vector.shape_cast %swap3A_691 : vector<1x1x16xf32> to vector<16xf32>
        %swap3A_693 = vector.shape_cast %add3A_682 : vector<16xf32> to vector<1x1x16xf32>
        tpu.vector_store %swap3A_687[%swap3A_688, %swap3A_689, %swap3A_690], %swap3A_693 {strides = array<i32>} : memref<50x8x128xf32, #tpu.memory_space<vmem>>, vector<1x1x16xf32>,
        %mul3A_694 = arith.mulf %gather3A_628, %sub3A_78 : vector<16xf32>
        %add3A_695 = arith.addf %mul3A_694, %get3A_33 : vector<16xf32>
        %swap3A_696 = arith.constant 0 : i32
        %swap3A_697 = arith.constant 0 : i32
        %swap3A_698 = arith.constant 0 : i32
        %swap3A_699 = tpu.memref_slice %arg7[%select_n3A_148, %swap3A_696, %swap3A_697, %swap3A_698] : memref<2x50x8x128xf32, #tpu.memory_space<vmem>> -> memref<1x50x8x128xf32, #tpu.memory_space<vmem>>
        %swap3A_700 = tpu.memref_squeeze %swap3A_699 : memref<1x50x8x128xf32, #tpu.memory_space<vmem>> -> memref<50x8x128xf32, #tpu.memory_space<vmem>>
        %swap3A_701 = arith.index_cast %sub3A_624 : i32 to index
        %swap3A_702 = arith.index_cast %select_n3A_621 : i32 to index
        %swap3A_703 = arith.constant 80 : index
        %swap3A_704 = tpu.vector_load %swap3A_700[%swap3A_701, %swap3A_702, %swap3A_703] {strides = array<i32>} : memref<50x8x128xf32, #tpu.memory_space<vmem>>, vector<1x1x16xf32>,
        %swap3A_705 = vector.shape_cast %swap3A_704 : vector<1x1x16xf32> to vector<16xf32>
        %swap3A_706 = vector.shape_cast %add3A_695 : vector<16xf32> to vector<1x1x16xf32>
        tpu.vector_store %swap3A_700[%swap3A_701, %swap3A_702, %swap3A_703], %swap3A_706 {strides = array<i32>} : memref<50x8x128xf32, #tpu.memory_space<vmem>>, vector<1x1x16xf32>,
        %mul3A_707 = arith.mulf %gather3A_628, %sub3A_84 : vector<16xf32>
        %add3A_708 = arith.addf %mul3A_707, %get3A_38 : vector<16xf32>
        %swap3A_709 = arith.constant 0 : i32
        %swap3A_710 = arith.constant 0 : i32
        %swap3A_711 = arith.constant 0 : i32
        %swap3A_712 = tpu.memref_slice %arg7[%select_n3A_148, %swap3A_709, %swap3A_710, %swap3A_711] : memref<2x50x8x128xf32, #tpu.memory_space<vmem>> -> memref<1x50x8x128xf32, #tpu.memory_space<vmem>>
        %swap3A_713 = tpu.memref_squeeze %swap3A_712 : memref<1x50x8x128xf32, #tpu.memory_space<vmem>> -> memref<50x8x128xf32, #tpu.memory_space<vmem>>
        %swap3A_714 = arith.index_cast %sub3A_624 : i32 to index
        %swap3A_715 = arith.index_cast %select_n3A_621 : i32 to index
        %swap3A_716 = arith.constant 96 : index
        %swap3A_717 = tpu.vector_load %swap3A_713[%swap3A_714, %swap3A_715, %swap3A_716] {strides = array<i32>} : memref<50x8x128xf32, #tpu.memory_space<vmem>>, vector<1x1x16xf32>,
        %swap3A_718 = vector.shape_cast %swap3A_717 : vector<1x1x16xf32> to vector<16xf32>
        %swap3A_719 = vector.shape_cast %add3A_708 : vector<16xf32> to vector<1x1x16xf32>
        tpu.vector_store %swap3A_713[%swap3A_714, %swap3A_715, %swap3A_716], %swap3A_719 {strides = array<i32>} : memref<50x8x128xf32, #tpu.memory_space<vmem>>, vector<1x1x16xf32>,
        %mul3A_720 = arith.mulf %gather3A_628, %sub3A_90 : vector<16xf32>
        %add3A_721 = arith.addf %mul3A_720, %get3A_43 : vector<16xf32>
        %swap3A_722 = arith.constant 0 : i32
        %swap3A_723 = arith.constant 0 : i32
        %swap3A_724 = arith.constant 0 : i32
        %swap3A_725 = tpu.memref_slice %arg7[%select_n3A_148, %swap3A_722, %swap3A_723, %swap3A_724] : memref<2x50x8x128xf32, #tpu.memory_space<vmem>> -> memref<1x50x8x128xf32, #tpu.memory_space<vmem>>
        %swap3A_726 = tpu.memref_squeeze %swap3A_725 : memref<1x50x8x128xf32, #tpu.memory_space<vmem>> -> memref<50x8x128xf32, #tpu.memory_space<vmem>>
        %swap3A_727 = arith.index_cast %sub3A_624 : i32 to index
        %swap3A_728 = arith.index_cast %select_n3A_621 : i32 to index
        %swap3A_729 = arith.constant 112 : index
        %swap3A_730 = tpu.vector_load %swap3A_726[%swap3A_727, %swap3A_728, %swap3A_729] {strides = array<i32>} : memref<50x8x128xf32, #tpu.memory_space<vmem>>, vector<1x1x16xf32>,
        %swap3A_731 = vector.shape_cast %swap3A_730 : vector<1x1x16xf32> to vector<16xf32>
        %swap3A_732 = vector.shape_cast %add3A_721 : vector<16xf32> to vector<1x1x16xf32>
        tpu.vector_store %swap3A_726[%swap3A_727, %swap3A_728, %swap3A_729], %swap3A_732 {strides = array<i32>} : memref<50x8x128xf32, #tpu.memory_space<vmem>>, vector<1x1x16xf32>,
        %add3A_733 = arith.constant 4 : i32
        %add3A_734 = arith.addi %mul3A_179, %add3A_733 : i32
        %jit3A_735 = arith.constant 50 : i32
        %div3A_736 = arith.divsi %add3A_734, %jit3A_735 : i32
        %sign3A_737 = arith.constant 0 : i32
        %sign3A_738 = arith.cmpi sgt, %add3A_734, %sign3A_737 : i32
        %sign3A_739 = arith.extui %sign3A_738 : i1 to i32
        %sign3A_740 = arith.constant 0 : i32
        %sign3A_741 = arith.cmpi slt, %add3A_734, %sign3A_740 : i32
        %sign3A_742 = arith.extui %sign3A_741 : i1 to i32
        %sign3A_743 = arith.subi %sign3A_739, %sign3A_742 : i32
        %sign3A_744 = arith.constant 0 : i32
        %sign3A_745 = arith.cmpi sgt, %jit3A_735, %sign3A_744 : i32
        %sign3A_746 = arith.extui %sign3A_745 : i1 to i32
        %sign3A_747 = arith.constant 0 : i32
        %sign3A_748 = arith.cmpi slt, %jit3A_735, %sign3A_747 : i32
        %sign3A_749 = arith.extui %sign3A_748 : i1 to i32
        %sign3A_750 = arith.subi %sign3A_746, %sign3A_749 : i32
        %ne3A_751 = arith.cmpi ne, %sign3A_743, %sign3A_750 : i32
        %rem3A_752 = arith.remsi %add3A_734, %jit3A_735 : i32
        %ne3A_753 = arith.constant 0 : i32
        %ne3A_754 = arith.cmpi ne, %rem3A_752, %ne3A_753 : i32
        %and3A_755 = arith.andi %ne3A_751, %ne3A_754 : i1
        %sub3A_756 = arith.constant 1 : i32
        %sub3A_757 = arith.subi %div3A_736, %sub3A_756 : i32
        %select_n3A_758 = arith.select %and3A_755, %sub3A_757, %div3A_736 : i32
        %mul3A_759 = arith.constant 50 : i32
        %mul3A_760 = arith.muli %select_n3A_758, %mul3A_759 : i32
        %sub3A_761 = arith.subi %add3A_734, %mul3A_760 : i32
        %broadcast_in_dim3A_762 = arith.constant 4 : i32
        %broadcast_in_dim3A_763 = vector.broadcast %broadcast_in_dim3A_762 : i32 to vector<16x1xi32>
        %gather3A_764 = vector.shape_cast %broadcast_in_dim3A_763 : vector<16x1xi32> to vector<16xi32>
        %gather3A_765 = tpu.dynamic_gather %convert_element_type3A_189[%gather3A_764] in [0] : vector<16xf32>, vector<16xi32> -> vector<16xf32>
        %mul3A_766 = arith.mulf %gather3A_765, %sub3A : vector<16xf32>
        %add3A_767 = arith.addf %mul3A_766, %get3A_8 : vector<16xf32>
        %swap3A_768 = arith.constant 0 : i32
        %swap3A_769 = arith.constant 0 : i32
        %swap3A_770 = arith.constant 0 : i32
        %swap3A_771 = tpu.memref_slice %arg7[%select_n3A_148, %swap3A_768, %swap3A_769, %swap3A_770] : memref<2x50x8x128xf32, #tpu.memory_space<vmem>> -> memref<1x50x8x128xf32, #tpu.memory_space<vmem>>
        %swap3A_772 = tpu.memref_squeeze %swap3A_771 : memref<1x50x8x128xf32, #tpu.memory_space<vmem>> -> memref<50x8x128xf32, #tpu.memory_space<vmem>>
        %swap3A_773 = arith.index_cast %sub3A_761 : i32 to index
        %swap3A_774 = arith.index_cast %select_n3A_758 : i32 to index
        %swap3A_775 = arith.constant 0 : index
        %swap3A_776 = tpu.vector_load %swap3A_772[%swap3A_773, %swap3A_774, %swap3A_775] {strides = array<i32>} : memref<50x8x128xf32, #tpu.memory_space<vmem>>, vector<1x1x16xf32>,
        %swap3A_777 = vector.shape_cast %swap3A_776 : vector<1x1x16xf32> to vector<16xf32>
        %swap3A_778 = vector.shape_cast %add3A_767 : vector<16xf32> to vector<1x1x16xf32>
        tpu.vector_store %swap3A_772[%swap3A_773, %swap3A_774, %swap3A_775], %swap3A_778 {strides = array<i32>} : memref<50x8x128xf32, #tpu.memory_space<vmem>>, vector<1x1x16xf32>,
        %mul3A_779 = arith.mulf %gather3A_765, %sub3A_54 : vector<16xf32>
        %add3A_780 = arith.addf %mul3A_779, %get3A_13 : vector<16xf32>
        %swap3A_781 = arith.constant 0 : i32
        %swap3A_782 = arith.constant 0 : i32
        %swap3A_783 = arith.constant 0 : i32
        %swap3A_784 = tpu.memref_slice %arg7[%select_n3A_148, %swap3A_781, %swap3A_782, %swap3A_783] : memref<2x50x8x128xf32, #tpu.memory_space<vmem>> -> memref<1x50x8x128xf32, #tpu.memory_space<vmem>>
        %swap3A_785 = tpu.memref_squeeze %swap3A_784 : memref<1x50x8x128xf32, #tpu.memory_space<vmem>> -> memref<50x8x128xf32, #tpu.memory_space<vmem>>
        %swap3A_786 = arith.index_cast %sub3A_761 : i32 to index
        %swap3A_787 = arith.index_cast %select_n3A_758 : i32 to index
        %swap3A_788 = arith.constant 16 : index
        %swap3A_789 = tpu.vector_load %swap3A_785[%swap3A_786, %swap3A_787, %swap3A_788] {strides = array<i32>} : memref<50x8x128xf32, #tpu.memory_space<vmem>>, vector<1x1x16xf32>,
        %swap3A_790 = vector.shape_cast %swap3A_789 : vector<1x1x16xf32> to vector<16xf32>
        %swap3A_791 = vector.shape_cast %add3A_780 : vector<16xf32> to vector<1x1x16xf32>
        tpu.vector_store %swap3A_785[%swap3A_786, %swap3A_787, %swap3A_788], %swap3A_791 {strides = array<i32>} : memref<50x8x128xf32, #tpu.memory_space<vmem>>, vector<1x1x16xf32>,
        %mul3A_792 = arith.mulf %gather3A_765, %sub3A_60 : vector<16xf32>
        %add3A_793 = arith.addf %mul3A_792, %get3A_18 : vector<16xf32>
        %swap3A_794 = arith.constant 0 : i32
        %swap3A_795 = arith.constant 0 : i32
        %swap3A_796 = arith.constant 0 : i32
        %swap3A_797 = tpu.memref_slice %arg7[%select_n3A_148, %swap3A_794, %swap3A_795, %swap3A_796] : memref<2x50x8x128xf32, #tpu.memory_space<vmem>> -> memref<1x50x8x128xf32, #tpu.memory_space<vmem>>
        %swap3A_798 = tpu.memref_squeeze %swap3A_797 : memref<1x50x8x128xf32, #tpu.memory_space<vmem>> -> memref<50x8x128xf32, #tpu.memory_space<vmem>>
        %swap3A_799 = arith.index_cast %sub3A_761 : i32 to index
        %swap3A_800 = arith.index_cast %select_n3A_758 : i32 to index
        %swap3A_801 = arith.constant 32 : index
        %swap3A_802 = tpu.vector_load %swap3A_798[%swap3A_799, %swap3A_800, %swap3A_801] {strides = array<i32>} : memref<50x8x128xf32, #tpu.memory_space<vmem>>, vector<1x1x16xf32>,
        %swap3A_803 = vector.shape_cast %swap3A_802 : vector<1x1x16xf32> to vector<16xf32>
        %swap3A_804 = vector.shape_cast %add3A_793 : vector<16xf32> to vector<1x1x16xf32>
        tpu.vector_store %swap3A_798[%swap3A_799, %swap3A_800, %swap3A_801], %swap3A_804 {strides = array<i32>} : memref<50x8x128xf32, #tpu.memory_space<vmem>>, vector<1x1x16xf32>,
        %mul3A_805 = arith.mulf %gather3A_765, %sub3A_66 : vector<16xf32>
        %add3A_806 = arith.addf %mul3A_805, %get3A_23 : vector<16xf32>
        %swap3A_807 = arith.constant 0 : i32
        %swap3A_808 = arith.constant 0 : i32
        %swap3A_809 = arith.constant 0 : i32
        %swap3A_810 = tpu.memref_slice %arg7[%select_n3A_148, %swap3A_807, %swap3A_808, %swap3A_809] : memref<2x50x8x128xf32, #tpu.memory_space<vmem>> -> memref<1x50x8x128xf32, #tpu.memory_space<vmem>>
        %swap3A_811 = tpu.memref_squeeze %swap3A_810 : memref<1x50x8x128xf32, #tpu.memory_space<vmem>> -> memref<50x8x128xf32, #tpu.memory_space<vmem>>
        %swap3A_812 = arith.index_cast %sub3A_761 : i32 to index
        %swap3A_813 = arith.index_cast %select_n3A_758 : i32 to index
        %swap3A_814 = arith.constant 48 : index
        %swap3A_815 = tpu.vector_load %swap3A_811[%swap3A_812, %swap3A_813, %swap3A_814] {strides = array<i32>} : memref<50x8x128xf32, #tpu.memory_space<vmem>>, vector<1x1x16xf32>,
        %swap3A_816 = vector.shape_cast %swap3A_815 : vector<1x1x16xf32> to vector<16xf32>
        %swap3A_817 = vector.shape_cast %add3A_806 : vector<16xf32> to vector<1x1x16xf32>
        tpu.vector_store %swap3A_811[%swap3A_812, %swap3A_813, %swap3A_814], %swap3A_817 {strides = array<i32>} : memref<50x8x128xf32, #tpu.memory_space<vmem>>, vector<1x1x16xf32>,
        %mul3A_818 = arith.mulf %gather3A_765, %sub3A_72 : vector<16xf32>
        %add3A_819 = arith.addf %mul3A_818, %get3A_28 : vector<16xf32>
        %swap3A_820 = arith.constant 0 : i32
        %swap3A_821 = arith.constant 0 : i32
        %swap3A_822 = arith.constant 0 : i32
        %swap3A_823 = tpu.memref_slice %arg7[%select_n3A_148, %swap3A_820, %swap3A_821, %swap3A_822] : memref<2x50x8x128xf32, #tpu.memory_space<vmem>> -> memref<1x50x8x128xf32, #tpu.memory_space<vmem>>
        %swap3A_824 = tpu.memref_squeeze %swap3A_823 : memref<1x50x8x128xf32, #tpu.memory_space<vmem>> -> memref<50x8x128xf32, #tpu.memory_space<vmem>>
        %swap3A_825 = arith.index_cast %sub3A_761 : i32 to index
        %swap3A_826 = arith.index_cast %select_n3A_758 : i32 to index
        %swap3A_827 = arith.constant 64 : index
        %swap3A_828 = tpu.vector_load %swap3A_824[%swap3A_825, %swap3A_826, %swap3A_827] {strides = array<i32>} : memref<50x8x128xf32, #tpu.memory_space<vmem>>, vector<1x1x16xf32>,
        %swap3A_829 = vector.shape_cast %swap3A_828 : vector<1x1x16xf32> to vector<16xf32>
        %swap3A_830 = vector.shape_cast %add3A_819 : vector<16xf32> to vector<1x1x16xf32>
        tpu.vector_store %swap3A_824[%swap3A_825, %swap3A_826, %swap3A_827], %swap3A_830 {strides = array<i32>} : memref<50x8x128xf32, #tpu.memory_space<vmem>>, vector<1x1x16xf32>,
        %mul3A_831 = arith.mulf %gather3A_765, %sub3A_78 : vector<16xf32>
        %add3A_832 = arith.addf %mul3A_831, %get3A_33 : vector<16xf32>
        %swap3A_833 = arith.constant 0 : i32
        %swap3A_834 = arith.constant 0 : i32
        %swap3A_835 = arith.constant 0 : i32
        %swap3A_836 = tpu.memref_slice %arg7[%select_n3A_148, %swap3A_833, %swap3A_834, %swap3A_835] : memref<2x50x8x128xf32, #tpu.memory_space<vmem>> -> memref<1x50x8x128xf32, #tpu.memory_space<vmem>>
        %swap3A_837 = tpu.memref_squeeze %swap3A_836 : memref<1x50x8x128xf32, #tpu.memory_space<vmem>> -> memref<50x8x128xf32, #tpu.memory_space<vmem>>
        %swap3A_838 = arith.index_cast %sub3A_761 : i32 to index
        %swap3A_839 = arith.index_cast %select_n3A_758 : i32 to index
        %swap3A_840 = arith.constant 80 : index
        %swap3A_841 = tpu.vector_load %swap3A_837[%swap3A_838, %swap3A_839, %swap3A_840] {strides = array<i32>} : memref<50x8x128xf32, #tpu.memory_space<vmem>>, vector<1x1x16xf32>,
        %swap3A_842 = vector.shape_cast %swap3A_841 : vector<1x1x16xf32> to vector<16xf32>
        %swap3A_843 = vector.shape_cast %add3A_832 : vector<16xf32> to vector<1x1x16xf32>
        tpu.vector_store %swap3A_837[%swap3A_838, %swap3A_839, %swap3A_840], %swap3A_843 {strides = array<i32>} : memref<50x8x128xf32, #tpu.memory_space<vmem>>, vector<1x1x16xf32>,
        %mul3A_844 = arith.mulf %gather3A_765, %sub3A_84 : vector<16xf32>
        %add3A_845 = arith.addf %mul3A_844, %get3A_38 : vector<16xf32>
        %swap3A_846 = arith.constant 0 : i32
        %swap3A_847 = arith.constant 0 : i32
        %swap3A_848 = arith.constant 0 : i32
        %swap3A_849 = tpu.memref_slice %arg7[%select_n3A_148, %swap3A_846, %swap3A_847, %swap3A_848] : memref<2x50x8x128xf32, #tpu.memory_space<vmem>> -> memref<1x50x8x128xf32, #tpu.memory_space<vmem>>
        %swap3A_850 = tpu.memref_squeeze %swap3A_849 : memref<1x50x8x128xf32, #tpu.memory_space<vmem>> -> memref<50x8x128xf32, #tpu.memory_space<vmem>>
        %swap3A_851 = arith.index_cast %sub3A_761 : i32 to index
        %swap3A_852 = arith.index_cast %select_n3A_758 : i32 to index
        %swap3A_853 = arith.constant 96 : index
        %swap3A_854 = tpu.vector_load %swap3A_850[%swap3A_851, %swap3A_852, %swap3A_853] {strides = array<i32>} : memref<50x8x128xf32, #tpu.memory_space<vmem>>, vector<1x1x16xf32>,
        %swap3A_855 = vector.shape_cast %swap3A_854 : vector<1x1x16xf32> to vector<16xf32>
        %swap3A_856 = vector.shape_cast %add3A_845 : vector<16xf32> to vector<1x1x16xf32>
        tpu.vector_store %swap3A_850[%swap3A_851, %swap3A_852, %swap3A_853], %swap3A_856 {strides = array<i32>} : memref<50x8x128xf32, #tpu.memory_space<vmem>>, vector<1x1x16xf32>,
        %mul3A_857 = arith.mulf %gather3A_765, %sub3A_90 : vector<16xf32>
        %add3A_858 = arith.addf %mul3A_857, %get3A_43 : vector<16xf32>
        %swap3A_859 = arith.constant 0 : i32
        %swap3A_860 = arith.constant 0 : i32
        %swap3A_861 = arith.constant 0 : i32
        %swap3A_862 = tpu.memref_slice %arg7[%select_n3A_148, %swap3A_859, %swap3A_860, %swap3A_861] : memref<2x50x8x128xf32, #tpu.memory_space<vmem>> -> memref<1x50x8x128xf32, #tpu.memory_space<vmem>>
        %swap3A_863 = tpu.memref_squeeze %swap3A_862 : memref<1x50x8x128xf32, #tpu.memory_space<vmem>> -> memref<50x8x128xf32, #tpu.memory_space<vmem>>
        %swap3A_864 = arith.index_cast %sub3A_761 : i32 to index
        %swap3A_865 = arith.index_cast %select_n3A_758 : i32 to index
        %swap3A_866 = arith.constant 112 : index
        %swap3A_867 = tpu.vector_load %swap3A_863[%swap3A_864, %swap3A_865, %swap3A_866] {strides = array<i32>} : memref<50x8x128xf32, #tpu.memory_space<vmem>>, vector<1x1x16xf32>,
        %swap3A_868 = vector.shape_cast %swap3A_867 : vector<1x1x16xf32> to vector<16xf32>
        %swap3A_869 = vector.shape_cast %add3A_858 : vector<16xf32> to vector<1x1x16xf32>
        tpu.vector_store %swap3A_863[%swap3A_864, %swap3A_865, %swap3A_866], %swap3A_869 {strides = array<i32>} : memref<50x8x128xf32, #tpu.memory_space<vmem>>, vector<1x1x16xf32>,
        %add3A_870 = arith.constant 5 : i32
        %add3A_871 = arith.addi %mul3A_179, %add3A_870 : i32
        %jit3A_872 = arith.constant 50 : i32
        %div3A_873 = arith.divsi %add3A_871, %jit3A_872 : i32
        %sign3A_874 = arith.constant 0 : i32
        %sign3A_875 = arith.cmpi sgt, %add3A_871, %sign3A_874 : i32
        %sign3A_876 = arith.extui %sign3A_875 : i1 to i32
        %sign3A_877 = arith.constant 0 : i32
        %sign3A_878 = arith.cmpi slt, %add3A_871, %sign3A_877 : i32
        %sign3A_879 = arith.extui %sign3A_878 : i1 to i32
        %sign3A_880 = arith.subi %sign3A_876, %sign3A_879 : i32
        %sign3A_881 = arith.constant 0 : i32
        %sign3A_882 = arith.cmpi sgt, %jit3A_872, %sign3A_881 : i32
        %sign3A_883 = arith.extui %sign3A_882 : i1 to i32
        %sign3A_884 = arith.constant 0 : i32
        %sign3A_885 = arith.cmpi slt, %jit3A_872, %sign3A_884 : i32
        %sign3A_886 = arith.extui %sign3A_885 : i1 to i32
        %sign3A_887 = arith.subi %sign3A_883, %sign3A_886 : i32
        %ne3A_888 = arith.cmpi ne, %sign3A_880, %sign3A_887 : i32
        %rem3A_889 = arith.remsi %add3A_871, %jit3A_872 : i32
        %ne3A_890 = arith.constant 0 : i32
        %ne3A_891 = arith.cmpi ne, %rem3A_889, %ne3A_890 : i32
        %and3A_892 = arith.andi %ne3A_888, %ne3A_891 : i1
        %sub3A_893 = arith.constant 1 : i32
        %sub3A_894 = arith.subi %div3A_873, %sub3A_893 : i32
        %select_n3A_895 = arith.select %and3A_892, %sub3A_894, %div3A_873 : i32
        %mul3A_896 = arith.constant 50 : i32
        %mul3A_897 = arith.muli %select_n3A_895, %mul3A_896 : i32
        %sub3A_898 = arith.subi %add3A_871, %mul3A_897 : i32
        %broadcast_in_dim3A_899 = arith.constant 5 : i32
        %broadcast_in_dim3A_900 = vector.broadcast %broadcast_in_dim3A_899 : i32 to vector<16x1xi32>
        %gather3A_901 = vector.shape_cast %broadcast_in_dim3A_900 : vector<16x1xi32> to vector<16xi32>
        %gather3A_902 = tpu.dynamic_gather %convert_element_type3A_189[%gather3A_901] in [0] : vector<16xf32>, vector<16xi32> -> vector<16xf32>
        %mul3A_903 = arith.mulf %gather3A_902, %sub3A : vector<16xf32>
        %add3A_904 = arith.addf %mul3A_903, %get3A_8 : vector<16xf32>
        %swap3A_905 = arith.constant 0 : i32
        %swap3A_906 = arith.constant 0 : i32
        %swap3A_907 = arith.constant 0 : i32
        %swap3A_908 = tpu.memref_slice %arg7[%select_n3A_148, %swap3A_905, %swap3A_906, %swap3A_907] : memref<2x50x8x128xf32, #tpu.memory_space<vmem>> -> memref<1x50x8x128xf32, #tpu.memory_space<vmem>>
        %swap3A_909 = tpu.memref_squeeze %swap3A_908 : memref<1x50x8x128xf32, #tpu.memory_space<vmem>> -> memref<50x8x128xf32, #tpu.memory_space<vmem>>
        %swap3A_910 = arith.index_cast %sub3A_898 : i32 to index
        %swap3A_911 = arith.index_cast %select_n3A_895 : i32 to index
        %swap3A_912 = arith.constant 0 : index
        %swap3A_913 = tpu.vector_load %swap3A_909[%swap3A_910, %swap3A_911, %swap3A_912] {strides = array<i32>} : memref<50x8x128xf32, #tpu.memory_space<vmem>>, vector<1x1x16xf32>,
        %swap3A_914 = vector.shape_cast %swap3A_913 : vector<1x1x16xf32> to vector<16xf32>
        %swap3A_915 = vector.shape_cast %add3A_904 : vector<16xf32> to vector<1x1x16xf32>
        tpu.vector_store %swap3A_909[%swap3A_910, %swap3A_911, %swap3A_912], %swap3A_915 {strides = array<i32>} : memref<50x8x128xf32, #tpu.memory_space<vmem>>, vector<1x1x16xf32>,
        %mul3A_916 = arith.mulf %gather3A_902, %sub3A_54 : vector<16xf32>
        %add3A_917 = arith.addf %mul3A_916, %get3A_13 : vector<16xf32>
        %swap3A_918 = arith.constant 0 : i32
        %swap3A_919 = arith.constant 0 : i32
        %swap3A_920 = arith.constant 0 : i32
        %swap3A_921 = tpu.memref_slice %arg7[%select_n3A_148, %swap3A_918, %swap3A_919, %swap3A_920] : memref<2x50x8x128xf32, #tpu.memory_space<vmem>> -> memref<1x50x8x128xf32, #tpu.memory_space<vmem>>
        %swap3A_922 = tpu.memref_squeeze %swap3A_921 : memref<1x50x8x128xf32, #tpu.memory_space<vmem>> -> memref<50x8x128xf32, #tpu.memory_space<vmem>>
        %swap3A_923 = arith.index_cast %sub3A_898 : i32 to index
        %swap3A_924 = arith.index_cast %select_n3A_895 : i32 to index
        %swap3A_925 = arith.constant 16 : index
        %swap3A_926 = tpu.vector_load %swap3A_922[%swap3A_923, %swap3A_924, %swap3A_925] {strides = array<i32>} : memref<50x8x128xf32, #tpu.memory_space<vmem>>, vector<1x1x16xf32>,
        %swap3A_927 = vector.shape_cast %swap3A_926 : vector<1x1x16xf32> to vector<16xf32>
        %swap3A_928 = vector.shape_cast %add3A_917 : vector<16xf32> to vector<1x1x16xf32>
        tpu.vector_store %swap3A_922[%swap3A_923, %swap3A_924, %swap3A_925], %swap3A_928 {strides = array<i32>} : memref<50x8x128xf32, #tpu.memory_space<vmem>>, vector<1x1x16xf32>,
        %mul3A_929 = arith.mulf %gather3A_902, %sub3A_60 : vector<16xf32>
        %add3A_930 = arith.addf %mul3A_929, %get3A_18 : vector<16xf32>
        %swap3A_931 = arith.constant 0 : i32
        %swap3A_932 = arith.constant 0 : i32
        %swap3A_933 = arith.constant 0 : i32
        %swap3A_934 = tpu.memref_slice %arg7[%select_n3A_148, %swap3A_931, %swap3A_932, %swap3A_933] : memref<2x50x8x128xf32, #tpu.memory_space<vmem>> -> memref<1x50x8x128xf32, #tpu.memory_space<vmem>>
        %swap3A_935 = tpu.memref_squeeze %swap3A_934 : memref<1x50x8x128xf32, #tpu.memory_space<vmem>> -> memref<50x8x128xf32, #tpu.memory_space<vmem>>
        %swap3A_936 = arith.index_cast %sub3A_898 : i32 to index
        %swap3A_937 = arith.index_cast %select_n3A_895 : i32 to index
        %swap3A_938 = arith.constant 32 : index
        %swap3A_939 = tpu.vector_load %swap3A_935[%swap3A_936, %swap3A_937, %swap3A_938] {strides = array<i32>} : memref<50x8x128xf32, #tpu.memory_space<vmem>>, vector<1x1x16xf32>,
        %swap3A_940 = vector.shape_cast %swap3A_939 : vector<1x1x16xf32> to vector<16xf32>
        %swap3A_941 = vector.shape_cast %add3A_930 : vector<16xf32> to vector<1x1x16xf32>
        tpu.vector_store %swap3A_935[%swap3A_936, %swap3A_937, %swap3A_938], %swap3A_941 {strides = array<i32>} : memref<50x8x128xf32, #tpu.memory_space<vmem>>, vector<1x1x16xf32>,
        %mul3A_942 = arith.mulf %gather3A_902, %sub3A_66 : vector<16xf32>
        %add3A_943 = arith.addf %mul3A_942, %get3A_23 : vector<16xf32>
        %swap3A_944 = arith.constant 0 : i32
        %swap3A_945 = arith.constant 0 : i32
        %swap3A_946 = arith.constant 0 : i32
        %swap3A_947 = tpu.memref_slice %arg7[%select_n3A_148, %swap3A_944, %swap3A_945, %swap3A_946] : memref<2x50x8x128xf32, #tpu.memory_space<vmem>> -> memref<1x50x8x128xf32, #tpu.memory_space<vmem>>
        %swap3A_948 = tpu.memref_squeeze %swap3A_947 : memref<1x50x8x128xf32, #tpu.memory_space<vmem>> -> memref<50x8x128xf32, #tpu.memory_space<vmem>>
        %swap3A_949 = arith.index_cast %sub3A_898 : i32 to index
        %swap3A_950 = arith.index_cast %select_n3A_895 : i32 to index
        %swap3A_951 = arith.constant 48 : index
        %swap3A_952 = tpu.vector_load %swap3A_948[%swap3A_949, %swap3A_950, %swap3A_951] {strides = array<i32>} : memref<50x8x128xf32, #tpu.memory_space<vmem>>, vector<1x1x16xf32>,
        %swap3A_953 = vector.shape_cast %swap3A_952 : vector<1x1x16xf32> to vector<16xf32>
        %swap3A_954 = vector.shape_cast %add3A_943 : vector<16xf32> to vector<1x1x16xf32>
        tpu.vector_store %swap3A_948[%swap3A_949, %swap3A_950, %swap3A_951], %swap3A_954 {strides = array<i32>} : memref<50x8x128xf32, #tpu.memory_space<vmem>>, vector<1x1x16xf32>,
        %mul3A_955 = arith.mulf %gather3A_902, %sub3A_72 : vector<16xf32>
        %add3A_956 = arith.addf %mul3A_955, %get3A_28 : vector<16xf32>
        %swap3A_957 = arith.constant 0 : i32
        %swap3A_958 = arith.constant 0 : i32
        %swap3A_959 = arith.constant 0 : i32
        %swap3A_960 = tpu.memref_slice %arg7[%select_n3A_148, %swap3A_957, %swap3A_958, %swap3A_959] : memref<2x50x8x128xf32, #tpu.memory_space<vmem>> -> memref<1x50x8x128xf32, #tpu.memory_space<vmem>>
        %swap3A_961 = tpu.memref_squeeze %swap3A_960 : memref<1x50x8x128xf32, #tpu.memory_space<vmem>> -> memref<50x8x128xf32, #tpu.memory_space<vmem>>
        %swap3A_962 = arith.index_cast %sub3A_898 : i32 to index
        %swap3A_963 = arith.index_cast %select_n3A_895 : i32 to index
        %swap3A_964 = arith.constant 64 : index
        %swap3A_965 = tpu.vector_load %swap3A_961[%swap3A_962, %swap3A_963, %swap3A_964] {strides = array<i32>} : memref<50x8x128xf32, #tpu.memory_space<vmem>>, vector<1x1x16xf32>,
        %swap3A_966 = vector.shape_cast %swap3A_965 : vector<1x1x16xf32> to vector<16xf32>
        %swap3A_967 = vector.shape_cast %add3A_956 : vector<16xf32> to vector<1x1x16xf32>
        tpu.vector_store %swap3A_961[%swap3A_962, %swap3A_963, %swap3A_964], %swap3A_967 {strides = array<i32>} : memref<50x8x128xf32, #tpu.memory_space<vmem>>, vector<1x1x16xf32>,
        %mul3A_968 = arith.mulf %gather3A_902, %sub3A_78 : vector<16xf32>
        %add3A_969 = arith.addf %mul3A_968, %get3A_33 : vector<16xf32>
        %swap3A_970 = arith.constant 0 : i32
        %swap3A_971 = arith.constant 0 : i32
        %swap3A_972 = arith.constant 0 : i32
        %swap3A_973 = tpu.memref_slice %arg7[%select_n3A_148, %swap3A_970, %swap3A_971, %swap3A_972] : memref<2x50x8x128xf32, #tpu.memory_space<vmem>> -> memref<1x50x8x128xf32, #tpu.memory_space<vmem>>
        %swap3A_974 = tpu.memref_squeeze %swap3A_973 : memref<1x50x8x128xf32, #tpu.memory_space<vmem>> -> memref<50x8x128xf32, #tpu.memory_space<vmem>>
        %swap3A_975 = arith.index_cast %sub3A_898 : i32 to index
        %swap3A_976 = arith.index_cast %select_n3A_895 : i32 to index
        %swap3A_977 = arith.constant 80 : index
        %swap3A_978 = tpu.vector_load %swap3A_974[%swap3A_975, %swap3A_976, %swap3A_977] {strides = array<i32>} : memref<50x8x128xf32, #tpu.memory_space<vmem>>, vector<1x1x16xf32>,
        %swap3A_979 = vector.shape_cast %swap3A_978 : vector<1x1x16xf32> to vector<16xf32>
        %swap3A_980 = vector.shape_cast %add3A_969 : vector<16xf32> to vector<1x1x16xf32>
        tpu.vector_store %swap3A_974[%swap3A_975, %swap3A_976, %swap3A_977], %swap3A_980 {strides = array<i32>} : memref<50x8x128xf32, #tpu.memory_space<vmem>>, vector<1x1x16xf32>,
        %mul3A_981 = arith.mulf %gather3A_902, %sub3A_84 : vector<16xf32>
        %add3A_982 = arith.addf %mul3A_981, %get3A_38 : vector<16xf32>
        %swap3A_983 = arith.constant 0 : i32
        %swap3A_984 = arith.constant 0 : i32
        %swap3A_985 = arith.constant 0 : i32
        %swap3A_986 = tpu.memref_slice %arg7[%select_n3A_148, %swap3A_983, %swap3A_984, %swap3A_985] : memref<2x50x8x128xf32, #tpu.memory_space<vmem>> -> memref<1x50x8x128xf32, #tpu.memory_space<vmem>>
        %swap3A_987 = tpu.memref_squeeze %swap3A_986 : memref<1x50x8x128xf32, #tpu.memory_space<vmem>> -> memref<50x8x128xf32, #tpu.memory_space<vmem>>
        %swap3A_988 = arith.index_cast %sub3A_898 : i32 to index
        %swap3A_989 = arith.index_cast %select_n3A_895 : i32 to index
        %swap3A_990 = arith.constant 96 : index
        %swap3A_991 = tpu.vector_load %swap3A_987[%swap3A_988, %swap3A_989, %swap3A_990] {strides = array<i32>} : memref<50x8x128xf32, #tpu.memory_space<vmem>>, vector<1x1x16xf32>,
        %swap3A_992 = vector.shape_cast %swap3A_991 : vector<1x1x16xf32> to vector<16xf32>
        %swap3A_993 = vector.shape_cast %add3A_982 : vector<16xf32> to vector<1x1x16xf32>
        tpu.vector_store %swap3A_987[%swap3A_988, %swap3A_989, %swap3A_990], %swap3A_993 {strides = array<i32>} : memref<50x8x128xf32, #tpu.memory_space<vmem>>, vector<1x1x16xf32>,
        %mul3A_994 = arith.mulf %gather3A_902, %sub3A_90 : vector<16xf32>
        %add3A_995 = arith.addf %mul3A_994, %get3A_43 : vector<16xf32>
        %swap3A_996 = arith.constant 0 : i32
        %swap3A_997 = arith.constant 0 : i32
        %swap3A_998 = arith.constant 0 : i32
        %swap3A_999 = tpu.memref_slice %arg7[%select_n3A_148, %swap3A_996, %swap3A_997, %swap3A_998] : memref<2x50x8x128xf32, #tpu.memory_space<vmem>> -> memref<1x50x8x128xf32, #tpu.memory_space<vmem>>
        %swap3A_1000 = tpu.memref_squeeze %swap3A_999 : memref<1x50x8x128xf32, #tpu.memory_space<vmem>> -> memref<50x8x128xf32, #tpu.memory_space<vmem>>
        %swap3A_1001 = arith.index_cast %sub3A_898 : i32 to index
        %swap3A_1002 = arith.index_cast %select_n3A_895 : i32 to index
        %swap3A_1003 = arith.constant 112 : index
        %swap3A_1004 = tpu.vector_load %swap3A_1000[%swap3A_1001, %swap3A_1002, %swap3A_1003] {strides = array<i32>} : memref<50x8x128xf32, #tpu.memory_space<vmem>>, vector<1x1x16xf32>,
        %swap3A_1005 = vector.shape_cast %swap3A_1004 : vector<1x1x16xf32> to vector<16xf32>
        %swap3A_1006 = vector.shape_cast %add3A_995 : vector<16xf32> to vector<1x1x16xf32>
        tpu.vector_store %swap3A_1000[%swap3A_1001, %swap3A_1002, %swap3A_1003], %swap3A_1006 {strides = array<i32>} : memref<50x8x128xf32, #tpu.memory_space<vmem>>, vector<1x1x16xf32>,
        %add3A_1007 = arith.constant 6 : i32
        %add3A_1008 = arith.addi %mul3A_179, %add3A_1007 : i32
        %jit3A_1009 = arith.constant 50 : i32
        %div3A_1010 = arith.divsi %add3A_1008, %jit3A_1009 : i32
        %sign3A_1011 = arith.constant 0 : i32
        %sign3A_1012 = arith.cmpi sgt, %add3A_1008, %sign3A_1011 : i32
        %sign3A_1013 = arith.extui %sign3A_1012 : i1 to i32
        %sign3A_1014 = arith.constant 0 : i32
        %sign3A_1015 = arith.cmpi slt, %add3A_1008, %sign3A_1014 : i32
        %sign3A_1016 = arith.extui %sign3A_1015 : i1 to i32
        %sign3A_1017 = arith.subi %sign3A_1013, %sign3A_1016 : i32
        %sign3A_1018 = arith.constant 0 : i32
        %sign3A_1019 = arith.cmpi sgt, %jit3A_1009, %sign3A_1018 : i32
        %sign3A_1020 = arith.extui %sign3A_1019 : i1 to i32
        %sign3A_1021 = arith.constant 0 : i32
        %sign3A_1022 = arith.cmpi slt, %jit3A_1009, %sign3A_1021 : i32
        %sign3A_1023 = arith.extui %sign3A_1022 : i1 to i32
        %sign3A_1024 = arith.subi %sign3A_1020, %sign3A_1023 : i32
        %ne3A_1025 = arith.cmpi ne, %sign3A_1017, %sign3A_1024 : i32
        %rem3A_1026 = arith.remsi %add3A_1008, %jit3A_1009 : i32
        %ne3A_1027 = arith.constant 0 : i32
        %ne3A_1028 = arith.cmpi ne, %rem3A_1026, %ne3A_1027 : i32
        %and3A_1029 = arith.andi %ne3A_1025, %ne3A_1028 : i1
        %sub3A_1030 = arith.constant 1 : i32
        %sub3A_1031 = arith.subi %div3A_1010, %sub3A_1030 : i32
        %select_n3A_1032 = arith.select %and3A_1029, %sub3A_1031, %div3A_1010 : i32
        %mul3A_1033 = arith.constant 50 : i32
        %mul3A_1034 = arith.muli %select_n3A_1032, %mul3A_1033 : i32
        %sub3A_1035 = arith.subi %add3A_1008, %mul3A_1034 : i32
        %broadcast_in_dim3A_1036 = arith.constant 6 : i32
        %broadcast_in_dim3A_1037 = vector.broadcast %broadcast_in_dim3A_1036 : i32 to vector<16x1xi32>
        %gather3A_1038 = vector.shape_cast %broadcast_in_dim3A_1037 : vector<16x1xi32> to vector<16xi32>
        %gather3A_1039 = tpu.dynamic_gather %convert_element_type3A_189[%gather3A_1038] in [0] : vector<16xf32>, vector<16xi32> -> vector<16xf32>
        %mul3A_1040 = arith.mulf %gather3A_1039, %sub3A : vector<16xf32>
        %add3A_1041 = arith.addf %mul3A_1040, %get3A_8 : vector<16xf32>
        %swap3A_1042 = arith.constant 0 : i32
        %swap3A_1043 = arith.constant 0 : i32
        %swap3A_1044 = arith.constant 0 : i32
        %swap3A_1045 = tpu.memref_slice %arg7[%select_n3A_148, %swap3A_1042, %swap3A_1043, %swap3A_1044] : memref<2x50x8x128xf32, #tpu.memory_space<vmem>> -> memref<1x50x8x128xf32, #tpu.memory_space<vmem>>
        %swap3A_1046 = tpu.memref_squeeze %swap3A_1045 : memref<1x50x8x128xf32, #tpu.memory_space<vmem>> -> memref<50x8x128xf32, #tpu.memory_space<vmem>>
        %swap3A_1047 = arith.index_cast %sub3A_1035 : i32 to index
        %swap3A_1048 = arith.index_cast %select_n3A_1032 : i32 to index
        %swap3A_1049 = arith.constant 0 : index
        %swap3A_1050 = tpu.vector_load %swap3A_1046[%swap3A_1047, %swap3A_1048, %swap3A_1049] {strides = array<i32>} : memref<50x8x128xf32, #tpu.memory_space<vmem>>, vector<1x1x16xf32>,
        %swap3A_1051 = vector.shape_cast %swap3A_1050 : vector<1x1x16xf32> to vector<16xf32>
        %swap3A_1052 = vector.shape_cast %add3A_1041 : vector<16xf32> to vector<1x1x16xf32>
        tpu.vector_store %swap3A_1046[%swap3A_1047, %swap3A_1048, %swap3A_1049], %swap3A_1052 {strides = array<i32>} : memref<50x8x128xf32, #tpu.memory_space<vmem>>, vector<1x1x16xf32>,
        %mul3A_1053 = arith.mulf %gather3A_1039, %sub3A_54 : vector<16xf32>
        %add3A_1054 = arith.addf %mul3A_1053, %get3A_13 : vector<16xf32>
        %swap3A_1055 = arith.constant 0 : i32
        %swap3A_1056 = arith.constant 0 : i32
        %swap3A_1057 = arith.constant 0 : i32
        %swap3A_1058 = tpu.memref_slice %arg7[%select_n3A_148, %swap3A_1055, %swap3A_1056, %swap3A_1057] : memref<2x50x8x128xf32, #tpu.memory_space<vmem>> -> memref<1x50x8x128xf32, #tpu.memory_space<vmem>>
        %swap3A_1059 = tpu.memref_squeeze %swap3A_1058 : memref<1x50x8x128xf32, #tpu.memory_space<vmem>> -> memref<50x8x128xf32, #tpu.memory_space<vmem>>
        %swap3A_1060 = arith.index_cast %sub3A_1035 : i32 to index
        %swap3A_1061 = arith.index_cast %select_n3A_1032 : i32 to index
        %swap3A_1062 = arith.constant 16 : index
        %swap3A_1063 = tpu.vector_load %swap3A_1059[%swap3A_1060, %swap3A_1061, %swap3A_1062] {strides = array<i32>} : memref<50x8x128xf32, #tpu.memory_space<vmem>>, vector<1x1x16xf32>,
        %swap3A_1064 = vector.shape_cast %swap3A_1063 : vector<1x1x16xf32> to vector<16xf32>
        %swap3A_1065 = vector.shape_cast %add3A_1054 : vector<16xf32> to vector<1x1x16xf32>
        tpu.vector_store %swap3A_1059[%swap3A_1060, %swap3A_1061, %swap3A_1062], %swap3A_1065 {strides = array<i32>} : memref<50x8x128xf32, #tpu.memory_space<vmem>>, vector<1x1x16xf32>,
        %mul3A_1066 = arith.mulf %gather3A_1039, %sub3A_60 : vector<16xf32>
        %add3A_1067 = arith.addf %mul3A_1066, %get3A_18 : vector<16xf32>
        %swap3A_1068 = arith.constant 0 : i32
        %swap3A_1069 = arith.constant 0 : i32
        %swap3A_1070 = arith.constant 0 : i32
        %swap3A_1071 = tpu.memref_slice %arg7[%select_n3A_148, %swap3A_1068, %swap3A_1069, %swap3A_1070] : memref<2x50x8x128xf32, #tpu.memory_space<vmem>> -> memref<1x50x8x128xf32, #tpu.memory_space<vmem>>
        %swap3A_1072 = tpu.memref_squeeze %swap3A_1071 : memref<1x50x8x128xf32, #tpu.memory_space<vmem>> -> memref<50x8x128xf32, #tpu.memory_space<vmem>>
        %swap3A_1073 = arith.index_cast %sub3A_1035 : i32 to index
        %swap3A_1074 = arith.index_cast %select_n3A_1032 : i32 to index
        %swap3A_1075 = arith.constant 32 : index
        %swap3A_1076 = tpu.vector_load %swap3A_1072[%swap3A_1073, %swap3A_1074, %swap3A_1075] {strides = array<i32>} : memref<50x8x128xf32, #tpu.memory_space<vmem>>, vector<1x1x16xf32>,
        %swap3A_1077 = vector.shape_cast %swap3A_1076 : vector<1x1x16xf32> to vector<16xf32>
        %swap3A_1078 = vector.shape_cast %add3A_1067 : vector<16xf32> to vector<1x1x16xf32>
        tpu.vector_store %swap3A_1072[%swap3A_1073, %swap3A_1074, %swap3A_1075], %swap3A_1078 {strides = array<i32>} : memref<50x8x128xf32, #tpu.memory_space<vmem>>, vector<1x1x16xf32>,
        %mul3A_1079 = arith.mulf %gather3A_1039, %sub3A_66 : vector<16xf32>
        %add3A_1080 = arith.addf %mul3A_1079, %get3A_23 : vector<16xf32>
        %swap3A_1081 = arith.constant 0 : i32
        %swap3A_1082 = arith.constant 0 : i32
        %swap3A_1083 = arith.constant 0 : i32
        %swap3A_1084 = tpu.memref_slice %arg7[%select_n3A_148, %swap3A_1081, %swap3A_1082, %swap3A_1083] : memref<2x50x8x128xf32, #tpu.memory_space<vmem>> -> memref<1x50x8x128xf32, #tpu.memory_space<vmem>>
        %swap3A_1085 = tpu.memref_squeeze %swap3A_1084 : memref<1x50x8x128xf32, #tpu.memory_space<vmem>> -> memref<50x8x128xf32, #tpu.memory_space<vmem>>
        %swap3A_1086 = arith.index_cast %sub3A_1035 : i32 to index
        %swap3A_1087 = arith.index_cast %select_n3A_1032 : i32 to index
        %swap3A_1088 = arith.constant 48 : index
        %swap3A_1089 = tpu.vector_load %swap3A_1085[%swap3A_1086, %swap3A_1087, %swap3A_1088] {strides = array<i32>} : memref<50x8x128xf32, #tpu.memory_space<vmem>>, vector<1x1x16xf32>,
        %swap3A_1090 = vector.shape_cast %swap3A_1089 : vector<1x1x16xf32> to vector<16xf32>
        %swap3A_1091 = vector.shape_cast %add3A_1080 : vector<16xf32> to vector<1x1x16xf32>
        tpu.vector_store %swap3A_1085[%swap3A_1086, %swap3A_1087, %swap3A_1088], %swap3A_1091 {strides = array<i32>} : memref<50x8x128xf32, #tpu.memory_space<vmem>>, vector<1x1x16xf32>,
        %mul3A_1092 = arith.mulf %gather3A_1039, %sub3A_72 : vector<16xf32>
        %add3A_1093 = arith.addf %mul3A_1092, %get3A_28 : vector<16xf32>
        %swap3A_1094 = arith.constant 0 : i32
        %swap3A_1095 = arith.constant 0 : i32
        %swap3A_1096 = arith.constant 0 : i32
        %swap3A_1097 = tpu.memref_slice %arg7[%select_n3A_148, %swap3A_1094, %swap3A_1095, %swap3A_1096] : memref<2x50x8x128xf32, #tpu.memory_space<vmem>> -> memref<1x50x8x128xf32, #tpu.memory_space<vmem>>
        %swap3A_1098 = tpu.memref_squeeze %swap3A_1097 : memref<1x50x8x128xf32, #tpu.memory_space<vmem>> -> memref<50x8x128xf32, #tpu.memory_space<vmem>>
        %swap3A_1099 = arith.index_cast %sub3A_1035 : i32 to index
        %swap3A_1100 = arith.index_cast %select_n3A_1032 : i32 to index
        %swap3A_1101 = arith.constant 64 : index
        %swap3A_1102 = tpu.vector_load %swap3A_1098[%swap3A_1099, %swap3A_1100, %swap3A_1101] {strides = array<i32>} : memref<50x8x128xf32, #tpu.memory_space<vmem>>, vector<1x1x16xf32>,
        %swap3A_1103 = vector.shape_cast %swap3A_1102 : vector<1x1x16xf32> to vector<16xf32>
        %swap3A_1104 = vector.shape_cast %add3A_1093 : vector<16xf32> to vector<1x1x16xf32>
        tpu.vector_store %swap3A_1098[%swap3A_1099, %swap3A_1100, %swap3A_1101], %swap3A_1104 {strides = array<i32>} : memref<50x8x128xf32, #tpu.memory_space<vmem>>, vector<1x1x16xf32>,
        %mul3A_1105 = arith.mulf %gather3A_1039, %sub3A_78 : vector<16xf32>
        %add3A_1106 = arith.addf %mul3A_1105, %get3A_33 : vector<16xf32>
        %swap3A_1107 = arith.constant 0 : i32
        %swap3A_1108 = arith.constant 0 : i32
        %swap3A_1109 = arith.constant 0 : i32
        %swap3A_1110 = tpu.memref_slice %arg7[%select_n3A_148, %swap3A_1107, %swap3A_1108, %swap3A_1109] : memref<2x50x8x128xf32, #tpu.memory_space<vmem>> -> memref<1x50x8x128xf32, #tpu.memory_space<vmem>>
        %swap3A_1111 = tpu.memref_squeeze %swap3A_1110 : memref<1x50x8x128xf32, #tpu.memory_space<vmem>> -> memref<50x8x128xf32, #tpu.memory_space<vmem>>
        %swap3A_1112 = arith.index_cast %sub3A_1035 : i32 to index
        %swap3A_1113 = arith.index_cast %select_n3A_1032 : i32 to index
        %swap3A_1114 = arith.constant 80 : index
        %swap3A_1115 = tpu.vector_load %swap3A_1111[%swap3A_1112, %swap3A_1113, %swap3A_1114] {strides = array<i32>} : memref<50x8x128xf32, #tpu.memory_space<vmem>>, vector<1x1x16xf32>,
        %swap3A_1116 = vector.shape_cast %swap3A_1115 : vector<1x1x16xf32> to vector<16xf32>
        %swap3A_1117 = vector.shape_cast %add3A_1106 : vector<16xf32> to vector<1x1x16xf32>
        tpu.vector_store %swap3A_1111[%swap3A_1112, %swap3A_1113, %swap3A_1114], %swap3A_1117 {strides = array<i32>} : memref<50x8x128xf32, #tpu.memory_space<vmem>>, vector<1x1x16xf32>,
        %mul3A_1118 = arith.mulf %gather3A_1039, %sub3A_84 : vector<16xf32>
        %add3A_1119 = arith.addf %mul3A_1118, %get3A_38 : vector<16xf32>
        %swap3A_1120 = arith.constant 0 : i32
        %swap3A_1121 = arith.constant 0 : i32
        %swap3A_1122 = arith.constant 0 : i32
        %swap3A_1123 = tpu.memref_slice %arg7[%select_n3A_148, %swap3A_1120, %swap3A_1121, %swap3A_1122] : memref<2x50x8x128xf32, #tpu.memory_space<vmem>> -> memref<1x50x8x128xf32, #tpu.memory_space<vmem>>
        %swap3A_1124 = tpu.memref_squeeze %swap3A_1123 : memref<1x50x8x128xf32, #tpu.memory_space<vmem>> -> memref<50x8x128xf32, #tpu.memory_space<vmem>>
        %swap3A_1125 = arith.index_cast %sub3A_1035 : i32 to index
        %swap3A_1126 = arith.index_cast %select_n3A_1032 : i32 to index
        %swap3A_1127 = arith.constant 96 : index
        %swap3A_1128 = tpu.vector_load %swap3A_1124[%swap3A_1125, %swap3A_1126, %swap3A_1127] {strides = array<i32>} : memref<50x8x128xf32, #tpu.memory_space<vmem>>, vector<1x1x16xf32>,
        %swap3A_1129 = vector.shape_cast %swap3A_1128 : vector<1x1x16xf32> to vector<16xf32>
        %swap3A_1130 = vector.shape_cast %add3A_1119 : vector<16xf32> to vector<1x1x16xf32>
        tpu.vector_store %swap3A_1124[%swap3A_1125, %swap3A_1126, %swap3A_1127], %swap3A_1130 {strides = array<i32>} : memref<50x8x128xf32, #tpu.memory_space<vmem>>, vector<1x1x16xf32>,
        %mul3A_1131 = arith.mulf %gather3A_1039, %sub3A_90 : vector<16xf32>
        %add3A_1132 = arith.addf %mul3A_1131, %get3A_43 : vector<16xf32>
        %swap3A_1133 = arith.constant 0 : i32
        %swap3A_1134 = arith.constant 0 : i32
        %swap3A_1135 = arith.constant 0 : i32
        %swap3A_1136 = tpu.memref_slice %arg7[%select_n3A_148, %swap3A_1133, %swap3A_1134, %swap3A_1135] : memref<2x50x8x128xf32, #tpu.memory_space<vmem>> -> memref<1x50x8x128xf32, #tpu.memory_space<vmem>>
        %swap3A_1137 = tpu.memref_squeeze %swap3A_1136 : memref<1x50x8x128xf32, #tpu.memory_space<vmem>> -> memref<50x8x128xf32, #tpu.memory_space<vmem>>
        %swap3A_1138 = arith.index_cast %sub3A_1035 : i32 to index
        %swap3A_1139 = arith.index_cast %select_n3A_1032 : i32 to index
        %swap3A_1140 = arith.constant 112 : index
        %swap3A_1141 = tpu.vector_load %swap3A_1137[%swap3A_1138, %swap3A_1139, %swap3A_1140] {strides = array<i32>} : memref<50x8x128xf32, #tpu.memory_space<vmem>>, vector<1x1x16xf32>,
        %swap3A_1142 = vector.shape_cast %swap3A_1141 : vector<1x1x16xf32> to vector<16xf32>
        %swap3A_1143 = vector.shape_cast %add3A_1132 : vector<16xf32> to vector<1x1x16xf32>
        tpu.vector_store %swap3A_1137[%swap3A_1138, %swap3A_1139, %swap3A_1140], %swap3A_1143 {strides = array<i32>} : memref<50x8x128xf32, #tpu.memory_space<vmem>>, vector<1x1x16xf32>,
        %add3A_1144 = arith.constant 7 : i32
        %add3A_1145 = arith.addi %mul3A_179, %add3A_1144 : i32
        %jit3A_1146 = arith.constant 50 : i32
        %div3A_1147 = arith.divsi %add3A_1145, %jit3A_1146 : i32
        %sign3A_1148 = arith.constant 0 : i32
        %sign3A_1149 = arith.cmpi sgt, %add3A_1145, %sign3A_1148 : i32
        %sign3A_1150 = arith.extui %sign3A_1149 : i1 to i32
        %sign3A_1151 = arith.constant 0 : i32
        %sign3A_1152 = arith.cmpi slt, %add3A_1145, %sign3A_1151 : i32
        %sign3A_1153 = arith.extui %sign3A_1152 : i1 to i32
        %sign3A_1154 = arith.subi %sign3A_1150, %sign3A_1153 : i32
        %sign3A_1155 = arith.constant 0 : i32
        %sign3A_1156 = arith.cmpi sgt, %jit3A_1146, %sign3A_1155 : i32
        %sign3A_1157 = arith.extui %sign3A_1156 : i1 to i32
        %sign3A_1158 = arith.constant 0 : i32
        %sign3A_1159 = arith.cmpi slt, %jit3A_1146, %sign3A_1158 : i32
        %sign3A_1160 = arith.extui %sign3A_1159 : i1 to i32
        %sign3A_1161 = arith.subi %sign3A_1157, %sign3A_1160 : i32
        %ne3A_1162 = arith.cmpi ne, %sign3A_1154, %sign3A_1161 : i32
        %rem3A_1163 = arith.remsi %add3A_1145, %jit3A_1146 : i32
        %ne3A_1164 = arith.constant 0 : i32
        %ne3A_1165 = arith.cmpi ne, %rem3A_1163, %ne3A_1164 : i32
        %and3A_1166 = arith.andi %ne3A_1162, %ne3A_1165 : i1
        %sub3A_1167 = arith.constant 1 : i32
        %sub3A_1168 = arith.subi %div3A_1147, %sub3A_1167 : i32
        %select_n3A_1169 = arith.select %and3A_1166, %sub3A_1168, %div3A_1147 : i32
        %mul3A_1170 = arith.constant 50 : i32
        %mul3A_1171 = arith.muli %select_n3A_1169, %mul3A_1170 : i32
        %sub3A_1172 = arith.subi %add3A_1145, %mul3A_1171 : i32
        %broadcast_in_dim3A_1173 = arith.constant 7 : i32
        %broadcast_in_dim3A_1174 = vector.broadcast %broadcast_in_dim3A_1173 : i32 to vector<16x1xi32>
        %gather3A_1175 = vector.shape_cast %broadcast_in_dim3A_1174 : vector<16x1xi32> to vector<16xi32>
        %gather3A_1176 = tpu.dynamic_gather %convert_element_type3A_189[%gather3A_1175] in [0] : vector<16xf32>, vector<16xi32> -> vector<16xf32>
        %mul3A_1177 = arith.mulf %gather3A_1176, %sub3A : vector<16xf32>
        %add3A_1178 = arith.addf %mul3A_1177, %get3A_8 : vector<16xf32>
        %swap3A_1179 = arith.constant 0 : i32
        %swap3A_1180 = arith.constant 0 : i32
        %swap3A_1181 = arith.constant 0 : i32
        %swap3A_1182 = tpu.memref_slice %arg7[%select_n3A_148, %swap3A_1179, %swap3A_1180, %swap3A_1181] : memref<2x50x8x128xf32, #tpu.memory_space<vmem>> -> memref<1x50x8x128xf32, #tpu.memory_space<vmem>>
        %swap3A_1183 = tpu.memref_squeeze %swap3A_1182 : memref<1x50x8x128xf32, #tpu.memory_space<vmem>> -> memref<50x8x128xf32, #tpu.memory_space<vmem>>
        %swap3A_1184 = arith.index_cast %sub3A_1172 : i32 to index
        %swap3A_1185 = arith.index_cast %select_n3A_1169 : i32 to index
        %swap3A_1186 = arith.constant 0 : index
        %swap3A_1187 = tpu.vector_load %swap3A_1183[%swap3A_1184, %swap3A_1185, %swap3A_1186] {strides = array<i32>} : memref<50x8x128xf32, #tpu.memory_space<vmem>>, vector<1x1x16xf32>,
        %swap3A_1188 = vector.shape_cast %swap3A_1187 : vector<1x1x16xf32> to vector<16xf32>
        %swap3A_1189 = vector.shape_cast %add3A_1178 : vector<16xf32> to vector<1x1x16xf32>
        tpu.vector_store %swap3A_1183[%swap3A_1184, %swap3A_1185, %swap3A_1186], %swap3A_1189 {strides = array<i32>} : memref<50x8x128xf32, #tpu.memory_space<vmem>>, vector<1x1x16xf32>,
        %mul3A_1190 = arith.mulf %gather3A_1176, %sub3A_54 : vector<16xf32>
        %add3A_1191 = arith.addf %mul3A_1190, %get3A_13 : vector<16xf32>
        %swap3A_1192 = arith.constant 0 : i32
        %swap3A_1193 = arith.constant 0 : i32
        %swap3A_1194 = arith.constant 0 : i32
        %swap3A_1195 = tpu.memref_slice %arg7[%select_n3A_148, %swap3A_1192, %swap3A_1193, %swap3A_1194] : memref<2x50x8x128xf32, #tpu.memory_space<vmem>> -> memref<1x50x8x128xf32, #tpu.memory_space<vmem>>
        %swap3A_1196 = tpu.memref_squeeze %swap3A_1195 : memref<1x50x8x128xf32, #tpu.memory_space<vmem>> -> memref<50x8x128xf32, #tpu.memory_space<vmem>>
        %swap3A_1197 = arith.index_cast %sub3A_1172 : i32 to index
        %swap3A_1198 = arith.index_cast %select_n3A_1169 : i32 to index
        %swap3A_1199 = arith.constant 16 : index
        %swap3A_1200 = tpu.vector_load %swap3A_1196[%swap3A_1197, %swap3A_1198, %swap3A_1199] {strides = array<i32>} : memref<50x8x128xf32, #tpu.memory_space<vmem>>, vector<1x1x16xf32>,
        %swap3A_1201 = vector.shape_cast %swap3A_1200 : vector<1x1x16xf32> to vector<16xf32>
        %swap3A_1202 = vector.shape_cast %add3A_1191 : vector<16xf32> to vector<1x1x16xf32>
        tpu.vector_store %swap3A_1196[%swap3A_1197, %swap3A_1198, %swap3A_1199], %swap3A_1202 {strides = array<i32>} : memref<50x8x128xf32, #tpu.memory_space<vmem>>, vector<1x1x16xf32>,
        %mul3A_1203 = arith.mulf %gather3A_1176, %sub3A_60 : vector<16xf32>
        %add3A_1204 = arith.addf %mul3A_1203, %get3A_18 : vector<16xf32>
        %swap3A_1205 = arith.constant 0 : i32
        %swap3A_1206 = arith.constant 0 : i32
        %swap3A_1207 = arith.constant 0 : i32
        %swap3A_1208 = tpu.memref_slice %arg7[%select_n3A_148, %swap3A_1205, %swap3A_1206, %swap3A_1207] : memref<2x50x8x128xf32, #tpu.memory_space<vmem>> -> memref<1x50x8x128xf32, #tpu.memory_space<vmem>>
        %swap3A_1209 = tpu.memref_squeeze %swap3A_1208 : memref<1x50x8x128xf32, #tpu.memory_space<vmem>> -> memref<50x8x128xf32, #tpu.memory_space<vmem>>
        %swap3A_1210 = arith.index_cast %sub3A_1172 : i32 to index
        %swap3A_1211 = arith.index_cast %select_n3A_1169 : i32 to index
        %swap3A_1212 = arith.constant 32 : index
        %swap3A_1213 = tpu.vector_load %swap3A_1209[%swap3A_1210, %swap3A_1211, %swap3A_1212] {strides = array<i32>} : memref<50x8x128xf32, #tpu.memory_space<vmem>>, vector<1x1x16xf32>,
        %swap3A_1214 = vector.shape_cast %swap3A_1213 : vector<1x1x16xf32> to vector<16xf32>
        %swap3A_1215 = vector.shape_cast %add3A_1204 : vector<16xf32> to vector<1x1x16xf32>
        tpu.vector_store %swap3A_1209[%swap3A_1210, %swap3A_1211, %swap3A_1212], %swap3A_1215 {strides = array<i32>} : memref<50x8x128xf32, #tpu.memory_space<vmem>>, vector<1x1x16xf32>,
        %mul3A_1216 = arith.mulf %gather3A_1176, %sub3A_66 : vector<16xf32>
        %add3A_1217 = arith.addf %mul3A_1216, %get3A_23 : vector<16xf32>
        %swap3A_1218 = arith.constant 0 : i32
        %swap3A_1219 = arith.constant 0 : i32
        %swap3A_1220 = arith.constant 0 : i32
        %swap3A_1221 = tpu.memref_slice %arg7[%select_n3A_148, %swap3A_1218, %swap3A_1219, %swap3A_1220] : memref<2x50x8x128xf32, #tpu.memory_space<vmem>> -> memref<1x50x8x128xf32, #tpu.memory_space<vmem>>
        %swap3A_1222 = tpu.memref_squeeze %swap3A_1221 : memref<1x50x8x128xf32, #tpu.memory_space<vmem>> -> memref<50x8x128xf32, #tpu.memory_space<vmem>>
        %swap3A_1223 = arith.index_cast %sub3A_1172 : i32 to index
        %swap3A_1224 = arith.index_cast %select_n3A_1169 : i32 to index
        %swap3A_1225 = arith.constant 48 : index
        %swap3A_1226 = tpu.vector_load %swap3A_1222[%swap3A_1223, %swap3A_1224, %swap3A_1225] {strides = array<i32>} : memref<50x8x128xf32, #tpu.memory_space<vmem>>, vector<1x1x16xf32>,
        %swap3A_1227 = vector.shape_cast %swap3A_1226 : vector<1x1x16xf32> to vector<16xf32>
        %swap3A_1228 = vector.shape_cast %add3A_1217 : vector<16xf32> to vector<1x1x16xf32>
        tpu.vector_store %swap3A_1222[%swap3A_1223, %swap3A_1224, %swap3A_1225], %swap3A_1228 {strides = array<i32>} : memref<50x8x128xf32, #tpu.memory_space<vmem>>, vector<1x1x16xf32>,
        %mul3A_1229 = arith.mulf %gather3A_1176, %sub3A_72 : vector<16xf32>
        %add3A_1230 = arith.addf %mul3A_1229, %get3A_28 : vector<16xf32>
        %swap3A_1231 = arith.constant 0 : i32
        %swap3A_1232 = arith.constant 0 : i32
        %swap3A_1233 = arith.constant 0 : i32
        %swap3A_1234 = tpu.memref_slice %arg7[%select_n3A_148, %swap3A_1231, %swap3A_1232, %swap3A_1233] : memref<2x50x8x128xf32, #tpu.memory_space<vmem>> -> memref<1x50x8x128xf32, #tpu.memory_space<vmem>>
        %swap3A_1235 = tpu.memref_squeeze %swap3A_1234 : memref<1x50x8x128xf32, #tpu.memory_space<vmem>> -> memref<50x8x128xf32, #tpu.memory_space<vmem>>
        %swap3A_1236 = arith.index_cast %sub3A_1172 : i32 to index
        %swap3A_1237 = arith.index_cast %select_n3A_1169 : i32 to index
        %swap3A_1238 = arith.constant 64 : index
        %swap3A_1239 = tpu.vector_load %swap3A_1235[%swap3A_1236, %swap3A_1237, %swap3A_1238] {strides = array<i32>} : memref<50x8x128xf32, #tpu.memory_space<vmem>>, vector<1x1x16xf32>,
        %swap3A_1240 = vector.shape_cast %swap3A_1239 : vector<1x1x16xf32> to vector<16xf32>
        %swap3A_1241 = vector.shape_cast %add3A_1230 : vector<16xf32> to vector<1x1x16xf32>
        tpu.vector_store %swap3A_1235[%swap3A_1236, %swap3A_1237, %swap3A_1238], %swap3A_1241 {strides = array<i32>} : memref<50x8x128xf32, #tpu.memory_space<vmem>>, vector<1x1x16xf32>,
        %mul3A_1242 = arith.mulf %gather3A_1176, %sub3A_78 : vector<16xf32>
        %add3A_1243 = arith.addf %mul3A_1242, %get3A_33 : vector<16xf32>
        %swap3A_1244 = arith.constant 0 : i32
        %swap3A_1245 = arith.constant 0 : i32
        %swap3A_1246 = arith.constant 0 : i32
        %swap3A_1247 = tpu.memref_slice %arg7[%select_n3A_148, %swap3A_1244, %swap3A_1245, %swap3A_1246] : memref<2x50x8x128xf32, #tpu.memory_space<vmem>> -> memref<1x50x8x128xf32, #tpu.memory_space<vmem>>
        %swap3A_1248 = tpu.memref_squeeze %swap3A_1247 : memref<1x50x8x128xf32, #tpu.memory_space<vmem>> -> memref<50x8x128xf32, #tpu.memory_space<vmem>>
        %swap3A_1249 = arith.index_cast %sub3A_1172 : i32 to index
        %swap3A_1250 = arith.index_cast %select_n3A_1169 : i32 to index
        %swap3A_1251 = arith.constant 80 : index
        %swap3A_1252 = tpu.vector_load %swap3A_1248[%swap3A_1249, %swap3A_1250, %swap3A_1251] {strides = array<i32>} : memref<50x8x128xf32, #tpu.memory_space<vmem>>, vector<1x1x16xf32>,
        %swap3A_1253 = vector.shape_cast %swap3A_1252 : vector<1x1x16xf32> to vector<16xf32>
        %swap3A_1254 = vector.shape_cast %add3A_1243 : vector<16xf32> to vector<1x1x16xf32>
        tpu.vector_store %swap3A_1248[%swap3A_1249, %swap3A_1250, %swap3A_1251], %swap3A_1254 {strides = array<i32>} : memref<50x8x128xf32, #tpu.memory_space<vmem>>, vector<1x1x16xf32>,
        %mul3A_1255 = arith.mulf %gather3A_1176, %sub3A_84 : vector<16xf32>
        %add3A_1256 = arith.addf %mul3A_1255, %get3A_38 : vector<16xf32>
        %swap3A_1257 = arith.constant 0 : i32
        %swap3A_1258 = arith.constant 0 : i32
        %swap3A_1259 = arith.constant 0 : i32
        %swap3A_1260 = tpu.memref_slice %arg7[%select_n3A_148, %swap3A_1257, %swap3A_1258, %swap3A_1259] : memref<2x50x8x128xf32, #tpu.memory_space<vmem>> -> memref<1x50x8x128xf32, #tpu.memory_space<vmem>>
        %swap3A_1261 = tpu.memref_squeeze %swap3A_1260 : memref<1x50x8x128xf32, #tpu.memory_space<vmem>> -> memref<50x8x128xf32, #tpu.memory_space<vmem>>
        %swap3A_1262 = arith.index_cast %sub3A_1172 : i32 to index
        %swap3A_1263 = arith.index_cast %select_n3A_1169 : i32 to index
        %swap3A_1264 = arith.constant 96 : index
        %swap3A_1265 = tpu.vector_load %swap3A_1261[%swap3A_1262, %swap3A_1263, %swap3A_1264] {strides = array<i32>} : memref<50x8x128xf32, #tpu.memory_space<vmem>>, vector<1x1x16xf32>,
        %swap3A_1266 = vector.shape_cast %swap3A_1265 : vector<1x1x16xf32> to vector<16xf32>
        %swap3A_1267 = vector.shape_cast %add3A_1256 : vector<16xf32> to vector<1x1x16xf32>
        tpu.vector_store %swap3A_1261[%swap3A_1262, %swap3A_1263, %swap3A_1264], %swap3A_1267 {strides = array<i32>} : memref<50x8x128xf32, #tpu.memory_space<vmem>>, vector<1x1x16xf32>,
        %mul3A_1268 = arith.mulf %gather3A_1176, %sub3A_90 : vector<16xf32>
        %add3A_1269 = arith.addf %mul3A_1268, %get3A_43 : vector<16xf32>
        %swap3A_1270 = arith.constant 0 : i32
        %swap3A_1271 = arith.constant 0 : i32
        %swap3A_1272 = arith.constant 0 : i32
        %swap3A_1273 = tpu.memref_slice %arg7[%select_n3A_148, %swap3A_1270, %swap3A_1271, %swap3A_1272] : memref<2x50x8x128xf32, #tpu.memory_space<vmem>> -> memref<1x50x8x128xf32, #tpu.memory_space<vmem>>
        %swap3A_1274 = tpu.memref_squeeze %swap3A_1273 : memref<1x50x8x128xf32, #tpu.memory_space<vmem>> -> memref<50x8x128xf32, #tpu.memory_space<vmem>>
        %swap3A_1275 = arith.index_cast %sub3A_1172 : i32 to index
        %swap3A_1276 = arith.index_cast %select_n3A_1169 : i32 to index
        %swap3A_1277 = arith.constant 112 : index
        %swap3A_1278 = tpu.vector_load %swap3A_1274[%swap3A_1275, %swap3A_1276, %swap3A_1277] {strides = array<i32>} : memref<50x8x128xf32, #tpu.memory_space<vmem>>, vector<1x1x16xf32>,
        %swap3A_1279 = vector.shape_cast %swap3A_1278 : vector<1x1x16xf32> to vector<16xf32>
        %swap3A_1280 = vector.shape_cast %add3A_1269 : vector<16xf32> to vector<1x1x16xf32>
        tpu.vector_store %swap3A_1274[%swap3A_1275, %swap3A_1276, %swap3A_1277], %swap3A_1280 {strides = array<i32>} : memref<50x8x128xf32, #tpu.memory_space<vmem>>, vector<1x1x16xf32>,
        %add3A_1281 = arith.constant 8 : i32
        %add3A_1282 = arith.addi %mul3A_179, %add3A_1281 : i32
        %jit3A_1283 = arith.constant 50 : i32
        %div3A_1284 = arith.divsi %add3A_1282, %jit3A_1283 : i32
        %sign3A_1285 = arith.constant 0 : i32
        %sign3A_1286 = arith.cmpi sgt, %add3A_1282, %sign3A_1285 : i32
        %sign3A_1287 = arith.extui %sign3A_1286 : i1 to i32
        %sign3A_1288 = arith.constant 0 : i32
        %sign3A_1289 = arith.cmpi slt, %add3A_1282, %sign3A_1288 : i32
        %sign3A_1290 = arith.extui %sign3A_1289 : i1 to i32
        %sign3A_1291 = arith.subi %sign3A_1287, %sign3A_1290 : i32
        %sign3A_1292 = arith.constant 0 : i32
        %sign3A_1293 = arith.cmpi sgt, %jit3A_1283, %sign3A_1292 : i32
        %sign3A_1294 = arith.extui %sign3A_1293 : i1 to i32
        %sign3A_1295 = arith.constant 0 : i32
        %sign3A_1296 = arith.cmpi slt, %jit3A_1283, %sign3A_1295 : i32
        %sign3A_1297 = arith.extui %sign3A_1296 : i1 to i32
        %sign3A_1298 = arith.subi %sign3A_1294, %sign3A_1297 : i32
        %ne3A_1299 = arith.cmpi ne, %sign3A_1291, %sign3A_1298 : i32
        %rem3A_1300 = arith.remsi %add3A_1282, %jit3A_1283 : i32
        %ne3A_1301 = arith.constant 0 : i32
        %ne3A_1302 = arith.cmpi ne, %rem3A_1300, %ne3A_1301 : i32
        %and3A_1303 = arith.andi %ne3A_1299, %ne3A_1302 : i1
        %sub3A_1304 = arith.constant 1 : i32
        %sub3A_1305 = arith.subi %div3A_1284, %sub3A_1304 : i32
        %select_n3A_1306 = arith.select %and3A_1303, %sub3A_1305, %div3A_1284 : i32
        %mul3A_1307 = arith.constant 50 : i32
        %mul3A_1308 = arith.muli %select_n3A_1306, %mul3A_1307 : i32
        %sub3A_1309 = arith.subi %add3A_1282, %mul3A_1308 : i32
        %broadcast_in_dim3A_1310 = arith.constant 8 : i32
        %broadcast_in_dim3A_1311 = vector.broadcast %broadcast_in_dim3A_1310 : i32 to vector<16x1xi32>
        %gather3A_1312 = vector.shape_cast %broadcast_in_dim3A_1311 : vector<16x1xi32> to vector<16xi32>
        %gather3A_1313 = tpu.dynamic_gather %convert_element_type3A_189[%gather3A_1312] in [0] : vector<16xf32>, vector<16xi32> -> vector<16xf32>
        %mul3A_1314 = arith.mulf %gather3A_1313, %sub3A : vector<16xf32>
        %add3A_1315 = arith.addf %mul3A_1314, %get3A_8 : vector<16xf32>
        %swap3A_1316 = arith.constant 0 : i32
        %swap3A_1317 = arith.constant 0 : i32
        %swap3A_1318 = arith.constant 0 : i32
        %swap3A_1319 = tpu.memref_slice %arg7[%select_n3A_148, %swap3A_1316, %swap3A_1317, %swap3A_1318] : memref<2x50x8x128xf32, #tpu.memory_space<vmem>> -> memref<1x50x8x128xf32, #tpu.memory_space<vmem>>
        %swap3A_1320 = tpu.memref_squeeze %swap3A_1319 : memref<1x50x8x128xf32, #tpu.memory_space<vmem>> -> memref<50x8x128xf32, #tpu.memory_space<vmem>>
        %swap3A_1321 = arith.index_cast %sub3A_1309 : i32 to index
        %swap3A_1322 = arith.index_cast %select_n3A_1306 : i32 to index
        %swap3A_1323 = arith.constant 0 : index
        %swap3A_1324 = tpu.vector_load %swap3A_1320[%swap3A_1321, %swap3A_1322, %swap3A_1323] {strides = array<i32>} : memref<50x8x128xf32, #tpu.memory_space<vmem>>, vector<1x1x16xf32>,
        %swap3A_1325 = vector.shape_cast %swap3A_1324 : vector<1x1x16xf32> to vector<16xf32>
        %swap3A_1326 = vector.shape_cast %add3A_1315 : vector<16xf32> to vector<1x1x16xf32>
        tpu.vector_store %swap3A_1320[%swap3A_1321, %swap3A_1322, %swap3A_1323], %swap3A_1326 {strides = array<i32>} : memref<50x8x128xf32, #tpu.memory_space<vmem>>, vector<1x1x16xf32>,
        %mul3A_1327 = arith.mulf %gather3A_1313, %sub3A_54 : vector<16xf32>
        %add3A_1328 = arith.addf %mul3A_1327, %get3A_13 : vector<16xf32>
        %swap3A_1329 = arith.constant 0 : i32
        %swap3A_1330 = arith.constant 0 : i32
        %swap3A_1331 = arith.constant 0 : i32
        %swap3A_1332 = tpu.memref_slice %arg7[%select_n3A_148, %swap3A_1329, %swap3A_1330, %swap3A_1331] : memref<2x50x8x128xf32, #tpu.memory_space<vmem>> -> memref<1x50x8x128xf32, #tpu.memory_space<vmem>>
        %swap3A_1333 = tpu.memref_squeeze %swap3A_1332 : memref<1x50x8x128xf32, #tpu.memory_space<vmem>> -> memref<50x8x128xf32, #tpu.memory_space<vmem>>
        %swap3A_1334 = arith.index_cast %sub3A_1309 : i32 to index
        %swap3A_1335 = arith.index_cast %select_n3A_1306 : i32 to index
        %swap3A_1336 = arith.constant 16 : index
        %swap3A_1337 = tpu.vector_load %swap3A_1333[%swap3A_1334, %swap3A_1335, %swap3A_1336] {strides = array<i32>} : memref<50x8x128xf32, #tpu.memory_space<vmem>>, vector<1x1x16xf32>,
        %swap3A_1338 = vector.shape_cast %swap3A_1337 : vector<1x1x16xf32> to vector<16xf32>
        %swap3A_1339 = vector.shape_cast %add3A_1328 : vector<16xf32> to vector<1x1x16xf32>
        tpu.vector_store %swap3A_1333[%swap3A_1334, %swap3A_1335, %swap3A_1336], %swap3A_1339 {strides = array<i32>} : memref<50x8x128xf32, #tpu.memory_space<vmem>>, vector<1x1x16xf32>,
        %mul3A_1340 = arith.mulf %gather3A_1313, %sub3A_60 : vector<16xf32>
        %add3A_1341 = arith.addf %mul3A_1340, %get3A_18 : vector<16xf32>
        %swap3A_1342 = arith.constant 0 : i32
        %swap3A_1343 = arith.constant 0 : i32
        %swap3A_1344 = arith.constant 0 : i32
        %swap3A_1345 = tpu.memref_slice %arg7[%select_n3A_148, %swap3A_1342, %swap3A_1343, %swap3A_1344] : memref<2x50x8x128xf32, #tpu.memory_space<vmem>> -> memref<1x50x8x128xf32, #tpu.memory_space<vmem>>
        %swap3A_1346 = tpu.memref_squeeze %swap3A_1345 : memref<1x50x8x128xf32, #tpu.memory_space<vmem>> -> memref<50x8x128xf32, #tpu.memory_space<vmem>>
        %swap3A_1347 = arith.index_cast %sub3A_1309 : i32 to index
        %swap3A_1348 = arith.index_cast %select_n3A_1306 : i32 to index
        %swap3A_1349 = arith.constant 32 : index
        %swap3A_1350 = tpu.vector_load %swap3A_1346[%swap3A_1347, %swap3A_1348, %swap3A_1349] {strides = array<i32>} : memref<50x8x128xf32, #tpu.memory_space<vmem>>, vector<1x1x16xf32>,
        %swap3A_1351 = vector.shape_cast %swap3A_1350 : vector<1x1x16xf32> to vector<16xf32>
        %swap3A_1352 = vector.shape_cast %add3A_1341 : vector<16xf32> to vector<1x1x16xf32>
        tpu.vector_store %swap3A_1346[%swap3A_1347, %swap3A_1348, %swap3A_1349], %swap3A_1352 {strides = array<i32>} : memref<50x8x128xf32, #tpu.memory_space<vmem>>, vector<1x1x16xf32>,
        %mul3A_1353 = arith.mulf %gather3A_1313, %sub3A_66 : vector<16xf32>
        %add3A_1354 = arith.addf %mul3A_1353, %get3A_23 : vector<16xf32>
        %swap3A_1355 = arith.constant 0 : i32
        %swap3A_1356 = arith.constant 0 : i32
        %swap3A_1357 = arith.constant 0 : i32
        %swap3A_1358 = tpu.memref_slice %arg7[%select_n3A_148, %swap3A_1355, %swap3A_1356, %swap3A_1357] : memref<2x50x8x128xf32, #tpu.memory_space<vmem>> -> memref<1x50x8x128xf32, #tpu.memory_space<vmem>>
        %swap3A_1359 = tpu.memref_squeeze %swap3A_1358 : memref<1x50x8x128xf32, #tpu.memory_space<vmem>> -> memref<50x8x128xf32, #tpu.memory_space<vmem>>
        %swap3A_1360 = arith.index_cast %sub3A_1309 : i32 to index
        %swap3A_1361 = arith.index_cast %select_n3A_1306 : i32 to index
        %swap3A_1362 = arith.constant 48 : index
        %swap3A_1363 = tpu.vector_load %swap3A_1359[%swap3A_1360, %swap3A_1361, %swap3A_1362] {strides = array<i32>} : memref<50x8x128xf32, #tpu.memory_space<vmem>>, vector<1x1x16xf32>,
        %swap3A_1364 = vector.shape_cast %swap3A_1363 : vector<1x1x16xf32> to vector<16xf32>
        %swap3A_1365 = vector.shape_cast %add3A_1354 : vector<16xf32> to vector<1x1x16xf32>
        tpu.vector_store %swap3A_1359[%swap3A_1360, %swap3A_1361, %swap3A_1362], %swap3A_1365 {strides = array<i32>} : memref<50x8x128xf32, #tpu.memory_space<vmem>>, vector<1x1x16xf32>,
        %mul3A_1366 = arith.mulf %gather3A_1313, %sub3A_72 : vector<16xf32>
        %add3A_1367 = arith.addf %mul3A_1366, %get3A_28 : vector<16xf32>
        %swap3A_1368 = arith.constant 0 : i32
        %swap3A_1369 = arith.constant 0 : i32
        %swap3A_1370 = arith.constant 0 : i32
        %swap3A_1371 = tpu.memref_slice %arg7[%select_n3A_148, %swap3A_1368, %swap3A_1369, %swap3A_1370] : memref<2x50x8x128xf32, #tpu.memory_space<vmem>> -> memref<1x50x8x128xf32, #tpu.memory_space<vmem>>
        %swap3A_1372 = tpu.memref_squeeze %swap3A_1371 : memref<1x50x8x128xf32, #tpu.memory_space<vmem>> -> memref<50x8x128xf32, #tpu.memory_space<vmem>>
        %swap3A_1373 = arith.index_cast %sub3A_1309 : i32 to index
        %swap3A_1374 = arith.index_cast %select_n3A_1306 : i32 to index
        %swap3A_1375 = arith.constant 64 : index
        %swap3A_1376 = tpu.vector_load %swap3A_1372[%swap3A_1373, %swap3A_1374, %swap3A_1375] {strides = array<i32>} : memref<50x8x128xf32, #tpu.memory_space<vmem>>, vector<1x1x16xf32>,
        %swap3A_1377 = vector.shape_cast %swap3A_1376 : vector<1x1x16xf32> to vector<16xf32>
        %swap3A_1378 = vector.shape_cast %add3A_1367 : vector<16xf32> to vector<1x1x16xf32>
        tpu.vector_store %swap3A_1372[%swap3A_1373, %swap3A_1374, %swap3A_1375], %swap3A_1378 {strides = array<i32>} : memref<50x8x128xf32, #tpu.memory_space<vmem>>, vector<1x1x16xf32>,
        %mul3A_1379 = arith.mulf %gather3A_1313, %sub3A_78 : vector<16xf32>
        %add3A_1380 = arith.addf %mul3A_1379, %get3A_33 : vector<16xf32>
        %swap3A_1381 = arith.constant 0 : i32
        %swap3A_1382 = arith.constant 0 : i32
        %swap3A_1383 = arith.constant 0 : i32
        %swap3A_1384 = tpu.memref_slice %arg7[%select_n3A_148, %swap3A_1381, %swap3A_1382, %swap3A_1383] : memref<2x50x8x128xf32, #tpu.memory_space<vmem>> -> memref<1x50x8x128xf32, #tpu.memory_space<vmem>>
        %swap3A_1385 = tpu.memref_squeeze %swap3A_1384 : memref<1x50x8x128xf32, #tpu.memory_space<vmem>> -> memref<50x8x128xf32, #tpu.memory_space<vmem>>
        %swap3A_1386 = arith.index_cast %sub3A_1309 : i32 to index
        %swap3A_1387 = arith.index_cast %select_n3A_1306 : i32 to index
        %swap3A_1388 = arith.constant 80 : index
        %swap3A_1389 = tpu.vector_load %swap3A_1385[%swap3A_1386, %swap3A_1387, %swap3A_1388] {strides = array<i32>} : memref<50x8x128xf32, #tpu.memory_space<vmem>>, vector<1x1x16xf32>,
        %swap3A_1390 = vector.shape_cast %swap3A_1389 : vector<1x1x16xf32> to vector<16xf32>
        %swap3A_1391 = vector.shape_cast %add3A_1380 : vector<16xf32> to vector<1x1x16xf32>
        tpu.vector_store %swap3A_1385[%swap3A_1386, %swap3A_1387, %swap3A_1388], %swap3A_1391 {strides = array<i32>} : memref<50x8x128xf32, #tpu.memory_space<vmem>>, vector<1x1x16xf32>,
        %mul3A_1392 = arith.mulf %gather3A_1313, %sub3A_84 : vector<16xf32>
        %add3A_1393 = arith.addf %mul3A_1392, %get3A_38 : vector<16xf32>
        %swap3A_1394 = arith.constant 0 : i32
        %swap3A_1395 = arith.constant 0 : i32
        %swap3A_1396 = arith.constant 0 : i32
        %swap3A_1397 = tpu.memref_slice %arg7[%select_n3A_148, %swap3A_1394, %swap3A_1395, %swap3A_1396] : memref<2x50x8x128xf32, #tpu.memory_space<vmem>> -> memref<1x50x8x128xf32, #tpu.memory_space<vmem>>
        %swap3A_1398 = tpu.memref_squeeze %swap3A_1397 : memref<1x50x8x128xf32, #tpu.memory_space<vmem>> -> memref<50x8x128xf32, #tpu.memory_space<vmem>>
        %swap3A_1399 = arith.index_cast %sub3A_1309 : i32 to index
        %swap3A_1400 = arith.index_cast %select_n3A_1306 : i32 to index
        %swap3A_1401 = arith.constant 96 : index
        %swap3A_1402 = tpu.vector_load %swap3A_1398[%swap3A_1399, %swap3A_1400, %swap3A_1401] {strides = array<i32>} : memref<50x8x128xf32, #tpu.memory_space<vmem>>, vector<1x1x16xf32>,
        %swap3A_1403 = vector.shape_cast %swap3A_1402 : vector<1x1x16xf32> to vector<16xf32>
        %swap3A_1404 = vector.shape_cast %add3A_1393 : vector<16xf32> to vector<1x1x16xf32>
        tpu.vector_store %swap3A_1398[%swap3A_1399, %swap3A_1400, %swap3A_1401], %swap3A_1404 {strides = array<i32>} : memref<50x8x128xf32, #tpu.memory_space<vmem>>, vector<1x1x16xf32>,
        %mul3A_1405 = arith.mulf %gather3A_1313, %sub3A_90 : vector<16xf32>
        %add3A_1406 = arith.addf %mul3A_1405, %get3A_43 : vector<16xf32>
        %swap3A_1407 = arith.constant 0 : i32
        %swap3A_1408 = arith.constant 0 : i32
        %swap3A_1409 = arith.constant 0 : i32
        %swap3A_1410 = tpu.memref_slice %arg7[%select_n3A_148, %swap3A_1407, %swap3A_1408, %swap3A_1409] : memref<2x50x8x128xf32, #tpu.memory_space<vmem>> -> memref<1x50x8x128xf32, #tpu.memory_space<vmem>>
        %swap3A_1411 = tpu.memref_squeeze %swap3A_1410 : memref<1x50x8x128xf32, #tpu.memory_space<vmem>> -> memref<50x8x128xf32, #tpu.memory_space<vmem>>
        %swap3A_1412 = arith.index_cast %sub3A_1309 : i32 to index
        %swap3A_1413 = arith.index_cast %select_n3A_1306 : i32 to index
        %swap3A_1414 = arith.constant 112 : index
        %swap3A_1415 = tpu.vector_load %swap3A_1411[%swap3A_1412, %swap3A_1413, %swap3A_1414] {strides = array<i32>} : memref<50x8x128xf32, #tpu.memory_space<vmem>>, vector<1x1x16xf32>,
        %swap3A_1416 = vector.shape_cast %swap3A_1415 : vector<1x1x16xf32> to vector<16xf32>
        %swap3A_1417 = vector.shape_cast %add3A_1406 : vector<16xf32> to vector<1x1x16xf32>
        tpu.vector_store %swap3A_1411[%swap3A_1412, %swap3A_1413, %swap3A_1414], %swap3A_1417 {strides = array<i32>} : memref<50x8x128xf32, #tpu.memory_space<vmem>>, vector<1x1x16xf32>,
        %add3A_1418 = arith.constant 9 : i32
        %add3A_1419 = arith.addi %mul3A_179, %add3A_1418 : i32
        %jit3A_1420 = arith.constant 50 : i32
        %div3A_1421 = arith.divsi %add3A_1419, %jit3A_1420 : i32
        %sign3A_1422 = arith.constant 0 : i32
        %sign3A_1423 = arith.cmpi sgt, %add3A_1419, %sign3A_1422 : i32
        %sign3A_1424 = arith.extui %sign3A_1423 : i1 to i32
        %sign3A_1425 = arith.constant 0 : i32
        %sign3A_1426 = arith.cmpi slt, %add3A_1419, %sign3A_1425 : i32
        %sign3A_1427 = arith.extui %sign3A_1426 : i1 to i32
        %sign3A_1428 = arith.subi %sign3A_1424, %sign3A_1427 : i32
        %sign3A_1429 = arith.constant 0 : i32
        %sign3A_1430 = arith.cmpi sgt, %jit3A_1420, %sign3A_1429 : i32
        %sign3A_1431 = arith.extui %sign3A_1430 : i1 to i32
        %sign3A_1432 = arith.constant 0 : i32
        %sign3A_1433 = arith.cmpi slt, %jit3A_1420, %sign3A_1432 : i32
        %sign3A_1434 = arith.extui %sign3A_1433 : i1 to i32
        %sign3A_1435 = arith.subi %sign3A_1431, %sign3A_1434 : i32
        %ne3A_1436 = arith.cmpi ne, %sign3A_1428, %sign3A_1435 : i32
        %rem3A_1437 = arith.remsi %add3A_1419, %jit3A_1420 : i32
        %ne3A_1438 = arith.constant 0 : i32
        %ne3A_1439 = arith.cmpi ne, %rem3A_1437, %ne3A_1438 : i32
        %and3A_1440 = arith.andi %ne3A_1436, %ne3A_1439 : i1
        %sub3A_1441 = arith.constant 1 : i32
        %sub3A_1442 = arith.subi %div3A_1421, %sub3A_1441 : i32
        %select_n3A_1443 = arith.select %and3A_1440, %sub3A_1442, %div3A_1421 : i32
        %mul3A_1444 = arith.constant 50 : i32
        %mul3A_1445 = arith.muli %select_n3A_1443, %mul3A_1444 : i32
        %sub3A_1446 = arith.subi %add3A_1419, %mul3A_1445 : i32
        %broadcast_in_dim3A_1447 = arith.constant 9 : i32
        %broadcast_in_dim3A_1448 = vector.broadcast %broadcast_in_dim3A_1447 : i32 to vector<16x1xi32>
        %gather3A_1449 = vector.shape_cast %broadcast_in_dim3A_1448 : vector<16x1xi32> to vector<16xi32>
        %gather3A_1450 = tpu.dynamic_gather %convert_element_type3A_189[%gather3A_1449] in [0] : vector<16xf32>, vector<16xi32> -> vector<16xf32>
        %mul3A_1451 = arith.mulf %gather3A_1450, %sub3A : vector<16xf32>
        %add3A_1452 = arith.addf %mul3A_1451, %get3A_8 : vector<16xf32>
        %swap3A_1453 = arith.constant 0 : i32
        %swap3A_1454 = arith.constant 0 : i32
        %swap3A_1455 = arith.constant 0 : i32
        %swap3A_1456 = tpu.memref_slice %arg7[%select_n3A_148, %swap3A_1453, %swap3A_1454, %swap3A_1455] : memref<2x50x8x128xf32, #tpu.memory_space<vmem>> -> memref<1x50x8x128xf32, #tpu.memory_space<vmem>>
        %swap3A_1457 = tpu.memref_squeeze %swap3A_1456 : memref<1x50x8x128xf32, #tpu.memory_space<vmem>> -> memref<50x8x128xf32, #tpu.memory_space<vmem>>
        %swap3A_1458 = arith.index_cast %sub3A_1446 : i32 to index
        %swap3A_1459 = arith.index_cast %select_n3A_1443 : i32 to index
        %swap3A_1460 = arith.constant 0 : index
        %swap3A_1461 = tpu.vector_load %swap3A_1457[%swap3A_1458, %swap3A_1459, %swap3A_1460] {strides = array<i32>} : memref<50x8x128xf32, #tpu.memory_space<vmem>>, vector<1x1x16xf32>,
        %swap3A_1462 = vector.shape_cast %swap3A_1461 : vector<1x1x16xf32> to vector<16xf32>
        %swap3A_1463 = vector.shape_cast %add3A_1452 : vector<16xf32> to vector<1x1x16xf32>
        tpu.vector_store %swap3A_1457[%swap3A_1458, %swap3A_1459, %swap3A_1460], %swap3A_1463 {strides = array<i32>} : memref<50x8x128xf32, #tpu.memory_space<vmem>>, vector<1x1x16xf32>,
        %mul3A_1464 = arith.mulf %gather3A_1450, %sub3A_54 : vector<16xf32>
        %add3A_1465 = arith.addf %mul3A_1464, %get3A_13 : vector<16xf32>
        %swap3A_1466 = arith.constant 0 : i32
        %swap3A_1467 = arith.constant 0 : i32
        %swap3A_1468 = arith.constant 0 : i32
        %swap3A_1469 = tpu.memref_slice %arg7[%select_n3A_148, %swap3A_1466, %swap3A_1467, %swap3A_1468] : memref<2x50x8x128xf32, #tpu.memory_space<vmem>> -> memref<1x50x8x128xf32, #tpu.memory_space<vmem>>
        %swap3A_1470 = tpu.memref_squeeze %swap3A_1469 : memref<1x50x8x128xf32, #tpu.memory_space<vmem>> -> memref<50x8x128xf32, #tpu.memory_space<vmem>>
        %swap3A_1471 = arith.index_cast %sub3A_1446 : i32 to index
        %swap3A_1472 = arith.index_cast %select_n3A_1443 : i32 to index
        %swap3A_1473 = arith.constant 16 : index
        %swap3A_1474 = tpu.vector_load %swap3A_1470[%swap3A_1471, %swap3A_1472, %swap3A_1473] {strides = array<i32>} : memref<50x8x128xf32, #tpu.memory_space<vmem>>, vector<1x1x16xf32>,
        %swap3A_1475 = vector.shape_cast %swap3A_1474 : vector<1x1x16xf32> to vector<16xf32>
        %swap3A_1476 = vector.shape_cast %add3A_1465 : vector<16xf32> to vector<1x1x16xf32>
        tpu.vector_store %swap3A_1470[%swap3A_1471, %swap3A_1472, %swap3A_1473], %swap3A_1476 {strides = array<i32>} : memref<50x8x128xf32, #tpu.memory_space<vmem>>, vector<1x1x16xf32>,
        %mul3A_1477 = arith.mulf %gather3A_1450, %sub3A_60 : vector<16xf32>
        %add3A_1478 = arith.addf %mul3A_1477, %get3A_18 : vector<16xf32>
        %swap3A_1479 = arith.constant 0 : i32
        %swap3A_1480 = arith.constant 0 : i32
        %swap3A_1481 = arith.constant 0 : i32
        %swap3A_1482 = tpu.memref_slice %arg7[%select_n3A_148, %swap3A_1479, %swap3A_1480, %swap3A_1481] : memref<2x50x8x128xf32, #tpu.memory_space<vmem>> -> memref<1x50x8x128xf32, #tpu.memory_space<vmem>>
        %swap3A_1483 = tpu.memref_squeeze %swap3A_1482 : memref<1x50x8x128xf32, #tpu.memory_space<vmem>> -> memref<50x8x128xf32, #tpu.memory_space<vmem>>
        %swap3A_1484 = arith.index_cast %sub3A_1446 : i32 to index
        %swap3A_1485 = arith.index_cast %select_n3A_1443 : i32 to index
        %swap3A_1486 = arith.constant 32 : index
        %swap3A_1487 = tpu.vector_load %swap3A_1483[%swap3A_1484, %swap3A_1485, %swap3A_1486] {strides = array<i32>} : memref<50x8x128xf32, #tpu.memory_space<vmem>>, vector<1x1x16xf32>,
        %swap3A_1488 = vector.shape_cast %swap3A_1487 : vector<1x1x16xf32> to vector<16xf32>
        %swap3A_1489 = vector.shape_cast %add3A_1478 : vector<16xf32> to vector<1x1x16xf32>
        tpu.vector_store %swap3A_1483[%swap3A_1484, %swap3A_1485, %swap3A_1486], %swap3A_1489 {strides = array<i32>} : memref<50x8x128xf32, #tpu.memory_space<vmem>>, vector<1x1x16xf32>,
        %mul3A_1490 = arith.mulf %gather3A_1450, %sub3A_66 : vector<16xf32>
        %add3A_1491 = arith.addf %mul3A_1490, %get3A_23 : vector<16xf32>
        %swap3A_1492 = arith.constant 0 : i32
        %swap3A_1493 = arith.constant 0 : i32
        %swap3A_1494 = arith.constant 0 : i32
        %swap3A_1495 = tpu.memref_slice %arg7[%select_n3A_148, %swap3A_1492, %swap3A_1493, %swap3A_1494] : memref<2x50x8x128xf32, #tpu.memory_space<vmem>> -> memref<1x50x8x128xf32, #tpu.memory_space<vmem>>
        %swap3A_1496 = tpu.memref_squeeze %swap3A_1495 : memref<1x50x8x128xf32, #tpu.memory_space<vmem>> -> memref<50x8x128xf32, #tpu.memory_space<vmem>>
        %swap3A_1497 = arith.index_cast %sub3A_1446 : i32 to index
        %swap3A_1498 = arith.index_cast %select_n3A_1443 : i32 to index
        %swap3A_1499 = arith.constant 48 : index
        %swap3A_1500 = tpu.vector_load %swap3A_1496[%swap3A_1497, %swap3A_1498, %swap3A_1499] {strides = array<i32>} : memref<50x8x128xf32, #tpu.memory_space<vmem>>, vector<1x1x16xf32>,
        %swap3A_1501 = vector.shape_cast %swap3A_1500 : vector<1x1x16xf32> to vector<16xf32>
        %swap3A_1502 = vector.shape_cast %add3A_1491 : vector<16xf32> to vector<1x1x16xf32>
        tpu.vector_store %swap3A_1496[%swap3A_1497, %swap3A_1498, %swap3A_1499], %swap3A_1502 {strides = array<i32>} : memref<50x8x128xf32, #tpu.memory_space<vmem>>, vector<1x1x16xf32>,
        %mul3A_1503 = arith.mulf %gather3A_1450, %sub3A_72 : vector<16xf32>
        %add3A_1504 = arith.addf %mul3A_1503, %get3A_28 : vector<16xf32>
        %swap3A_1505 = arith.constant 0 : i32
        %swap3A_1506 = arith.constant 0 : i32
        %swap3A_1507 = arith.constant 0 : i32
        %swap3A_1508 = tpu.memref_slice %arg7[%select_n3A_148, %swap3A_1505, %swap3A_1506, %swap3A_1507] : memref<2x50x8x128xf32, #tpu.memory_space<vmem>> -> memref<1x50x8x128xf32, #tpu.memory_space<vmem>>
        %swap3A_1509 = tpu.memref_squeeze %swap3A_1508 : memref<1x50x8x128xf32, #tpu.memory_space<vmem>> -> memref<50x8x128xf32, #tpu.memory_space<vmem>>
        %swap3A_1510 = arith.index_cast %sub3A_1446 : i32 to index
        %swap3A_1511 = arith.index_cast %select_n3A_1443 : i32 to index
        %swap3A_1512 = arith.constant 64 : index
        %swap3A_1513 = tpu.vector_load %swap3A_1509[%swap3A_1510, %swap3A_1511, %swap3A_1512] {strides = array<i32>} : memref<50x8x128xf32, #tpu.memory_space<vmem>>, vector<1x1x16xf32>,
        %swap3A_1514 = vector.shape_cast %swap3A_1513 : vector<1x1x16xf32> to vector<16xf32>
        %swap3A_1515 = vector.shape_cast %add3A_1504 : vector<16xf32> to vector<1x1x16xf32>
        tpu.vector_store %swap3A_1509[%swap3A_1510, %swap3A_1511, %swap3A_1512], %swap3A_1515 {strides = array<i32>} : memref<50x8x128xf32, #tpu.memory_space<vmem>>, vector<1x1x16xf32>,
        %mul3A_1516 = arith.mulf %gather3A_1450, %sub3A_78 : vector<16xf32>
        %add3A_1517 = arith.addf %mul3A_1516, %get3A_33 : vector<16xf32>
        %swap3A_1518 = arith.constant 0 : i32
        %swap3A_1519 = arith.constant 0 : i32
        %swap3A_1520 = arith.constant 0 : i32
        %swap3A_1521 = tpu.memref_slice %arg7[%select_n3A_148, %swap3A_1518, %swap3A_1519, %swap3A_1520] : memref<2x50x8x128xf32, #tpu.memory_space<vmem>> -> memref<1x50x8x128xf32, #tpu.memory_space<vmem>>
        %swap3A_1522 = tpu.memref_squeeze %swap3A_1521 : memref<1x50x8x128xf32, #tpu.memory_space<vmem>> -> memref<50x8x128xf32, #tpu.memory_space<vmem>>
        %swap3A_1523 = arith.index_cast %sub3A_1446 : i32 to index
        %swap3A_1524 = arith.index_cast %select_n3A_1443 : i32 to index
        %swap3A_1525 = arith.constant 80 : index
        %swap3A_1526 = tpu.vector_load %swap3A_1522[%swap3A_1523, %swap3A_1524, %swap3A_1525] {strides = array<i32>} : memref<50x8x128xf32, #tpu.memory_space<vmem>>, vector<1x1x16xf32>,
        %swap3A_1527 = vector.shape_cast %swap3A_1526 : vector<1x1x16xf32> to vector<16xf32>
        %swap3A_1528 = vector.shape_cast %add3A_1517 : vector<16xf32> to vector<1x1x16xf32>
        tpu.vector_store %swap3A_1522[%swap3A_1523, %swap3A_1524, %swap3A_1525], %swap3A_1528 {strides = array<i32>} : memref<50x8x128xf32, #tpu.memory_space<vmem>>, vector<1x1x16xf32>,
        %mul3A_1529 = arith.mulf %gather3A_1450, %sub3A_84 : vector<16xf32>
        %add3A_1530 = arith.addf %mul3A_1529, %get3A_38 : vector<16xf32>
        %swap3A_1531 = arith.constant 0 : i32
        %swap3A_1532 = arith.constant 0 : i32
        %swap3A_1533 = arith.constant 0 : i32
        %swap3A_1534 = tpu.memref_slice %arg7[%select_n3A_148, %swap3A_1531, %swap3A_1532, %swap3A_1533] : memref<2x50x8x128xf32, #tpu.memory_space<vmem>> -> memref<1x50x8x128xf32, #tpu.memory_space<vmem>>
        %swap3A_1535 = tpu.memref_squeeze %swap3A_1534 : memref<1x50x8x128xf32, #tpu.memory_space<vmem>> -> memref<50x8x128xf32, #tpu.memory_space<vmem>>
        %swap3A_1536 = arith.index_cast %sub3A_1446 : i32 to index
        %swap3A_1537 = arith.index_cast %select_n3A_1443 : i32 to index
        %swap3A_1538 = arith.constant 96 : index
        %swap3A_1539 = tpu.vector_load %swap3A_1535[%swap3A_1536, %swap3A_1537, %swap3A_1538] {strides = array<i32>} : memref<50x8x128xf32, #tpu.memory_space<vmem>>, vector<1x1x16xf32>,
        %swap3A_1540 = vector.shape_cast %swap3A_1539 : vector<1x1x16xf32> to vector<16xf32>
        %swap3A_1541 = vector.shape_cast %add3A_1530 : vector<16xf32> to vector<1x1x16xf32>
        tpu.vector_store %swap3A_1535[%swap3A_1536, %swap3A_1537, %swap3A_1538], %swap3A_1541 {strides = array<i32>} : memref<50x8x128xf32, #tpu.memory_space<vmem>>, vector<1x1x16xf32>,
        %mul3A_1542 = arith.mulf %gather3A_1450, %sub3A_90 : vector<16xf32>
        %add3A_1543 = arith.addf %mul3A_1542, %get3A_43 : vector<16xf32>
        %swap3A_1544 = arith.constant 0 : i32
        %swap3A_1545 = arith.constant 0 : i32
        %swap3A_1546 = arith.constant 0 : i32
        %swap3A_1547 = tpu.memref_slice %arg7[%select_n3A_148, %swap3A_1544, %swap3A_1545, %swap3A_1546] : memref<2x50x8x128xf32, #tpu.memory_space<vmem>> -> memref<1x50x8x128xf32, #tpu.memory_space<vmem>>
        %swap3A_1548 = tpu.memref_squeeze %swap3A_1547 : memref<1x50x8x128xf32, #tpu.memory_space<vmem>> -> memref<50x8x128xf32, #tpu.memory_space<vmem>>
        %swap3A_1549 = arith.index_cast %sub3A_1446 : i32 to index
        %swap3A_1550 = arith.index_cast %select_n3A_1443 : i32 to index
        %swap3A_1551 = arith.constant 112 : index
        %swap3A_1552 = tpu.vector_load %swap3A_1548[%swap3A_1549, %swap3A_1550, %swap3A_1551] {strides = array<i32>} : memref<50x8x128xf32, #tpu.memory_space<vmem>>, vector<1x1x16xf32>,
        %swap3A_1553 = vector.shape_cast %swap3A_1552 : vector<1x1x16xf32> to vector<16xf32>
        %swap3A_1554 = vector.shape_cast %add3A_1543 : vector<16xf32> to vector<1x1x16xf32>
        tpu.vector_store %swap3A_1548[%swap3A_1549, %swap3A_1550, %swap3A_1551], %swap3A_1554 {strides = array<i32>} : memref<50x8x128xf32, #tpu.memory_space<vmem>>, vector<1x1x16xf32>,
        %add3A_1555 = arith.constant 10 : i32
        %add3A_1556 = arith.addi %mul3A_179, %add3A_1555 : i32
        %jit3A_1557 = arith.constant 50 : i32
        %div3A_1558 = arith.divsi %add3A_1556, %jit3A_1557 : i32
        %sign3A_1559 = arith.constant 0 : i32
        %sign3A_1560 = arith.cmpi sgt, %add3A_1556, %sign3A_1559 : i32
        %sign3A_1561 = arith.extui %sign3A_1560 : i1 to i32
        %sign3A_1562 = arith.constant 0 : i32
        %sign3A_1563 = arith.cmpi slt, %add3A_1556, %sign3A_1562 : i32
        %sign3A_1564 = arith.extui %sign3A_1563 : i1 to i32
        %sign3A_1565 = arith.subi %sign3A_1561, %sign3A_1564 : i32
        %sign3A_1566 = arith.constant 0 : i32
        %sign3A_1567 = arith.cmpi sgt, %jit3A_1557, %sign3A_1566 : i32
        %sign3A_1568 = arith.extui %sign3A_1567 : i1 to i32
        %sign3A_1569 = arith.constant 0 : i32
        %sign3A_1570 = arith.cmpi slt, %jit3A_1557, %sign3A_1569 : i32
        %sign3A_1571 = arith.extui %sign3A_1570 : i1 to i32
        %sign3A_1572 = arith.subi %sign3A_1568, %sign3A_1571 : i32
        %ne3A_1573 = arith.cmpi ne, %sign3A_1565, %sign3A_1572 : i32
        %rem3A_1574 = arith.remsi %add3A_1556, %jit3A_1557 : i32
        %ne3A_1575 = arith.constant 0 : i32
        %ne3A_1576 = arith.cmpi ne, %rem3A_1574, %ne3A_1575 : i32
        %and3A_1577 = arith.andi %ne3A_1573, %ne3A_1576 : i1
        %sub3A_1578 = arith.constant 1 : i32
        %sub3A_1579 = arith.subi %div3A_1558, %sub3A_1578 : i32
        %select_n3A_1580 = arith.select %and3A_1577, %sub3A_1579, %div3A_1558 : i32
        %mul3A_1581 = arith.constant 50 : i32
        %mul3A_1582 = arith.muli %select_n3A_1580, %mul3A_1581 : i32
        %sub3A_1583 = arith.subi %add3A_1556, %mul3A_1582 : i32
        %broadcast_in_dim3A_1584 = arith.constant 10 : i32
        %broadcast_in_dim3A_1585 = vector.broadcast %broadcast_in_dim3A_1584 : i32 to vector<16x1xi32>
        %gather3A_1586 = vector.shape_cast %broadcast_in_dim3A_1585 : vector<16x1xi32> to vector<16xi32>
        %gather3A_1587 = tpu.dynamic_gather %convert_element_type3A_189[%gather3A_1586] in [0] : vector<16xf32>, vector<16xi32> -> vector<16xf32>
        %mul3A_1588 = arith.mulf %gather3A_1587, %sub3A : vector<16xf32>
        %add3A_1589 = arith.addf %mul3A_1588, %get3A_8 : vector<16xf32>
        %swap3A_1590 = arith.constant 0 : i32
        %swap3A_1591 = arith.constant 0 : i32
        %swap3A_1592 = arith.constant 0 : i32
        %swap3A_1593 = tpu.memref_slice %arg7[%select_n3A_148, %swap3A_1590, %swap3A_1591, %swap3A_1592] : memref<2x50x8x128xf32, #tpu.memory_space<vmem>> -> memref<1x50x8x128xf32, #tpu.memory_space<vmem>>
        %swap3A_1594 = tpu.memref_squeeze %swap3A_1593 : memref<1x50x8x128xf32, #tpu.memory_space<vmem>> -> memref<50x8x128xf32, #tpu.memory_space<vmem>>
        %swap3A_1595 = arith.index_cast %sub3A_1583 : i32 to index
        %swap3A_1596 = arith.index_cast %select_n3A_1580 : i32 to index
        %swap3A_1597 = arith.constant 0 : index
        %swap3A_1598 = tpu.vector_load %swap3A_1594[%swap3A_1595, %swap3A_1596, %swap3A_1597] {strides = array<i32>} : memref<50x8x128xf32, #tpu.memory_space<vmem>>, vector<1x1x16xf32>,
        %swap3A_1599 = vector.shape_cast %swap3A_1598 : vector<1x1x16xf32> to vector<16xf32>
        %swap3A_1600 = vector.shape_cast %add3A_1589 : vector<16xf32> to vector<1x1x16xf32>
        tpu.vector_store %swap3A_1594[%swap3A_1595, %swap3A_1596, %swap3A_1597], %swap3A_1600 {strides = array<i32>} : memref<50x8x128xf32, #tpu.memory_space<vmem>>, vector<1x1x16xf32>,
        %mul3A_1601 = arith.mulf %gather3A_1587, %sub3A_54 : vector<16xf32>
        %add3A_1602 = arith.addf %mul3A_1601, %get3A_13 : vector<16xf32>
        %swap3A_1603 = arith.constant 0 : i32
        %swap3A_1604 = arith.constant 0 : i32
        %swap3A_1605 = arith.constant 0 : i32
        %swap3A_1606 = tpu.memref_slice %arg7[%select_n3A_148, %swap3A_1603, %swap3A_1604, %swap3A_1605] : memref<2x50x8x128xf32, #tpu.memory_space<vmem>> -> memref<1x50x8x128xf32, #tpu.memory_space<vmem>>
        %swap3A_1607 = tpu.memref_squeeze %swap3A_1606 : memref<1x50x8x128xf32, #tpu.memory_space<vmem>> -> memref<50x8x128xf32, #tpu.memory_space<vmem>>
        %swap3A_1608 = arith.index_cast %sub3A_1583 : i32 to index
        %swap3A_1609 = arith.index_cast %select_n3A_1580 : i32 to index
        %swap3A_1610 = arith.constant 16 : index
        %swap3A_1611 = tpu.vector_load %swap3A_1607[%swap3A_1608, %swap3A_1609, %swap3A_1610] {strides = array<i32>} : memref<50x8x128xf32, #tpu.memory_space<vmem>>, vector<1x1x16xf32>,
        %swap3A_1612 = vector.shape_cast %swap3A_1611 : vector<1x1x16xf32> to vector<16xf32>
        %swap3A_1613 = vector.shape_cast %add3A_1602 : vector<16xf32> to vector<1x1x16xf32>
        tpu.vector_store %swap3A_1607[%swap3A_1608, %swap3A_1609, %swap3A_1610], %swap3A_1613 {strides = array<i32>} : memref<50x8x128xf32, #tpu.memory_space<vmem>>, vector<1x1x16xf32>,
        %mul3A_1614 = arith.mulf %gather3A_1587, %sub3A_60 : vector<16xf32>
        %add3A_1615 = arith.addf %mul3A_1614, %get3A_18 : vector<16xf32>
        %swap3A_1616 = arith.constant 0 : i32
        %swap3A_1617 = arith.constant 0 : i32
        %swap3A_1618 = arith.constant 0 : i32
        %swap3A_1619 = tpu.memref_slice %arg7[%select_n3A_148, %swap3A_1616, %swap3A_1617, %swap3A_1618] : memref<2x50x8x128xf32, #tpu.memory_space<vmem>> -> memref<1x50x8x128xf32, #tpu.memory_space<vmem>>
        %swap3A_1620 = tpu.memref_squeeze %swap3A_1619 : memref<1x50x8x128xf32, #tpu.memory_space<vmem>> -> memref<50x8x128xf32, #tpu.memory_space<vmem>>
        %swap3A_1621 = arith.index_cast %sub3A_1583 : i32 to index
        %swap3A_1622 = arith.index_cast %select_n3A_1580 : i32 to index
        %swap3A_1623 = arith.constant 32 : index
        %swap3A_1624 = tpu.vector_load %swap3A_1620[%swap3A_1621, %swap3A_1622, %swap3A_1623] {strides = array<i32>} : memref<50x8x128xf32, #tpu.memory_space<vmem>>, vector<1x1x16xf32>,
        %swap3A_1625 = vector.shape_cast %swap3A_1624 : vector<1x1x16xf32> to vector<16xf32>
        %swap3A_1626 = vector.shape_cast %add3A_1615 : vector<16xf32> to vector<1x1x16xf32>
        tpu.vector_store %swap3A_1620[%swap3A_1621, %swap3A_1622, %swap3A_1623], %swap3A_1626 {strides = array<i32>} : memref<50x8x128xf32, #tpu.memory_space<vmem>>, vector<1x1x16xf32>,
        %mul3A_1627 = arith.mulf %gather3A_1587, %sub3A_66 : vector<16xf32>
        %add3A_1628 = arith.addf %mul3A_1627, %get3A_23 : vector<16xf32>
        %swap3A_1629 = arith.constant 0 : i32
        %swap3A_1630 = arith.constant 0 : i32
        %swap3A_1631 = arith.constant 0 : i32
        %swap3A_1632 = tpu.memref_slice %arg7[%select_n3A_148, %swap3A_1629, %swap3A_1630, %swap3A_1631] : memref<2x50x8x128xf32, #tpu.memory_space<vmem>> -> memref<1x50x8x128xf32, #tpu.memory_space<vmem>>
        %swap3A_1633 = tpu.memref_squeeze %swap3A_1632 : memref<1x50x8x128xf32, #tpu.memory_space<vmem>> -> memref<50x8x128xf32, #tpu.memory_space<vmem>>
        %swap3A_1634 = arith.index_cast %sub3A_1583 : i32 to index
        %swap3A_1635 = arith.index_cast %select_n3A_1580 : i32 to index
        %swap3A_1636 = arith.constant 48 : index
        %swap3A_1637 = tpu.vector_load %swap3A_1633[%swap3A_1634, %swap3A_1635, %swap3A_1636] {strides = array<i32>} : memref<50x8x128xf32, #tpu.memory_space<vmem>>, vector<1x1x16xf32>,
        %swap3A_1638 = vector.shape_cast %swap3A_1637 : vector<1x1x16xf32> to vector<16xf32>
        %swap3A_1639 = vector.shape_cast %add3A_1628 : vector<16xf32> to vector<1x1x16xf32>
        tpu.vector_store %swap3A_1633[%swap3A_1634, %swap3A_1635, %swap3A_1636], %swap3A_1639 {strides = array<i32>} : memref<50x8x128xf32, #tpu.memory_space<vmem>>, vector<1x1x16xf32>,
        %mul3A_1640 = arith.mulf %gather3A_1587, %sub3A_72 : vector<16xf32>
        %add3A_1641 = arith.addf %mul3A_1640, %get3A_28 : vector<16xf32>
        %swap3A_1642 = arith.constant 0 : i32
        %swap3A_1643 = arith.constant 0 : i32
        %swap3A_1644 = arith.constant 0 : i32
        %swap3A_1645 = tpu.memref_slice %arg7[%select_n3A_148, %swap3A_1642, %swap3A_1643, %swap3A_1644] : memref<2x50x8x128xf32, #tpu.memory_space<vmem>> -> memref<1x50x8x128xf32, #tpu.memory_space<vmem>>
        %swap3A_1646 = tpu.memref_squeeze %swap3A_1645 : memref<1x50x8x128xf32, #tpu.memory_space<vmem>> -> memref<50x8x128xf32, #tpu.memory_space<vmem>>
        %swap3A_1647 = arith.index_cast %sub3A_1583 : i32 to index
        %swap3A_1648 = arith.index_cast %select_n3A_1580 : i32 to index
        %swap3A_1649 = arith.constant 64 : index
        %swap3A_1650 = tpu.vector_load %swap3A_1646[%swap3A_1647, %swap3A_1648, %swap3A_1649] {strides = array<i32>} : memref<50x8x128xf32, #tpu.memory_space<vmem>>, vector<1x1x16xf32>,
        %swap3A_1651 = vector.shape_cast %swap3A_1650 : vector<1x1x16xf32> to vector<16xf32>
        %swap3A_1652 = vector.shape_cast %add3A_1641 : vector<16xf32> to vector<1x1x16xf32>
        tpu.vector_store %swap3A_1646[%swap3A_1647, %swap3A_1648, %swap3A_1649], %swap3A_1652 {strides = array<i32>} : memref<50x8x128xf32, #tpu.memory_space<vmem>>, vector<1x1x16xf32>,
        %mul3A_1653 = arith.mulf %gather3A_1587, %sub3A_78 : vector<16xf32>
        %add3A_1654 = arith.addf %mul3A_1653, %get3A_33 : vector<16xf32>
        %swap3A_1655 = arith.constant 0 : i32
        %swap3A_1656 = arith.constant 0 : i32
        %swap3A_1657 = arith.constant 0 : i32
        %swap3A_1658 = tpu.memref_slice %arg7[%select_n3A_148, %swap3A_1655, %swap3A_1656, %swap3A_1657] : memref<2x50x8x128xf32, #tpu.memory_space<vmem>> -> memref<1x50x8x128xf32, #tpu.memory_space<vmem>>
        %swap3A_1659 = tpu.memref_squeeze %swap3A_1658 : memref<1x50x8x128xf32, #tpu.memory_space<vmem>> -> memref<50x8x128xf32, #tpu.memory_space<vmem>>
        %swap3A_1660 = arith.index_cast %sub3A_1583 : i32 to index
        %swap3A_1661 = arith.index_cast %select_n3A_1580 : i32 to index
        %swap3A_1662 = arith.constant 80 : index
        %swap3A_1663 = tpu.vector_load %swap3A_1659[%swap3A_1660, %swap3A_1661, %swap3A_1662] {strides = array<i32>} : memref<50x8x128xf32, #tpu.memory_space<vmem>>, vector<1x1x16xf32>,
        %swap3A_1664 = vector.shape_cast %swap3A_1663 : vector<1x1x16xf32> to vector<16xf32>
        %swap3A_1665 = vector.shape_cast %add3A_1654 : vector<16xf32> to vector<1x1x16xf32>
        tpu.vector_store %swap3A_1659[%swap3A_1660, %swap3A_1661, %swap3A_1662], %swap3A_1665 {strides = array<i32>} : memref<50x8x128xf32, #tpu.memory_space<vmem>>, vector<1x1x16xf32>,
        %mul3A_1666 = arith.mulf %gather3A_1587, %sub3A_84 : vector<16xf32>
        %add3A_1667 = arith.addf %mul3A_1666, %get3A_38 : vector<16xf32>
        %swap3A_1668 = arith.constant 0 : i32
        %swap3A_1669 = arith.constant 0 : i32
        %swap3A_1670 = arith.constant 0 : i32
        %swap3A_1671 = tpu.memref_slice %arg7[%select_n3A_148, %swap3A_1668, %swap3A_1669, %swap3A_1670] : memref<2x50x8x128xf32, #tpu.memory_space<vmem>> -> memref<1x50x8x128xf32, #tpu.memory_space<vmem>>
        %swap3A_1672 = tpu.memref_squeeze %swap3A_1671 : memref<1x50x8x128xf32, #tpu.memory_space<vmem>> -> memref<50x8x128xf32, #tpu.memory_space<vmem>>
        %swap3A_1673 = arith.index_cast %sub3A_1583 : i32 to index
        %swap3A_1674 = arith.index_cast %select_n3A_1580 : i32 to index
        %swap3A_1675 = arith.constant 96 : index
        %swap3A_1676 = tpu.vector_load %swap3A_1672[%swap3A_1673, %swap3A_1674, %swap3A_1675] {strides = array<i32>} : memref<50x8x128xf32, #tpu.memory_space<vmem>>, vector<1x1x16xf32>,
        %swap3A_1677 = vector.shape_cast %swap3A_1676 : vector<1x1x16xf32> to vector<16xf32>
        %swap3A_1678 = vector.shape_cast %add3A_1667 : vector<16xf32> to vector<1x1x16xf32>
        tpu.vector_store %swap3A_1672[%swap3A_1673, %swap3A_1674, %swap3A_1675], %swap3A_1678 {strides = array<i32>} : memref<50x8x128xf32, #tpu.memory_space<vmem>>, vector<1x1x16xf32>,
        %mul3A_1679 = arith.mulf %gather3A_1587, %sub3A_90 : vector<16xf32>
        %add3A_1680 = arith.addf %mul3A_1679, %get3A_43 : vector<16xf32>
        %swap3A_1681 = arith.constant 0 : i32
        %swap3A_1682 = arith.constant 0 : i32
        %swap3A_1683 = arith.constant 0 : i32
        %swap3A_1684 = tpu.memref_slice %arg7[%select_n3A_148, %swap3A_1681, %swap3A_1682, %swap3A_1683] : memref<2x50x8x128xf32, #tpu.memory_space<vmem>> -> memref<1x50x8x128xf32, #tpu.memory_space<vmem>>
        %swap3A_1685 = tpu.memref_squeeze %swap3A_1684 : memref<1x50x8x128xf32, #tpu.memory_space<vmem>> -> memref<50x8x128xf32, #tpu.memory_space<vmem>>
        %swap3A_1686 = arith.index_cast %sub3A_1583 : i32 to index
        %swap3A_1687 = arith.index_cast %select_n3A_1580 : i32 to index
        %swap3A_1688 = arith.constant 112 : index
        %swap3A_1689 = tpu.vector_load %swap3A_1685[%swap3A_1686, %swap3A_1687, %swap3A_1688] {strides = array<i32>} : memref<50x8x128xf32, #tpu.memory_space<vmem>>, vector<1x1x16xf32>,
        %swap3A_1690 = vector.shape_cast %swap3A_1689 : vector<1x1x16xf32> to vector<16xf32>
        %swap3A_1691 = vector.shape_cast %add3A_1680 : vector<16xf32> to vector<1x1x16xf32>
        tpu.vector_store %swap3A_1685[%swap3A_1686, %swap3A_1687, %swap3A_1688], %swap3A_1691 {strides = array<i32>} : memref<50x8x128xf32, #tpu.memory_space<vmem>>, vector<1x1x16xf32>,
        %add3A_1692 = arith.constant 11 : i32
        %add3A_1693 = arith.addi %mul3A_179, %add3A_1692 : i32
        %jit3A_1694 = arith.constant 50 : i32
        %div3A_1695 = arith.divsi %add3A_1693, %jit3A_1694 : i32
        %sign3A_1696 = arith.constant 0 : i32
        %sign3A_1697 = arith.cmpi sgt, %add3A_1693, %sign3A_1696 : i32
        %sign3A_1698 = arith.extui %sign3A_1697 : i1 to i32
        %sign3A_1699 = arith.constant 0 : i32
        %sign3A_1700 = arith.cmpi slt, %add3A_1693, %sign3A_1699 : i32
        %sign3A_1701 = arith.extui %sign3A_1700 : i1 to i32
        %sign3A_1702 = arith.subi %sign3A_1698, %sign3A_1701 : i32
        %sign3A_1703 = arith.constant 0 : i32
        %sign3A_1704 = arith.cmpi sgt, %jit3A_1694, %sign3A_1703 : i32
        %sign3A_1705 = arith.extui %sign3A_1704 : i1 to i32
        %sign3A_1706 = arith.constant 0 : i32
        %sign3A_1707 = arith.cmpi slt, %jit3A_1694, %sign3A_1706 : i32
        %sign3A_1708 = arith.extui %sign3A_1707 : i1 to i32
        %sign3A_1709 = arith.subi %sign3A_1705, %sign3A_1708 : i32
        %ne3A_1710 = arith.cmpi ne, %sign3A_1702, %sign3A_1709 : i32
        %rem3A_1711 = arith.remsi %add3A_1693, %jit3A_1694 : i32
        %ne3A_1712 = arith.constant 0 : i32
        %ne3A_1713 = arith.cmpi ne, %rem3A_1711, %ne3A_1712 : i32
        %and3A_1714 = arith.andi %ne3A_1710, %ne3A_1713 : i1
        %sub3A_1715 = arith.constant 1 : i32
        %sub3A_1716 = arith.subi %div3A_1695, %sub3A_1715 : i32
        %select_n3A_1717 = arith.select %and3A_1714, %sub3A_1716, %div3A_1695 : i32
        %mul3A_1718 = arith.constant 50 : i32
        %mul3A_1719 = arith.muli %select_n3A_1717, %mul3A_1718 : i32
        %sub3A_1720 = arith.subi %add3A_1693, %mul3A_1719 : i32
        %broadcast_in_dim3A_1721 = arith.constant 11 : i32
        %broadcast_in_dim3A_1722 = vector.broadcast %broadcast_in_dim3A_1721 : i32 to vector<16x1xi32>
        %gather3A_1723 = vector.shape_cast %broadcast_in_dim3A_1722 : vector<16x1xi32> to vector<16xi32>
        %gather3A_1724 = tpu.dynamic_gather %convert_element_type3A_189[%gather3A_1723] in [0] : vector<16xf32>, vector<16xi32> -> vector<16xf32>
        %mul3A_1725 = arith.mulf %gather3A_1724, %sub3A : vector<16xf32>
        %add3A_1726 = arith.addf %mul3A_1725, %get3A_8 : vector<16xf32>
        %swap3A_1727 = arith.constant 0 : i32
        %swap3A_1728 = arith.constant 0 : i32
        %swap3A_1729 = arith.constant 0 : i32
        %swap3A_1730 = tpu.memref_slice %arg7[%select_n3A_148, %swap3A_1727, %swap3A_1728, %swap3A_1729] : memref<2x50x8x128xf32, #tpu.memory_space<vmem>> -> memref<1x50x8x128xf32, #tpu.memory_space<vmem>>
        %swap3A_1731 = tpu.memref_squeeze %swap3A_1730 : memref<1x50x8x128xf32, #tpu.memory_space<vmem>> -> memref<50x8x128xf32, #tpu.memory_space<vmem>>
        %swap3A_1732 = arith.index_cast %sub3A_1720 : i32 to index
        %swap3A_1733 = arith.index_cast %select_n3A_1717 : i32 to index
        %swap3A_1734 = arith.constant 0 : index
        %swap3A_1735 = tpu.vector_load %swap3A_1731[%swap3A_1732, %swap3A_1733, %swap3A_1734] {strides = array<i32>} : memref<50x8x128xf32, #tpu.memory_space<vmem>>, vector<1x1x16xf32>,
        %swap3A_1736 = vector.shape_cast %swap3A_1735 : vector<1x1x16xf32> to vector<16xf32>
        %swap3A_1737 = vector.shape_cast %add3A_1726 : vector<16xf32> to vector<1x1x16xf32>
        tpu.vector_store %swap3A_1731[%swap3A_1732, %swap3A_1733, %swap3A_1734], %swap3A_1737 {strides = array<i32>} : memref<50x8x128xf32, #tpu.memory_space<vmem>>, vector<1x1x16xf32>,
        %mul3A_1738 = arith.mulf %gather3A_1724, %sub3A_54 : vector<16xf32>
        %add3A_1739 = arith.addf %mul3A_1738, %get3A_13 : vector<16xf32>
        %swap3A_1740 = arith.constant 0 : i32
        %swap3A_1741 = arith.constant 0 : i32
        %swap3A_1742 = arith.constant 0 : i32
        %swap3A_1743 = tpu.memref_slice %arg7[%select_n3A_148, %swap3A_1740, %swap3A_1741, %swap3A_1742] : memref<2x50x8x128xf32, #tpu.memory_space<vmem>> -> memref<1x50x8x128xf32, #tpu.memory_space<vmem>>
        %swap3A_1744 = tpu.memref_squeeze %swap3A_1743 : memref<1x50x8x128xf32, #tpu.memory_space<vmem>> -> memref<50x8x128xf32, #tpu.memory_space<vmem>>
        %swap3A_1745 = arith.index_cast %sub3A_1720 : i32 to index
        %swap3A_1746 = arith.index_cast %select_n3A_1717 : i32 to index
        %swap3A_1747 = arith.constant 16 : index
        %swap3A_1748 = tpu.vector_load %swap3A_1744[%swap3A_1745, %swap3A_1746, %swap3A_1747] {strides = array<i32>} : memref<50x8x128xf32, #tpu.memory_space<vmem>>, vector<1x1x16xf32>,
        %swap3A_1749 = vector.shape_cast %swap3A_1748 : vector<1x1x16xf32> to vector<16xf32>
        %swap3A_1750 = vector.shape_cast %add3A_1739 : vector<16xf32> to vector<1x1x16xf32>
        tpu.vector_store %swap3A_1744[%swap3A_1745, %swap3A_1746, %swap3A_1747], %swap3A_1750 {strides = array<i32>} : memref<50x8x128xf32, #tpu.memory_space<vmem>>, vector<1x1x16xf32>,
        %mul3A_1751 = arith.mulf %gather3A_1724, %sub3A_60 : vector<16xf32>
        %add3A_1752 = arith.addf %mul3A_1751, %get3A_18 : vector<16xf32>
        %swap3A_1753 = arith.constant 0 : i32
        %swap3A_1754 = arith.constant 0 : i32
        %swap3A_1755 = arith.constant 0 : i32
        %swap3A_1756 = tpu.memref_slice %arg7[%select_n3A_148, %swap3A_1753, %swap3A_1754, %swap3A_1755] : memref<2x50x8x128xf32, #tpu.memory_space<vmem>> -> memref<1x50x8x128xf32, #tpu.memory_space<vmem>>
        %swap3A_1757 = tpu.memref_squeeze %swap3A_1756 : memref<1x50x8x128xf32, #tpu.memory_space<vmem>> -> memref<50x8x128xf32, #tpu.memory_space<vmem>>
        %swap3A_1758 = arith.index_cast %sub3A_1720 : i32 to index
        %swap3A_1759 = arith.index_cast %select_n3A_1717 : i32 to index
        %swap3A_1760 = arith.constant 32 : index
        %swap3A_1761 = tpu.vector_load %swap3A_1757[%swap3A_1758, %swap3A_1759, %swap3A_1760] {strides = array<i32>} : memref<50x8x128xf32, #tpu.memory_space<vmem>>, vector<1x1x16xf32>,
        %swap3A_1762 = vector.shape_cast %swap3A_1761 : vector<1x1x16xf32> to vector<16xf32>
        %swap3A_1763 = vector.shape_cast %add3A_1752 : vector<16xf32> to vector<1x1x16xf32>
        tpu.vector_store %swap3A_1757[%swap3A_1758, %swap3A_1759, %swap3A_1760], %swap3A_1763 {strides = array<i32>} : memref<50x8x128xf32, #tpu.memory_space<vmem>>, vector<1x1x16xf32>,
        %mul3A_1764 = arith.mulf %gather3A_1724, %sub3A_66 : vector<16xf32>
        %add3A_1765 = arith.addf %mul3A_1764, %get3A_23 : vector<16xf32>
        %swap3A_1766 = arith.constant 0 : i32
        %swap3A_1767 = arith.constant 0 : i32
        %swap3A_1768 = arith.constant 0 : i32
        %swap3A_1769 = tpu.memref_slice %arg7[%select_n3A_148, %swap3A_1766, %swap3A_1767, %swap3A_1768] : memref<2x50x8x128xf32, #tpu.memory_space<vmem>> -> memref<1x50x8x128xf32, #tpu.memory_space<vmem>>
        %swap3A_1770 = tpu.memref_squeeze %swap3A_1769 : memref<1x50x8x128xf32, #tpu.memory_space<vmem>> -> memref<50x8x128xf32, #tpu.memory_space<vmem>>
        %swap3A_1771 = arith.index_cast %sub3A_1720 : i32 to index
        %swap3A_1772 = arith.index_cast %select_n3A_1717 : i32 to index
        %swap3A_1773 = arith.constant 48 : index
        %swap3A_1774 = tpu.vector_load %swap3A_1770[%swap3A_1771, %swap3A_1772, %swap3A_1773] {strides = array<i32>} : memref<50x8x128xf32, #tpu.memory_space<vmem>>, vector<1x1x16xf32>,
        %swap3A_1775 = vector.shape_cast %swap3A_1774 : vector<1x1x16xf32> to vector<16xf32>
        %swap3A_1776 = vector.shape_cast %add3A_1765 : vector<16xf32> to vector<1x1x16xf32>
        tpu.vector_store %swap3A_1770[%swap3A_1771, %swap3A_1772, %swap3A_1773], %swap3A_1776 {strides = array<i32>} : memref<50x8x128xf32, #tpu.memory_space<vmem>>, vector<1x1x16xf32>,
        %mul3A_1777 = arith.mulf %gather3A_1724, %sub3A_72 : vector<16xf32>
        %add3A_1778 = arith.addf %mul3A_1777, %get3A_28 : vector<16xf32>
        %swap3A_1779 = arith.constant 0 : i32
        %swap3A_1780 = arith.constant 0 : i32
        %swap3A_1781 = arith.constant 0 : i32
        %swap3A_1782 = tpu.memref_slice %arg7[%select_n3A_148, %swap3A_1779, %swap3A_1780, %swap3A_1781] : memref<2x50x8x128xf32, #tpu.memory_space<vmem>> -> memref<1x50x8x128xf32, #tpu.memory_space<vmem>>
        %swap3A_1783 = tpu.memref_squeeze %swap3A_1782 : memref<1x50x8x128xf32, #tpu.memory_space<vmem>> -> memref<50x8x128xf32, #tpu.memory_space<vmem>>
        %swap3A_1784 = arith.index_cast %sub3A_1720 : i32 to index
        %swap3A_1785 = arith.index_cast %select_n3A_1717 : i32 to index
        %swap3A_1786 = arith.constant 64 : index
        %swap3A_1787 = tpu.vector_load %swap3A_1783[%swap3A_1784, %swap3A_1785, %swap3A_1786] {strides = array<i32>} : memref<50x8x128xf32, #tpu.memory_space<vmem>>, vector<1x1x16xf32>,
        %swap3A_1788 = vector.shape_cast %swap3A_1787 : vector<1x1x16xf32> to vector<16xf32>
        %swap3A_1789 = vector.shape_cast %add3A_1778 : vector<16xf32> to vector<1x1x16xf32>
        tpu.vector_store %swap3A_1783[%swap3A_1784, %swap3A_1785, %swap3A_1786], %swap3A_1789 {strides = array<i32>} : memref<50x8x128xf32, #tpu.memory_space<vmem>>, vector<1x1x16xf32>,
        %mul3A_1790 = arith.mulf %gather3A_1724, %sub3A_78 : vector<16xf32>
        %add3A_1791 = arith.addf %mul3A_1790, %get3A_33 : vector<16xf32>
        %swap3A_1792 = arith.constant 0 : i32
        %swap3A_1793 = arith.constant 0 : i32
        %swap3A_1794 = arith.constant 0 : i32
        %swap3A_1795 = tpu.memref_slice %arg7[%select_n3A_148, %swap3A_1792, %swap3A_1793, %swap3A_1794] : memref<2x50x8x128xf32, #tpu.memory_space<vmem>> -> memref<1x50x8x128xf32, #tpu.memory_space<vmem>>
        %swap3A_1796 = tpu.memref_squeeze %swap3A_1795 : memref<1x50x8x128xf32, #tpu.memory_space<vmem>> -> memref<50x8x128xf32, #tpu.memory_space<vmem>>
        %swap3A_1797 = arith.index_cast %sub3A_1720 : i32 to index
        %swap3A_1798 = arith.index_cast %select_n3A_1717 : i32 to index
        %swap3A_1799 = arith.constant 80 : index
        %swap3A_1800 = tpu.vector_load %swap3A_1796[%swap3A_1797, %swap3A_1798, %swap3A_1799] {strides = array<i32>} : memref<50x8x128xf32, #tpu.memory_space<vmem>>, vector<1x1x16xf32>,
        %swap3A_1801 = vector.shape_cast %swap3A_1800 : vector<1x1x16xf32> to vector<16xf32>
        %swap3A_1802 = vector.shape_cast %add3A_1791 : vector<16xf32> to vector<1x1x16xf32>
        tpu.vector_store %swap3A_1796[%swap3A_1797, %swap3A_1798, %swap3A_1799], %swap3A_1802 {strides = array<i32>} : memref<50x8x128xf32, #tpu.memory_space<vmem>>, vector<1x1x16xf32>,
        %mul3A_1803 = arith.mulf %gather3A_1724, %sub3A_84 : vector<16xf32>
        %add3A_1804 = arith.addf %mul3A_1803, %get3A_38 : vector<16xf32>
        %swap3A_1805 = arith.constant 0 : i32
        %swap3A_1806 = arith.constant 0 : i32
        %swap3A_1807 = arith.constant 0 : i32
        %swap3A_1808 = tpu.memref_slice %arg7[%select_n3A_148, %swap3A_1805, %swap3A_1806, %swap3A_1807] : memref<2x50x8x128xf32, #tpu.memory_space<vmem>> -> memref<1x50x8x128xf32, #tpu.memory_space<vmem>>
        %swap3A_1809 = tpu.memref_squeeze %swap3A_1808 : memref<1x50x8x128xf32, #tpu.memory_space<vmem>> -> memref<50x8x128xf32, #tpu.memory_space<vmem>>
        %swap3A_1810 = arith.index_cast %sub3A_1720 : i32 to index
        %swap3A_1811 = arith.index_cast %select_n3A_1717 : i32 to index
        %swap3A_1812 = arith.constant 96 : index
        %swap3A_1813 = tpu.vector_load %swap3A_1809[%swap3A_1810, %swap3A_1811, %swap3A_1812] {strides = array<i32>} : memref<50x8x128xf32, #tpu.memory_space<vmem>>, vector<1x1x16xf32>,
        %swap3A_1814 = vector.shape_cast %swap3A_1813 : vector<1x1x16xf32> to vector<16xf32>
        %swap3A_1815 = vector.shape_cast %add3A_1804 : vector<16xf32> to vector<1x1x16xf32>
        tpu.vector_store %swap3A_1809[%swap3A_1810, %swap3A_1811, %swap3A_1812], %swap3A_1815 {strides = array<i32>} : memref<50x8x128xf32, #tpu.memory_space<vmem>>, vector<1x1x16xf32>,
        %mul3A_1816 = arith.mulf %gather3A_1724, %sub3A_90 : vector<16xf32>
        %add3A_1817 = arith.addf %mul3A_1816, %get3A_43 : vector<16xf32>
        %swap3A_1818 = arith.constant 0 : i32
        %swap3A_1819 = arith.constant 0 : i32
        %swap3A_1820 = arith.constant 0 : i32
        %swap3A_1821 = tpu.memref_slice %arg7[%select_n3A_148, %swap3A_1818, %swap3A_1819, %swap3A_1820] : memref<2x50x8x128xf32, #tpu.memory_space<vmem>> -> memref<1x50x8x128xf32, #tpu.memory_space<vmem>>
        %swap3A_1822 = tpu.memref_squeeze %swap3A_1821 : memref<1x50x8x128xf32, #tpu.memory_space<vmem>> -> memref<50x8x128xf32, #tpu.memory_space<vmem>>
        %swap3A_1823 = arith.index_cast %sub3A_1720 : i32 to index
        %swap3A_1824 = arith.index_cast %select_n3A_1717 : i32 to index
        %swap3A_1825 = arith.constant 112 : index
        %swap3A_1826 = tpu.vector_load %swap3A_1822[%swap3A_1823, %swap3A_1824, %swap3A_1825] {strides = array<i32>} : memref<50x8x128xf32, #tpu.memory_space<vmem>>, vector<1x1x16xf32>,
        %swap3A_1827 = vector.shape_cast %swap3A_1826 : vector<1x1x16xf32> to vector<16xf32>
        %swap3A_1828 = vector.shape_cast %add3A_1817 : vector<16xf32> to vector<1x1x16xf32>
        tpu.vector_store %swap3A_1822[%swap3A_1823, %swap3A_1824, %swap3A_1825], %swap3A_1828 {strides = array<i32>} : memref<50x8x128xf32, #tpu.memory_space<vmem>>, vector<1x1x16xf32>,
        %add3A_1829 = arith.constant 12 : i32
        %add3A_1830 = arith.addi %mul3A_179, %add3A_1829 : i32
        %jit3A_1831 = arith.constant 50 : i32
        %div3A_1832 = arith.divsi %add3A_1830, %jit3A_1831 : i32
        %sign3A_1833 = arith.constant 0 : i32
        %sign3A_1834 = arith.cmpi sgt, %add3A_1830, %sign3A_1833 : i32
        %sign3A_1835 = arith.extui %sign3A_1834 : i1 to i32
        %sign3A_1836 = arith.constant 0 : i32
        %sign3A_1837 = arith.cmpi slt, %add3A_1830, %sign3A_1836 : i32
        %sign3A_1838 = arith.extui %sign3A_1837 : i1 to i32
        %sign3A_1839 = arith.subi %sign3A_1835, %sign3A_1838 : i32
        %sign3A_1840 = arith.constant 0 : i32
        %sign3A_1841 = arith.cmpi sgt, %jit3A_1831, %sign3A_1840 : i32
        %sign3A_1842 = arith.extui %sign3A_1841 : i1 to i32
        %sign3A_1843 = arith.constant 0 : i32
        %sign3A_1844 = arith.cmpi slt, %jit3A_1831, %sign3A_1843 : i32
        %sign3A_1845 = arith.extui %sign3A_1844 : i1 to i32
        %sign3A_1846 = arith.subi %sign3A_1842, %sign3A_1845 : i32
        %ne3A_1847 = arith.cmpi ne, %sign3A_1839, %sign3A_1846 : i32
        %rem3A_1848 = arith.remsi %add3A_1830, %jit3A_1831 : i32
        %ne3A_1849 = arith.constant 0 : i32
        %ne3A_1850 = arith.cmpi ne, %rem3A_1848, %ne3A_1849 : i32
        %and3A_1851 = arith.andi %ne3A_1847, %ne3A_1850 : i1
        %sub3A_1852 = arith.constant 1 : i32
        %sub3A_1853 = arith.subi %div3A_1832, %sub3A_1852 : i32
        %select_n3A_1854 = arith.select %and3A_1851, %sub3A_1853, %div3A_1832 : i32
        %mul3A_1855 = arith.constant 50 : i32
        %mul3A_1856 = arith.muli %select_n3A_1854, %mul3A_1855 : i32
        %sub3A_1857 = arith.subi %add3A_1830, %mul3A_1856 : i32
        %broadcast_in_dim3A_1858 = arith.constant 12 : i32
        %broadcast_in_dim3A_1859 = vector.broadcast %broadcast_in_dim3A_1858 : i32 to vector<16x1xi32>
        %gather3A_1860 = vector.shape_cast %broadcast_in_dim3A_1859 : vector<16x1xi32> to vector<16xi32>
        %gather3A_1861 = tpu.dynamic_gather %convert_element_type3A_189[%gather3A_1860] in [0] : vector<16xf32>, vector<16xi32> -> vector<16xf32>
        %mul3A_1862 = arith.mulf %gather3A_1861, %sub3A : vector<16xf32>
        %add3A_1863 = arith.addf %mul3A_1862, %get3A_8 : vector<16xf32>
        %swap3A_1864 = arith.constant 0 : i32
        %swap3A_1865 = arith.constant 0 : i32
        %swap3A_1866 = arith.constant 0 : i32
        %swap3A_1867 = tpu.memref_slice %arg7[%select_n3A_148, %swap3A_1864, %swap3A_1865, %swap3A_1866] : memref<2x50x8x128xf32, #tpu.memory_space<vmem>> -> memref<1x50x8x128xf32, #tpu.memory_space<vmem>>
        %swap3A_1868 = tpu.memref_squeeze %swap3A_1867 : memref<1x50x8x128xf32, #tpu.memory_space<vmem>> -> memref<50x8x128xf32, #tpu.memory_space<vmem>>
        %swap3A_1869 = arith.index_cast %sub3A_1857 : i32 to index
        %swap3A_1870 = arith.index_cast %select_n3A_1854 : i32 to index
        %swap3A_1871 = arith.constant 0 : index
        %swap3A_1872 = tpu.vector_load %swap3A_1868[%swap3A_1869, %swap3A_1870, %swap3A_1871] {strides = array<i32>} : memref<50x8x128xf32, #tpu.memory_space<vmem>>, vector<1x1x16xf32>,
        %swap3A_1873 = vector.shape_cast %swap3A_1872 : vector<1x1x16xf32> to vector<16xf32>
        %swap3A_1874 = vector.shape_cast %add3A_1863 : vector<16xf32> to vector<1x1x16xf32>
        tpu.vector_store %swap3A_1868[%swap3A_1869, %swap3A_1870, %swap3A_1871], %swap3A_1874 {strides = array<i32>} : memref<50x8x128xf32, #tpu.memory_space<vmem>>, vector<1x1x16xf32>,
        %mul3A_1875 = arith.mulf %gather3A_1861, %sub3A_54 : vector<16xf32>
        %add3A_1876 = arith.addf %mul3A_1875, %get3A_13 : vector<16xf32>
        %swap3A_1877 = arith.constant 0 : i32
        %swap3A_1878 = arith.constant 0 : i32
        %swap3A_1879 = arith.constant 0 : i32
        %swap3A_1880 = tpu.memref_slice %arg7[%select_n3A_148, %swap3A_1877, %swap3A_1878, %swap3A_1879] : memref<2x50x8x128xf32, #tpu.memory_space<vmem>> -> memref<1x50x8x128xf32, #tpu.memory_space<vmem>>
        %swap3A_1881 = tpu.memref_squeeze %swap3A_1880 : memref<1x50x8x128xf32, #tpu.memory_space<vmem>> -> memref<50x8x128xf32, #tpu.memory_space<vmem>>
        %swap3A_1882 = arith.index_cast %sub3A_1857 : i32 to index
        %swap3A_1883 = arith.index_cast %select_n3A_1854 : i32 to index
        %swap3A_1884 = arith.constant 16 : index
        %swap3A_1885 = tpu.vector_load %swap3A_1881[%swap3A_1882, %swap3A_1883, %swap3A_1884] {strides = array<i32>} : memref<50x8x128xf32, #tpu.memory_space<vmem>>, vector<1x1x16xf32>,
        %swap3A_1886 = vector.shape_cast %swap3A_1885 : vector<1x1x16xf32> to vector<16xf32>
        %swap3A_1887 = vector.shape_cast %add3A_1876 : vector<16xf32> to vector<1x1x16xf32>
        tpu.vector_store %swap3A_1881[%swap3A_1882, %swap3A_1883, %swap3A_1884], %swap3A_1887 {strides = array<i32>} : memref<50x8x128xf32, #tpu.memory_space<vmem>>, vector<1x1x16xf32>,
        %mul3A_1888 = arith.mulf %gather3A_1861, %sub3A_60 : vector<16xf32>
        %add3A_1889 = arith.addf %mul3A_1888, %get3A_18 : vector<16xf32>
        %swap3A_1890 = arith.constant 0 : i32
        %swap3A_1891 = arith.constant 0 : i32
        %swap3A_1892 = arith.constant 0 : i32
        %swap3A_1893 = tpu.memref_slice %arg7[%select_n3A_148, %swap3A_1890, %swap3A_1891, %swap3A_1892] : memref<2x50x8x128xf32, #tpu.memory_space<vmem>> -> memref<1x50x8x128xf32, #tpu.memory_space<vmem>>
        %swap3A_1894 = tpu.memref_squeeze %swap3A_1893 : memref<1x50x8x128xf32, #tpu.memory_space<vmem>> -> memref<50x8x128xf32, #tpu.memory_space<vmem>>
        %swap3A_1895 = arith.index_cast %sub3A_1857 : i32 to index
        %swap3A_1896 = arith.index_cast %select_n3A_1854 : i32 to index
        %swap3A_1897 = arith.constant 32 : index
        %swap3A_1898 = tpu.vector_load %swap3A_1894[%swap3A_1895, %swap3A_1896, %swap3A_1897] {strides = array<i32>} : memref<50x8x128xf32, #tpu.memory_space<vmem>>, vector<1x1x16xf32>,
        %swap3A_1899 = vector.shape_cast %swap3A_1898 : vector<1x1x16xf32> to vector<16xf32>
        %swap3A_1900 = vector.shape_cast %add3A_1889 : vector<16xf32> to vector<1x1x16xf32>
        tpu.vector_store %swap3A_1894[%swap3A_1895, %swap3A_1896, %swap3A_1897], %swap3A_1900 {strides = array<i32>} : memref<50x8x128xf32, #tpu.memory_space<vmem>>, vector<1x1x16xf32>,
        %mul3A_1901 = arith.mulf %gather3A_1861, %sub3A_66 : vector<16xf32>
        %add3A_1902 = arith.addf %mul3A_1901, %get3A_23 : vector<16xf32>
        %swap3A_1903 = arith.constant 0 : i32
        %swap3A_1904 = arith.constant 0 : i32
        %swap3A_1905 = arith.constant 0 : i32
        %swap3A_1906 = tpu.memref_slice %arg7[%select_n3A_148, %swap3A_1903, %swap3A_1904, %swap3A_1905] : memref<2x50x8x128xf32, #tpu.memory_space<vmem>> -> memref<1x50x8x128xf32, #tpu.memory_space<vmem>>
        %swap3A_1907 = tpu.memref_squeeze %swap3A_1906 : memref<1x50x8x128xf32, #tpu.memory_space<vmem>> -> memref<50x8x128xf32, #tpu.memory_space<vmem>>
        %swap3A_1908 = arith.index_cast %sub3A_1857 : i32 to index
        %swap3A_1909 = arith.index_cast %select_n3A_1854 : i32 to index
        %swap3A_1910 = arith.constant 48 : index
        %swap3A_1911 = tpu.vector_load %swap3A_1907[%swap3A_1908, %swap3A_1909, %swap3A_1910] {strides = array<i32>} : memref<50x8x128xf32, #tpu.memory_space<vmem>>, vector<1x1x16xf32>,
        %swap3A_1912 = vector.shape_cast %swap3A_1911 : vector<1x1x16xf32> to vector<16xf32>
        %swap3A_1913 = vector.shape_cast %add3A_1902 : vector<16xf32> to vector<1x1x16xf32>
        tpu.vector_store %swap3A_1907[%swap3A_1908, %swap3A_1909, %swap3A_1910], %swap3A_1913 {strides = array<i32>} : memref<50x8x128xf32, #tpu.memory_space<vmem>>, vector<1x1x16xf32>,
        %mul3A_1914 = arith.mulf %gather3A_1861, %sub3A_72 : vector<16xf32>
        %add3A_1915 = arith.addf %mul3A_1914, %get3A_28 : vector<16xf32>
        %swap3A_1916 = arith.constant 0 : i32
        %swap3A_1917 = arith.constant 0 : i32
        %swap3A_1918 = arith.constant 0 : i32
        %swap3A_1919 = tpu.memref_slice %arg7[%select_n3A_148, %swap3A_1916, %swap3A_1917, %swap3A_1918] : memref<2x50x8x128xf32, #tpu.memory_space<vmem>> -> memref<1x50x8x128xf32, #tpu.memory_space<vmem>>
        %swap3A_1920 = tpu.memref_squeeze %swap3A_1919 : memref<1x50x8x128xf32, #tpu.memory_space<vmem>> -> memref<50x8x128xf32, #tpu.memory_space<vmem>>
        %swap3A_1921 = arith.index_cast %sub3A_1857 : i32 to index
        %swap3A_1922 = arith.index_cast %select_n3A_1854 : i32 to index
        %swap3A_1923 = arith.constant 64 : index
        %swap3A_1924 = tpu.vector_load %swap3A_1920[%swap3A_1921, %swap3A_1922, %swap3A_1923] {strides = array<i32>} : memref<50x8x128xf32, #tpu.memory_space<vmem>>, vector<1x1x16xf32>,
        %swap3A_1925 = vector.shape_cast %swap3A_1924 : vector<1x1x16xf32> to vector<16xf32>
        %swap3A_1926 = vector.shape_cast %add3A_1915 : vector<16xf32> to vector<1x1x16xf32>
        tpu.vector_store %swap3A_1920[%swap3A_1921, %swap3A_1922, %swap3A_1923], %swap3A_1926 {strides = array<i32>} : memref<50x8x128xf32, #tpu.memory_space<vmem>>, vector<1x1x16xf32>,
        %mul3A_1927 = arith.mulf %gather3A_1861, %sub3A_78 : vector<16xf32>
        %add3A_1928 = arith.addf %mul3A_1927, %get3A_33 : vector<16xf32>
        %swap3A_1929 = arith.constant 0 : i32
        %swap3A_1930 = arith.constant 0 : i32
        %swap3A_1931 = arith.constant 0 : i32
        %swap3A_1932 = tpu.memref_slice %arg7[%select_n3A_148, %swap3A_1929, %swap3A_1930, %swap3A_1931] : memref<2x50x8x128xf32, #tpu.memory_space<vmem>> -> memref<1x50x8x128xf32, #tpu.memory_space<vmem>>
        %swap3A_1933 = tpu.memref_squeeze %swap3A_1932 : memref<1x50x8x128xf32, #tpu.memory_space<vmem>> -> memref<50x8x128xf32, #tpu.memory_space<vmem>>
        %swap3A_1934 = arith.index_cast %sub3A_1857 : i32 to index
        %swap3A_1935 = arith.index_cast %select_n3A_1854 : i32 to index
        %swap3A_1936 = arith.constant 80 : index
        %swap3A_1937 = tpu.vector_load %swap3A_1933[%swap3A_1934, %swap3A_1935, %swap3A_1936] {strides = array<i32>} : memref<50x8x128xf32, #tpu.memory_space<vmem>>, vector<1x1x16xf32>,
        %swap3A_1938 = vector.shape_cast %swap3A_1937 : vector<1x1x16xf32> to vector<16xf32>
        %swap3A_1939 = vector.shape_cast %add3A_1928 : vector<16xf32> to vector<1x1x16xf32>
        tpu.vector_store %swap3A_1933[%swap3A_1934, %swap3A_1935, %swap3A_1936], %swap3A_1939 {strides = array<i32>} : memref<50x8x128xf32, #tpu.memory_space<vmem>>, vector<1x1x16xf32>,
        %mul3A_1940 = arith.mulf %gather3A_1861, %sub3A_84 : vector<16xf32>
        %add3A_1941 = arith.addf %mul3A_1940, %get3A_38 : vector<16xf32>
        %swap3A_1942 = arith.constant 0 : i32
        %swap3A_1943 = arith.constant 0 : i32
        %swap3A_1944 = arith.constant 0 : i32
        %swap3A_1945 = tpu.memref_slice %arg7[%select_n3A_148, %swap3A_1942, %swap3A_1943, %swap3A_1944] : memref<2x50x8x128xf32, #tpu.memory_space<vmem>> -> memref<1x50x8x128xf32, #tpu.memory_space<vmem>>
        %swap3A_1946 = tpu.memref_squeeze %swap3A_1945 : memref<1x50x8x128xf32, #tpu.memory_space<vmem>> -> memref<50x8x128xf32, #tpu.memory_space<vmem>>
        %swap3A_1947 = arith.index_cast %sub3A_1857 : i32 to index
        %swap3A_1948 = arith.index_cast %select_n3A_1854 : i32 to index
        %swap3A_1949 = arith.constant 96 : index
        %swap3A_1950 = tpu.vector_load %swap3A_1946[%swap3A_1947, %swap3A_1948, %swap3A_1949] {strides = array<i32>} : memref<50x8x128xf32, #tpu.memory_space<vmem>>, vector<1x1x16xf32>,
        %swap3A_1951 = vector.shape_cast %swap3A_1950 : vector<1x1x16xf32> to vector<16xf32>
        %swap3A_1952 = vector.shape_cast %add3A_1941 : vector<16xf32> to vector<1x1x16xf32>
        tpu.vector_store %swap3A_1946[%swap3A_1947, %swap3A_1948, %swap3A_1949], %swap3A_1952 {strides = array<i32>} : memref<50x8x128xf32, #tpu.memory_space<vmem>>, vector<1x1x16xf32>,
        %mul3A_1953 = arith.mulf %gather3A_1861, %sub3A_90 : vector<16xf32>
        %add3A_1954 = arith.addf %mul3A_1953, %get3A_43 : vector<16xf32>
        %swap3A_1955 = arith.constant 0 : i32
        %swap3A_1956 = arith.constant 0 : i32
        %swap3A_1957 = arith.constant 0 : i32
        %swap3A_1958 = tpu.memref_slice %arg7[%select_n3A_148, %swap3A_1955, %swap3A_1956, %swap3A_1957] : memref<2x50x8x128xf32, #tpu.memory_space<vmem>> -> memref<1x50x8x128xf32, #tpu.memory_space<vmem>>
        %swap3A_1959 = tpu.memref_squeeze %swap3A_1958 : memref<1x50x8x128xf32, #tpu.memory_space<vmem>> -> memref<50x8x128xf32, #tpu.memory_space<vmem>>
        %swap3A_1960 = arith.index_cast %sub3A_1857 : i32 to index
        %swap3A_1961 = arith.index_cast %select_n3A_1854 : i32 to index
        %swap3A_1962 = arith.constant 112 : index
        %swap3A_1963 = tpu.vector_load %swap3A_1959[%swap3A_1960, %swap3A_1961, %swap3A_1962] {strides = array<i32>} : memref<50x8x128xf32, #tpu.memory_space<vmem>>, vector<1x1x16xf32>,
        %swap3A_1964 = vector.shape_cast %swap3A_1963 : vector<1x1x16xf32> to vector<16xf32>
        %swap3A_1965 = vector.shape_cast %add3A_1954 : vector<16xf32> to vector<1x1x16xf32>
        tpu.vector_store %swap3A_1959[%swap3A_1960, %swap3A_1961, %swap3A_1962], %swap3A_1965 {strides = array<i32>} : memref<50x8x128xf32, #tpu.memory_space<vmem>>, vector<1x1x16xf32>,
        %add3A_1966 = arith.constant 13 : i32
        %add3A_1967 = arith.addi %mul3A_179, %add3A_1966 : i32
        %jit3A_1968 = arith.constant 50 : i32
        %div3A_1969 = arith.divsi %add3A_1967, %jit3A_1968 : i32
        %sign3A_1970 = arith.constant 0 : i32
        %sign3A_1971 = arith.cmpi sgt, %add3A_1967, %sign3A_1970 : i32
        %sign3A_1972 = arith.extui %sign3A_1971 : i1 to i32
        %sign3A_1973 = arith.constant 0 : i32
        %sign3A_1974 = arith.cmpi slt, %add3A_1967, %sign3A_1973 : i32
        %sign3A_1975 = arith.extui %sign3A_1974 : i1 to i32
        %sign3A_1976 = arith.subi %sign3A_1972, %sign3A_1975 : i32
        %sign3A_1977 = arith.constant 0 : i32
        %sign3A_1978 = arith.cmpi sgt, %jit3A_1968, %sign3A_1977 : i32
        %sign3A_1979 = arith.extui %sign3A_1978 : i1 to i32
        %sign3A_1980 = arith.constant 0 : i32
        %sign3A_1981 = arith.cmpi slt, %jit3A_1968, %sign3A_1980 : i32
        %sign3A_1982 = arith.extui %sign3A_1981 : i1 to i32
        %sign3A_1983 = arith.subi %sign3A_1979, %sign3A_1982 : i32
        %ne3A_1984 = arith.cmpi ne, %sign3A_1976, %sign3A_1983 : i32
        %rem3A_1985 = arith.remsi %add3A_1967, %jit3A_1968 : i32
        %ne3A_1986 = arith.constant 0 : i32
        %ne3A_1987 = arith.cmpi ne, %rem3A_1985, %ne3A_1986 : i32
        %and3A_1988 = arith.andi %ne3A_1984, %ne3A_1987 : i1
        %sub3A_1989 = arith.constant 1 : i32
        %sub3A_1990 = arith.subi %div3A_1969, %sub3A_1989 : i32
        %select_n3A_1991 = arith.select %and3A_1988, %sub3A_1990, %div3A_1969 : i32
        %mul3A_1992 = arith.constant 50 : i32
        %mul3A_1993 = arith.muli %select_n3A_1991, %mul3A_1992 : i32
        %sub3A_1994 = arith.subi %add3A_1967, %mul3A_1993 : i32
        %broadcast_in_dim3A_1995 = arith.constant 13 : i32
        %broadcast_in_dim3A_1996 = vector.broadcast %broadcast_in_dim3A_1995 : i32 to vector<16x1xi32>
        %gather3A_1997 = vector.shape_cast %broadcast_in_dim3A_1996 : vector<16x1xi32> to vector<16xi32>
        %gather3A_1998 = tpu.dynamic_gather %convert_element_type3A_189[%gather3A_1997] in [0] : vector<16xf32>, vector<16xi32> -> vector<16xf32>
        %mul3A_1999 = arith.mulf %gather3A_1998, %sub3A : vector<16xf32>
        %add3A_2000 = arith.addf %mul3A_1999, %get3A_8 : vector<16xf32>
        %swap3A_2001 = arith.constant 0 : i32
        %swap3A_2002 = arith.constant 0 : i32
        %swap3A_2003 = arith.constant 0 : i32
        %swap3A_2004 = tpu.memref_slice %arg7[%select_n3A_148, %swap3A_2001, %swap3A_2002, %swap3A_2003] : memref<2x50x8x128xf32, #tpu.memory_space<vmem>> -> memref<1x50x8x128xf32, #tpu.memory_space<vmem>>
        %swap3A_2005 = tpu.memref_squeeze %swap3A_2004 : memref<1x50x8x128xf32, #tpu.memory_space<vmem>> -> memref<50x8x128xf32, #tpu.memory_space<vmem>>
        %swap3A_2006 = arith.index_cast %sub3A_1994 : i32 to index
        %swap3A_2007 = arith.index_cast %select_n3A_1991 : i32 to index
        %swap3A_2008 = arith.constant 0 : index
        %swap3A_2009 = tpu.vector_load %swap3A_2005[%swap3A_2006, %swap3A_2007, %swap3A_2008] {strides = array<i32>} : memref<50x8x128xf32, #tpu.memory_space<vmem>>, vector<1x1x16xf32>,
        %swap3A_2010 = vector.shape_cast %swap3A_2009 : vector<1x1x16xf32> to vector<16xf32>
        %swap3A_2011 = vector.shape_cast %add3A_2000 : vector<16xf32> to vector<1x1x16xf32>
        tpu.vector_store %swap3A_2005[%swap3A_2006, %swap3A_2007, %swap3A_2008], %swap3A_2011 {strides = array<i32>} : memref<50x8x128xf32, #tpu.memory_space<vmem>>, vector<1x1x16xf32>,
        %mul3A_2012 = arith.mulf %gather3A_1998, %sub3A_54 : vector<16xf32>
        %add3A_2013 = arith.addf %mul3A_2012, %get3A_13 : vector<16xf32>
        %swap3A_2014 = arith.constant 0 : i32
        %swap3A_2015 = arith.constant 0 : i32
        %swap3A_2016 = arith.constant 0 : i32
        %swap3A_2017 = tpu.memref_slice %arg7[%select_n3A_148, %swap3A_2014, %swap3A_2015, %swap3A_2016] : memref<2x50x8x128xf32, #tpu.memory_space<vmem>> -> memref<1x50x8x128xf32, #tpu.memory_space<vmem>>
        %swap3A_2018 = tpu.memref_squeeze %swap3A_2017 : memref<1x50x8x128xf32, #tpu.memory_space<vmem>> -> memref<50x8x128xf32, #tpu.memory_space<vmem>>
        %swap3A_2019 = arith.index_cast %sub3A_1994 : i32 to index
        %swap3A_2020 = arith.index_cast %select_n3A_1991 : i32 to index
        %swap3A_2021 = arith.constant 16 : index
        %swap3A_2022 = tpu.vector_load %swap3A_2018[%swap3A_2019, %swap3A_2020, %swap3A_2021] {strides = array<i32>} : memref<50x8x128xf32, #tpu.memory_space<vmem>>, vector<1x1x16xf32>,
        %swap3A_2023 = vector.shape_cast %swap3A_2022 : vector<1x1x16xf32> to vector<16xf32>
        %swap3A_2024 = vector.shape_cast %add3A_2013 : vector<16xf32> to vector<1x1x16xf32>
        tpu.vector_store %swap3A_2018[%swap3A_2019, %swap3A_2020, %swap3A_2021], %swap3A_2024 {strides = array<i32>} : memref<50x8x128xf32, #tpu.memory_space<vmem>>, vector<1x1x16xf32>,
        %mul3A_2025 = arith.mulf %gather3A_1998, %sub3A_60 : vector<16xf32>
        %add3A_2026 = arith.addf %mul3A_2025, %get3A_18 : vector<16xf32>
        %swap3A_2027 = arith.constant 0 : i32
        %swap3A_2028 = arith.constant 0 : i32
        %swap3A_2029 = arith.constant 0 : i32
        %swap3A_2030 = tpu.memref_slice %arg7[%select_n3A_148, %swap3A_2027, %swap3A_2028, %swap3A_2029] : memref<2x50x8x128xf32, #tpu.memory_space<vmem>> -> memref<1x50x8x128xf32, #tpu.memory_space<vmem>>
        %swap3A_2031 = tpu.memref_squeeze %swap3A_2030 : memref<1x50x8x128xf32, #tpu.memory_space<vmem>> -> memref<50x8x128xf32, #tpu.memory_space<vmem>>
        %swap3A_2032 = arith.index_cast %sub3A_1994 : i32 to index
        %swap3A_2033 = arith.index_cast %select_n3A_1991 : i32 to index
        %swap3A_2034 = arith.constant 32 : index
        %swap3A_2035 = tpu.vector_load %swap3A_2031[%swap3A_2032, %swap3A_2033, %swap3A_2034] {strides = array<i32>} : memref<50x8x128xf32, #tpu.memory_space<vmem>>, vector<1x1x16xf32>,
        %swap3A_2036 = vector.shape_cast %swap3A_2035 : vector<1x1x16xf32> to vector<16xf32>
        %swap3A_2037 = vector.shape_cast %add3A_2026 : vector<16xf32> to vector<1x1x16xf32>
        tpu.vector_store %swap3A_2031[%swap3A_2032, %swap3A_2033, %swap3A_2034], %swap3A_2037 {strides = array<i32>} : memref<50x8x128xf32, #tpu.memory_space<vmem>>, vector<1x1x16xf32>,
        %mul3A_2038 = arith.mulf %gather3A_1998, %sub3A_66 : vector<16xf32>
        %add3A_2039 = arith.addf %mul3A_2038, %get3A_23 : vector<16xf32>
        %swap3A_2040 = arith.constant 0 : i32
        %swap3A_2041 = arith.constant 0 : i32
        %swap3A_2042 = arith.constant 0 : i32
        %swap3A_2043 = tpu.memref_slice %arg7[%select_n3A_148, %swap3A_2040, %swap3A_2041, %swap3A_2042] : memref<2x50x8x128xf32, #tpu.memory_space<vmem>> -> memref<1x50x8x128xf32, #tpu.memory_space<vmem>>
        %swap3A_2044 = tpu.memref_squeeze %swap3A_2043 : memref<1x50x8x128xf32, #tpu.memory_space<vmem>> -> memref<50x8x128xf32, #tpu.memory_space<vmem>>
        %swap3A_2045 = arith.index_cast %sub3A_1994 : i32 to index
        %swap3A_2046 = arith.index_cast %select_n3A_1991 : i32 to index
        %swap3A_2047 = arith.constant 48 : index
        %swap3A_2048 = tpu.vector_load %swap3A_2044[%swap3A_2045, %swap3A_2046, %swap3A_2047] {strides = array<i32>} : memref<50x8x128xf32, #tpu.memory_space<vmem>>, vector<1x1x16xf32>,
        %swap3A_2049 = vector.shape_cast %swap3A_2048 : vector<1x1x16xf32> to vector<16xf32>
        %swap3A_2050 = vector.shape_cast %add3A_2039 : vector<16xf32> to vector<1x1x16xf32>
        tpu.vector_store %swap3A_2044[%swap3A_2045, %swap3A_2046, %swap3A_2047], %swap3A_2050 {strides = array<i32>} : memref<50x8x128xf32, #tpu.memory_space<vmem>>, vector<1x1x16xf32>,
        %mul3A_2051 = arith.mulf %gather3A_1998, %sub3A_72 : vector<16xf32>
        %add3A_2052 = arith.addf %mul3A_2051, %get3A_28 : vector<16xf32>
        %swap3A_2053 = arith.constant 0 : i32
        %swap3A_2054 = arith.constant 0 : i32
        %swap3A_2055 = arith.constant 0 : i32
        %swap3A_2056 = tpu.memref_slice %arg7[%select_n3A_148, %swap3A_2053, %swap3A_2054, %swap3A_2055] : memref<2x50x8x128xf32, #tpu.memory_space<vmem>> -> memref<1x50x8x128xf32, #tpu.memory_space<vmem>>
        %swap3A_2057 = tpu.memref_squeeze %swap3A_2056 : memref<1x50x8x128xf32, #tpu.memory_space<vmem>> -> memref<50x8x128xf32, #tpu.memory_space<vmem>>
        %swap3A_2058 = arith.index_cast %sub3A_1994 : i32 to index
        %swap3A_2059 = arith.index_cast %select_n3A_1991 : i32 to index
        %swap3A_2060 = arith.constant 64 : index
        %swap3A_2061 = tpu.vector_load %swap3A_2057[%swap3A_2058, %swap3A_2059, %swap3A_2060] {strides = array<i32>} : memref<50x8x128xf32, #tpu.memory_space<vmem>>, vector<1x1x16xf32>,
        %swap3A_2062 = vector.shape_cast %swap3A_2061 : vector<1x1x16xf32> to vector<16xf32>
        %swap3A_2063 = vector.shape_cast %add3A_2052 : vector<16xf32> to vector<1x1x16xf32>
        tpu.vector_store %swap3A_2057[%swap3A_2058, %swap3A_2059, %swap3A_2060], %swap3A_2063 {strides = array<i32>} : memref<50x8x128xf32, #tpu.memory_space<vmem>>, vector<1x1x16xf32>,
        %mul3A_2064 = arith.mulf %gather3A_1998, %sub3A_78 : vector<16xf32>
        %add3A_2065 = arith.addf %mul3A_2064, %get3A_33 : vector<16xf32>
        %swap3A_2066 = arith.constant 0 : i32
        %swap3A_2067 = arith.constant 0 : i32
        %swap3A_2068 = arith.constant 0 : i32
        %swap3A_2069 = tpu.memref_slice %arg7[%select_n3A_148, %swap3A_2066, %swap3A_2067, %swap3A_2068] : memref<2x50x8x128xf32, #tpu.memory_space<vmem>> -> memref<1x50x8x128xf32, #tpu.memory_space<vmem>>
        %swap3A_2070 = tpu.memref_squeeze %swap3A_2069 : memref<1x50x8x128xf32, #tpu.memory_space<vmem>> -> memref<50x8x128xf32, #tpu.memory_space<vmem>>
        %swap3A_2071 = arith.index_cast %sub3A_1994 : i32 to index
        %swap3A_2072 = arith.index_cast %select_n3A_1991 : i32 to index
        %swap3A_2073 = arith.constant 80 : index
        %swap3A_2074 = tpu.vector_load %swap3A_2070[%swap3A_2071, %swap3A_2072, %swap3A_2073] {strides = array<i32>} : memref<50x8x128xf32, #tpu.memory_space<vmem>>, vector<1x1x16xf32>,
        %swap3A_2075 = vector.shape_cast %swap3A_2074 : vector<1x1x16xf32> to vector<16xf32>
        %swap3A_2076 = vector.shape_cast %add3A_2065 : vector<16xf32> to vector<1x1x16xf32>
        tpu.vector_store %swap3A_2070[%swap3A_2071, %swap3A_2072, %swap3A_2073], %swap3A_2076 {strides = array<i32>} : memref<50x8x128xf32, #tpu.memory_space<vmem>>, vector<1x1x16xf32>,
        %mul3A_2077 = arith.mulf %gather3A_1998, %sub3A_84 : vector<16xf32>
        %add3A_2078 = arith.addf %mul3A_2077, %get3A_38 : vector<16xf32>
        %swap3A_2079 = arith.constant 0 : i32
        %swap3A_2080 = arith.constant 0 : i32
        %swap3A_2081 = arith.constant 0 : i32
        %swap3A_2082 = tpu.memref_slice %arg7[%select_n3A_148, %swap3A_2079, %swap3A_2080, %swap3A_2081] : memref<2x50x8x128xf32, #tpu.memory_space<vmem>> -> memref<1x50x8x128xf32, #tpu.memory_space<vmem>>
        %swap3A_2083 = tpu.memref_squeeze %swap3A_2082 : memref<1x50x8x128xf32, #tpu.memory_space<vmem>> -> memref<50x8x128xf32, #tpu.memory_space<vmem>>
        %swap3A_2084 = arith.index_cast %sub3A_1994 : i32 to index
        %swap3A_2085 = arith.index_cast %select_n3A_1991 : i32 to index
        %swap3A_2086 = arith.constant 96 : index
        %swap3A_2087 = tpu.vector_load %swap3A_2083[%swap3A_2084, %swap3A_2085, %swap3A_2086] {strides = array<i32>} : memref<50x8x128xf32, #tpu.memory_space<vmem>>, vector<1x1x16xf32>,
        %swap3A_2088 = vector.shape_cast %swap3A_2087 : vector<1x1x16xf32> to vector<16xf32>
        %swap3A_2089 = vector.shape_cast %add3A_2078 : vector<16xf32> to vector<1x1x16xf32>
        tpu.vector_store %swap3A_2083[%swap3A_2084, %swap3A_2085, %swap3A_2086], %swap3A_2089 {strides = array<i32>} : memref<50x8x128xf32, #tpu.memory_space<vmem>>, vector<1x1x16xf32>,
        %mul3A_2090 = arith.mulf %gather3A_1998, %sub3A_90 : vector<16xf32>
        %add3A_2091 = arith.addf %mul3A_2090, %get3A_43 : vector<16xf32>
        %swap3A_2092 = arith.constant 0 : i32
        %swap3A_2093 = arith.constant 0 : i32
        %swap3A_2094 = arith.constant 0 : i32
        %swap3A_2095 = tpu.memref_slice %arg7[%select_n3A_148, %swap3A_2092, %swap3A_2093, %swap3A_2094] : memref<2x50x8x128xf32, #tpu.memory_space<vmem>> -> memref<1x50x8x128xf32, #tpu.memory_space<vmem>>
        %swap3A_2096 = tpu.memref_squeeze %swap3A_2095 : memref<1x50x8x128xf32, #tpu.memory_space<vmem>> -> memref<50x8x128xf32, #tpu.memory_space<vmem>>
        %swap3A_2097 = arith.index_cast %sub3A_1994 : i32 to index
        %swap3A_2098 = arith.index_cast %select_n3A_1991 : i32 to index
        %swap3A_2099 = arith.constant 112 : index
        %swap3A_2100 = tpu.vector_load %swap3A_2096[%swap3A_2097, %swap3A_2098, %swap3A_2099] {strides = array<i32>} : memref<50x8x128xf32, #tpu.memory_space<vmem>>, vector<1x1x16xf32>,
        %swap3A_2101 = vector.shape_cast %swap3A_2100 : vector<1x1x16xf32> to vector<16xf32>
        %swap3A_2102 = vector.shape_cast %add3A_2091 : vector<16xf32> to vector<1x1x16xf32>
        tpu.vector_store %swap3A_2096[%swap3A_2097, %swap3A_2098, %swap3A_2099], %swap3A_2102 {strides = array<i32>} : memref<50x8x128xf32, #tpu.memory_space<vmem>>, vector<1x1x16xf32>,
        %add3A_2103 = arith.constant 14 : i32
        %add3A_2104 = arith.addi %mul3A_179, %add3A_2103 : i32
        %jit3A_2105 = arith.constant 50 : i32
        %div3A_2106 = arith.divsi %add3A_2104, %jit3A_2105 : i32
        %sign3A_2107 = arith.constant 0 : i32
        %sign3A_2108 = arith.cmpi sgt, %add3A_2104, %sign3A_2107 : i32
        %sign3A_2109 = arith.extui %sign3A_2108 : i1 to i32
        %sign3A_2110 = arith.constant 0 : i32
        %sign3A_2111 = arith.cmpi slt, %add3A_2104, %sign3A_2110 : i32
        %sign3A_2112 = arith.extui %sign3A_2111 : i1 to i32
        %sign3A_2113 = arith.subi %sign3A_2109, %sign3A_2112 : i32
        %sign3A_2114 = arith.constant 0 : i32
        %sign3A_2115 = arith.cmpi sgt, %jit3A_2105, %sign3A_2114 : i32
        %sign3A_2116 = arith.extui %sign3A_2115 : i1 to i32
        %sign3A_2117 = arith.constant 0 : i32
        %sign3A_2118 = arith.cmpi slt, %jit3A_2105, %sign3A_2117 : i32
        %sign3A_2119 = arith.extui %sign3A_2118 : i1 to i32
        %sign3A_2120 = arith.subi %sign3A_2116, %sign3A_2119 : i32
        %ne3A_2121 = arith.cmpi ne, %sign3A_2113, %sign3A_2120 : i32
        %rem3A_2122 = arith.remsi %add3A_2104, %jit3A_2105 : i32
        %ne3A_2123 = arith.constant 0 : i32
        %ne3A_2124 = arith.cmpi ne, %rem3A_2122, %ne3A_2123 : i32
        %and3A_2125 = arith.andi %ne3A_2121, %ne3A_2124 : i1
        %sub3A_2126 = arith.constant 1 : i32
        %sub3A_2127 = arith.subi %div3A_2106, %sub3A_2126 : i32
        %select_n3A_2128 = arith.select %and3A_2125, %sub3A_2127, %div3A_2106 : i32
        %mul3A_2129 = arith.constant 50 : i32
        %mul3A_2130 = arith.muli %select_n3A_2128, %mul3A_2129 : i32
        %sub3A_2131 = arith.subi %add3A_2104, %mul3A_2130 : i32
        %broadcast_in_dim3A_2132 = arith.constant 14 : i32
        %broadcast_in_dim3A_2133 = vector.broadcast %broadcast_in_dim3A_2132 : i32 to vector<16x1xi32>
        %gather3A_2134 = vector.shape_cast %broadcast_in_dim3A_2133 : vector<16x1xi32> to vector<16xi32>
        %gather3A_2135 = tpu.dynamic_gather %convert_element_type3A_189[%gather3A_2134] in [0] : vector<16xf32>, vector<16xi32> -> vector<16xf32>
        %mul3A_2136 = arith.mulf %gather3A_2135, %sub3A : vector<16xf32>
        %add3A_2137 = arith.addf %mul3A_2136, %get3A_8 : vector<16xf32>
        %swap3A_2138 = arith.constant 0 : i32
        %swap3A_2139 = arith.constant 0 : i32
        %swap3A_2140 = arith.constant 0 : i32
        %swap3A_2141 = tpu.memref_slice %arg7[%select_n3A_148, %swap3A_2138, %swap3A_2139, %swap3A_2140] : memref<2x50x8x128xf32, #tpu.memory_space<vmem>> -> memref<1x50x8x128xf32, #tpu.memory_space<vmem>>
        %swap3A_2142 = tpu.memref_squeeze %swap3A_2141 : memref<1x50x8x128xf32, #tpu.memory_space<vmem>> -> memref<50x8x128xf32, #tpu.memory_space<vmem>>
        %swap3A_2143 = arith.index_cast %sub3A_2131 : i32 to index
        %swap3A_2144 = arith.index_cast %select_n3A_2128 : i32 to index
        %swap3A_2145 = arith.constant 0 : index
        %swap3A_2146 = tpu.vector_load %swap3A_2142[%swap3A_2143, %swap3A_2144, %swap3A_2145] {strides = array<i32>} : memref<50x8x128xf32, #tpu.memory_space<vmem>>, vector<1x1x16xf32>,
        %swap3A_2147 = vector.shape_cast %swap3A_2146 : vector<1x1x16xf32> to vector<16xf32>
        %swap3A_2148 = vector.shape_cast %add3A_2137 : vector<16xf32> to vector<1x1x16xf32>
        tpu.vector_store %swap3A_2142[%swap3A_2143, %swap3A_2144, %swap3A_2145], %swap3A_2148 {strides = array<i32>} : memref<50x8x128xf32, #tpu.memory_space<vmem>>, vector<1x1x16xf32>,
        %mul3A_2149 = arith.mulf %gather3A_2135, %sub3A_54 : vector<16xf32>
        %add3A_2150 = arith.addf %mul3A_2149, %get3A_13 : vector<16xf32>
        %swap3A_2151 = arith.constant 0 : i32
        %swap3A_2152 = arith.constant 0 : i32
        %swap3A_2153 = arith.constant 0 : i32
        %swap3A_2154 = tpu.memref_slice %arg7[%select_n3A_148, %swap3A_2151, %swap3A_2152, %swap3A_2153] : memref<2x50x8x128xf32, #tpu.memory_space<vmem>> -> memref<1x50x8x128xf32, #tpu.memory_space<vmem>>
        %swap3A_2155 = tpu.memref_squeeze %swap3A_2154 : memref<1x50x8x128xf32, #tpu.memory_space<vmem>> -> memref<50x8x128xf32, #tpu.memory_space<vmem>>
        %swap3A_2156 = arith.index_cast %sub3A_2131 : i32 to index
        %swap3A_2157 = arith.index_cast %select_n3A_2128 : i32 to index
        %swap3A_2158 = arith.constant 16 : index
        %swap3A_2159 = tpu.vector_load %swap3A_2155[%swap3A_2156, %swap3A_2157, %swap3A_2158] {strides = array<i32>} : memref<50x8x128xf32, #tpu.memory_space<vmem>>, vector<1x1x16xf32>,
        %swap3A_2160 = vector.shape_cast %swap3A_2159 : vector<1x1x16xf32> to vector<16xf32>
        %swap3A_2161 = vector.shape_cast %add3A_2150 : vector<16xf32> to vector<1x1x16xf32>
        tpu.vector_store %swap3A_2155[%swap3A_2156, %swap3A_2157, %swap3A_2158], %swap3A_2161 {strides = array<i32>} : memref<50x8x128xf32, #tpu.memory_space<vmem>>, vector<1x1x16xf32>,
        %mul3A_2162 = arith.mulf %gather3A_2135, %sub3A_60 : vector<16xf32>
        %add3A_2163 = arith.addf %mul3A_2162, %get3A_18 : vector<16xf32>
        %swap3A_2164 = arith.constant 0 : i32
        %swap3A_2165 = arith.constant 0 : i32
        %swap3A_2166 = arith.constant 0 : i32
        %swap3A_2167 = tpu.memref_slice %arg7[%select_n3A_148, %swap3A_2164, %swap3A_2165, %swap3A_2166] : memref<2x50x8x128xf32, #tpu.memory_space<vmem>> -> memref<1x50x8x128xf32, #tpu.memory_space<vmem>>
        %swap3A_2168 = tpu.memref_squeeze %swap3A_2167 : memref<1x50x8x128xf32, #tpu.memory_space<vmem>> -> memref<50x8x128xf32, #tpu.memory_space<vmem>>
        %swap3A_2169 = arith.index_cast %sub3A_2131 : i32 to index
        %swap3A_2170 = arith.index_cast %select_n3A_2128 : i32 to index
        %swap3A_2171 = arith.constant 32 : index
        %swap3A_2172 = tpu.vector_load %swap3A_2168[%swap3A_2169, %swap3A_2170, %swap3A_2171] {strides = array<i32>} : memref<50x8x128xf32, #tpu.memory_space<vmem>>, vector<1x1x16xf32>,
        %swap3A_2173 = vector.shape_cast %swap3A_2172 : vector<1x1x16xf32> to vector<16xf32>
        %swap3A_2174 = vector.shape_cast %add3A_2163 : vector<16xf32> to vector<1x1x16xf32>
        tpu.vector_store %swap3A_2168[%swap3A_2169, %swap3A_2170, %swap3A_2171], %swap3A_2174 {strides = array<i32>} : memref<50x8x128xf32, #tpu.memory_space<vmem>>, vector<1x1x16xf32>,
        %mul3A_2175 = arith.mulf %gather3A_2135, %sub3A_66 : vector<16xf32>
        %add3A_2176 = arith.addf %mul3A_2175, %get3A_23 : vector<16xf32>
        %swap3A_2177 = arith.constant 0 : i32
        %swap3A_2178 = arith.constant 0 : i32
        %swap3A_2179 = arith.constant 0 : i32
        %swap3A_2180 = tpu.memref_slice %arg7[%select_n3A_148, %swap3A_2177, %swap3A_2178, %swap3A_2179] : memref<2x50x8x128xf32, #tpu.memory_space<vmem>> -> memref<1x50x8x128xf32, #tpu.memory_space<vmem>>
        %swap3A_2181 = tpu.memref_squeeze %swap3A_2180 : memref<1x50x8x128xf32, #tpu.memory_space<vmem>> -> memref<50x8x128xf32, #tpu.memory_space<vmem>>
        %swap3A_2182 = arith.index_cast %sub3A_2131 : i32 to index
        %swap3A_2183 = arith.index_cast %select_n3A_2128 : i32 to index
        %swap3A_2184 = arith.constant 48 : index
        %swap3A_2185 = tpu.vector_load %swap3A_2181[%swap3A_2182, %swap3A_2183, %swap3A_2184] {strides = array<i32>} : memref<50x8x128xf32, #tpu.memory_space<vmem>>, vector<1x1x16xf32>,
        %swap3A_2186 = vector.shape_cast %swap3A_2185 : vector<1x1x16xf32> to vector<16xf32>
        %swap3A_2187 = vector.shape_cast %add3A_2176 : vector<16xf32> to vector<1x1x16xf32>
        tpu.vector_store %swap3A_2181[%swap3A_2182, %swap3A_2183, %swap3A_2184], %swap3A_2187 {strides = array<i32>} : memref<50x8x128xf32, #tpu.memory_space<vmem>>, vector<1x1x16xf32>,
        %mul3A_2188 = arith.mulf %gather3A_2135, %sub3A_72 : vector<16xf32>
        %add3A_2189 = arith.addf %mul3A_2188, %get3A_28 : vector<16xf32>
        %swap3A_2190 = arith.constant 0 : i32
        %swap3A_2191 = arith.constant 0 : i32
        %swap3A_2192 = arith.constant 0 : i32
        %swap3A_2193 = tpu.memref_slice %arg7[%select_n3A_148, %swap3A_2190, %swap3A_2191, %swap3A_2192] : memref<2x50x8x128xf32, #tpu.memory_space<vmem>> -> memref<1x50x8x128xf32, #tpu.memory_space<vmem>>
        %swap3A_2194 = tpu.memref_squeeze %swap3A_2193 : memref<1x50x8x128xf32, #tpu.memory_space<vmem>> -> memref<50x8x128xf32, #tpu.memory_space<vmem>>
        %swap3A_2195 = arith.index_cast %sub3A_2131 : i32 to index
        %swap3A_2196 = arith.index_cast %select_n3A_2128 : i32 to index
        %swap3A_2197 = arith.constant 64 : index
        %swap3A_2198 = tpu.vector_load %swap3A_2194[%swap3A_2195, %swap3A_2196, %swap3A_2197] {strides = array<i32>} : memref<50x8x128xf32, #tpu.memory_space<vmem>>, vector<1x1x16xf32>,
        %swap3A_2199 = vector.shape_cast %swap3A_2198 : vector<1x1x16xf32> to vector<16xf32>
        %swap3A_2200 = vector.shape_cast %add3A_2189 : vector<16xf32> to vector<1x1x16xf32>
        tpu.vector_store %swap3A_2194[%swap3A_2195, %swap3A_2196, %swap3A_2197], %swap3A_2200 {strides = array<i32>} : memref<50x8x128xf32, #tpu.memory_space<vmem>>, vector<1x1x16xf32>,
        %mul3A_2201 = arith.mulf %gather3A_2135, %sub3A_78 : vector<16xf32>
        %add3A_2202 = arith.addf %mul3A_2201, %get3A_33 : vector<16xf32>
        %swap3A_2203 = arith.constant 0 : i32
        %swap3A_2204 = arith.constant 0 : i32
        %swap3A_2205 = arith.constant 0 : i32
        %swap3A_2206 = tpu.memref_slice %arg7[%select_n3A_148, %swap3A_2203, %swap3A_2204, %swap3A_2205] : memref<2x50x8x128xf32, #tpu.memory_space<vmem>> -> memref<1x50x8x128xf32, #tpu.memory_space<vmem>>
        %swap3A_2207 = tpu.memref_squeeze %swap3A_2206 : memref<1x50x8x128xf32, #tpu.memory_space<vmem>> -> memref<50x8x128xf32, #tpu.memory_space<vmem>>
        %swap3A_2208 = arith.index_cast %sub3A_2131 : i32 to index
        %swap3A_2209 = arith.index_cast %select_n3A_2128 : i32 to index
        %swap3A_2210 = arith.constant 80 : index
        %swap3A_2211 = tpu.vector_load %swap3A_2207[%swap3A_2208, %swap3A_2209, %swap3A_2210] {strides = array<i32>} : memref<50x8x128xf32, #tpu.memory_space<vmem>>, vector<1x1x16xf32>,
        %swap3A_2212 = vector.shape_cast %swap3A_2211 : vector<1x1x16xf32> to vector<16xf32>
        %swap3A_2213 = vector.shape_cast %add3A_2202 : vector<16xf32> to vector<1x1x16xf32>
        tpu.vector_store %swap3A_2207[%swap3A_2208, %swap3A_2209, %swap3A_2210], %swap3A_2213 {strides = array<i32>} : memref<50x8x128xf32, #tpu.memory_space<vmem>>, vector<1x1x16xf32>,
        %mul3A_2214 = arith.mulf %gather3A_2135, %sub3A_84 : vector<16xf32>
        %add3A_2215 = arith.addf %mul3A_2214, %get3A_38 : vector<16xf32>
        %swap3A_2216 = arith.constant 0 : i32
        %swap3A_2217 = arith.constant 0 : i32
        %swap3A_2218 = arith.constant 0 : i32
        %swap3A_2219 = tpu.memref_slice %arg7[%select_n3A_148, %swap3A_2216, %swap3A_2217, %swap3A_2218] : memref<2x50x8x128xf32, #tpu.memory_space<vmem>> -> memref<1x50x8x128xf32, #tpu.memory_space<vmem>>
        %swap3A_2220 = tpu.memref_squeeze %swap3A_2219 : memref<1x50x8x128xf32, #tpu.memory_space<vmem>> -> memref<50x8x128xf32, #tpu.memory_space<vmem>>
        %swap3A_2221 = arith.index_cast %sub3A_2131 : i32 to index
        %swap3A_2222 = arith.index_cast %select_n3A_2128 : i32 to index
        %swap3A_2223 = arith.constant 96 : index
        %swap3A_2224 = tpu.vector_load %swap3A_2220[%swap3A_2221, %swap3A_2222, %swap3A_2223] {strides = array<i32>} : memref<50x8x128xf32, #tpu.memory_space<vmem>>, vector<1x1x16xf32>,
        %swap3A_2225 = vector.shape_cast %swap3A_2224 : vector<1x1x16xf32> to vector<16xf32>
        %swap3A_2226 = vector.shape_cast %add3A_2215 : vector<16xf32> to vector<1x1x16xf32>
        tpu.vector_store %swap3A_2220[%swap3A_2221, %swap3A_2222, %swap3A_2223], %swap3A_2226 {strides = array<i32>} : memref<50x8x128xf32, #tpu.memory_space<vmem>>, vector<1x1x16xf32>,
        %mul3A_2227 = arith.mulf %gather3A_2135, %sub3A_90 : vector<16xf32>
        %add3A_2228 = arith.addf %mul3A_2227, %get3A_43 : vector<16xf32>
        %swap3A_2229 = arith.constant 0 : i32
        %swap3A_2230 = arith.constant 0 : i32
        %swap3A_2231 = arith.constant 0 : i32
        %swap3A_2232 = tpu.memref_slice %arg7[%select_n3A_148, %swap3A_2229, %swap3A_2230, %swap3A_2231] : memref<2x50x8x128xf32, #tpu.memory_space<vmem>> -> memref<1x50x8x128xf32, #tpu.memory_space<vmem>>
        %swap3A_2233 = tpu.memref_squeeze %swap3A_2232 : memref<1x50x8x128xf32, #tpu.memory_space<vmem>> -> memref<50x8x128xf32, #tpu.memory_space<vmem>>
        %swap3A_2234 = arith.index_cast %sub3A_2131 : i32 to index
        %swap3A_2235 = arith.index_cast %select_n3A_2128 : i32 to index
        %swap3A_2236 = arith.constant 112 : index
        %swap3A_2237 = tpu.vector_load %swap3A_2233[%swap3A_2234, %swap3A_2235, %swap3A_2236] {strides = array<i32>} : memref<50x8x128xf32, #tpu.memory_space<vmem>>, vector<1x1x16xf32>,
        %swap3A_2238 = vector.shape_cast %swap3A_2237 : vector<1x1x16xf32> to vector<16xf32>
        %swap3A_2239 = vector.shape_cast %add3A_2228 : vector<16xf32> to vector<1x1x16xf32>
        tpu.vector_store %swap3A_2233[%swap3A_2234, %swap3A_2235, %swap3A_2236], %swap3A_2239 {strides = array<i32>} : memref<50x8x128xf32, #tpu.memory_space<vmem>>, vector<1x1x16xf32>,
        %add3A_2240 = arith.constant 15 : i32
        %add3A_2241 = arith.addi %mul3A_179, %add3A_2240 : i32
        %jit3A_2242 = arith.constant 50 : i32
        %div3A_2243 = arith.divsi %add3A_2241, %jit3A_2242 : i32
        %sign3A_2244 = arith.constant 0 : i32
        %sign3A_2245 = arith.cmpi sgt, %add3A_2241, %sign3A_2244 : i32
        %sign3A_2246 = arith.extui %sign3A_2245 : i1 to i32
        %sign3A_2247 = arith.constant 0 : i32
        %sign3A_2248 = arith.cmpi slt, %add3A_2241, %sign3A_2247 : i32
        %sign3A_2249 = arith.extui %sign3A_2248 : i1 to i32
        %sign3A_2250 = arith.subi %sign3A_2246, %sign3A_2249 : i32
        %sign3A_2251 = arith.constant 0 : i32
        %sign3A_2252 = arith.cmpi sgt, %jit3A_2242, %sign3A_2251 : i32
        %sign3A_2253 = arith.extui %sign3A_2252 : i1 to i32
        %sign3A_2254 = arith.constant 0 : i32
        %sign3A_2255 = arith.cmpi slt, %jit3A_2242, %sign3A_2254 : i32
        %sign3A_2256 = arith.extui %sign3A_2255 : i1 to i32
        %sign3A_2257 = arith.subi %sign3A_2253, %sign3A_2256 : i32
        %ne3A_2258 = arith.cmpi ne, %sign3A_2250, %sign3A_2257 : i32
        %rem3A_2259 = arith.remsi %add3A_2241, %jit3A_2242 : i32
        %ne3A_2260 = arith.constant 0 : i32
        %ne3A_2261 = arith.cmpi ne, %rem3A_2259, %ne3A_2260 : i32
        %and3A_2262 = arith.andi %ne3A_2258, %ne3A_2261 : i1
        %sub3A_2263 = arith.constant 1 : i32
        %sub3A_2264 = arith.subi %div3A_2243, %sub3A_2263 : i32
        %select_n3A_2265 = arith.select %and3A_2262, %sub3A_2264, %div3A_2243 : i32
        %mul3A_2266 = arith.constant 50 : i32
        %mul3A_2267 = arith.muli %select_n3A_2265, %mul3A_2266 : i32
        %sub3A_2268 = arith.subi %add3A_2241, %mul3A_2267 : i32
        %broadcast_in_dim3A_2269 = arith.constant 15 : i32
        %broadcast_in_dim3A_2270 = vector.broadcast %broadcast_in_dim3A_2269 : i32 to vector<16x1xi32>
        %gather3A_2271 = vector.shape_cast %broadcast_in_dim3A_2270 : vector<16x1xi32> to vector<16xi32>
        %gather3A_2272 = tpu.dynamic_gather %convert_element_type3A_189[%gather3A_2271] in [0] : vector<16xf32>, vector<16xi32> -> vector<16xf32>
        %mul3A_2273 = arith.mulf %gather3A_2272, %sub3A : vector<16xf32>
        %add3A_2274 = arith.addf %mul3A_2273, %get3A_8 : vector<16xf32>
        %swap3A_2275 = arith.constant 0 : i32
        %swap3A_2276 = arith.constant 0 : i32
        %swap3A_2277 = arith.constant 0 : i32
        %swap3A_2278 = tpu.memref_slice %arg7[%select_n3A_148, %swap3A_2275, %swap3A_2276, %swap3A_2277] : memref<2x50x8x128xf32, #tpu.memory_space<vmem>> -> memref<1x50x8x128xf32, #tpu.memory_space<vmem>>
        %swap3A_2279 = tpu.memref_squeeze %swap3A_2278 : memref<1x50x8x128xf32, #tpu.memory_space<vmem>> -> memref<50x8x128xf32, #tpu.memory_space<vmem>>
        %swap3A_2280 = arith.index_cast %sub3A_2268 : i32 to index
        %swap3A_2281 = arith.index_cast %select_n3A_2265 : i32 to index
        %swap3A_2282 = arith.constant 0 : index
        %swap3A_2283 = tpu.vector_load %swap3A_2279[%swap3A_2280, %swap3A_2281, %swap3A_2282] {strides = array<i32>} : memref<50x8x128xf32, #tpu.memory_space<vmem>>, vector<1x1x16xf32>,
        %swap3A_2284 = vector.shape_cast %swap3A_2283 : vector<1x1x16xf32> to vector<16xf32>
        %swap3A_2285 = vector.shape_cast %add3A_2274 : vector<16xf32> to vector<1x1x16xf32>
        tpu.vector_store %swap3A_2279[%swap3A_2280, %swap3A_2281, %swap3A_2282], %swap3A_2285 {strides = array<i32>} : memref<50x8x128xf32, #tpu.memory_space<vmem>>, vector<1x1x16xf32>,
        %mul3A_2286 = arith.mulf %gather3A_2272, %sub3A_54 : vector<16xf32>
        %add3A_2287 = arith.addf %mul3A_2286, %get3A_13 : vector<16xf32>
        %swap3A_2288 = arith.constant 0 : i32
        %swap3A_2289 = arith.constant 0 : i32
        %swap3A_2290 = arith.constant 0 : i32
        %swap3A_2291 = tpu.memref_slice %arg7[%select_n3A_148, %swap3A_2288, %swap3A_2289, %swap3A_2290] : memref<2x50x8x128xf32, #tpu.memory_space<vmem>> -> memref<1x50x8x128xf32, #tpu.memory_space<vmem>>
        %swap3A_2292 = tpu.memref_squeeze %swap3A_2291 : memref<1x50x8x128xf32, #tpu.memory_space<vmem>> -> memref<50x8x128xf32, #tpu.memory_space<vmem>>
        %swap3A_2293 = arith.index_cast %sub3A_2268 : i32 to index
        %swap3A_2294 = arith.index_cast %select_n3A_2265 : i32 to index
        %swap3A_2295 = arith.constant 16 : index
        %swap3A_2296 = tpu.vector_load %swap3A_2292[%swap3A_2293, %swap3A_2294, %swap3A_2295] {strides = array<i32>} : memref<50x8x128xf32, #tpu.memory_space<vmem>>, vector<1x1x16xf32>,
        %swap3A_2297 = vector.shape_cast %swap3A_2296 : vector<1x1x16xf32> to vector<16xf32>
        %swap3A_2298 = vector.shape_cast %add3A_2287 : vector<16xf32> to vector<1x1x16xf32>
        tpu.vector_store %swap3A_2292[%swap3A_2293, %swap3A_2294, %swap3A_2295], %swap3A_2298 {strides = array<i32>} : memref<50x8x128xf32, #tpu.memory_space<vmem>>, vector<1x1x16xf32>,
        %mul3A_2299 = arith.mulf %gather3A_2272, %sub3A_60 : vector<16xf32>
        %add3A_2300 = arith.addf %mul3A_2299, %get3A_18 : vector<16xf32>
        %swap3A_2301 = arith.constant 0 : i32
        %swap3A_2302 = arith.constant 0 : i32
        %swap3A_2303 = arith.constant 0 : i32
        %swap3A_2304 = tpu.memref_slice %arg7[%select_n3A_148, %swap3A_2301, %swap3A_2302, %swap3A_2303] : memref<2x50x8x128xf32, #tpu.memory_space<vmem>> -> memref<1x50x8x128xf32, #tpu.memory_space<vmem>>
        %swap3A_2305 = tpu.memref_squeeze %swap3A_2304 : memref<1x50x8x128xf32, #tpu.memory_space<vmem>> -> memref<50x8x128xf32, #tpu.memory_space<vmem>>
        %swap3A_2306 = arith.index_cast %sub3A_2268 : i32 to index
        %swap3A_2307 = arith.index_cast %select_n3A_2265 : i32 to index
        %swap3A_2308 = arith.constant 32 : index
        %swap3A_2309 = tpu.vector_load %swap3A_2305[%swap3A_2306, %swap3A_2307, %swap3A_2308] {strides = array<i32>} : memref<50x8x128xf32, #tpu.memory_space<vmem>>, vector<1x1x16xf32>,
        %swap3A_2310 = vector.shape_cast %swap3A_2309 : vector<1x1x16xf32> to vector<16xf32>
        %swap3A_2311 = vector.shape_cast %add3A_2300 : vector<16xf32> to vector<1x1x16xf32>
        tpu.vector_store %swap3A_2305[%swap3A_2306, %swap3A_2307, %swap3A_2308], %swap3A_2311 {strides = array<i32>} : memref<50x8x128xf32, #tpu.memory_space<vmem>>, vector<1x1x16xf32>,
        %mul3A_2312 = arith.mulf %gather3A_2272, %sub3A_66 : vector<16xf32>
        %add3A_2313 = arith.addf %mul3A_2312, %get3A_23 : vector<16xf32>
        %swap3A_2314 = arith.constant 0 : i32
        %swap3A_2315 = arith.constant 0 : i32
        %swap3A_2316 = arith.constant 0 : i32
        %swap3A_2317 = tpu.memref_slice %arg7[%select_n3A_148, %swap3A_2314, %swap3A_2315, %swap3A_2316] : memref<2x50x8x128xf32, #tpu.memory_space<vmem>> -> memref<1x50x8x128xf32, #tpu.memory_space<vmem>>
        %swap3A_2318 = tpu.memref_squeeze %swap3A_2317 : memref<1x50x8x128xf32, #tpu.memory_space<vmem>> -> memref<50x8x128xf32, #tpu.memory_space<vmem>>
        %swap3A_2319 = arith.index_cast %sub3A_2268 : i32 to index
        %swap3A_2320 = arith.index_cast %select_n3A_2265 : i32 to index
        %swap3A_2321 = arith.constant 48 : index
        %swap3A_2322 = tpu.vector_load %swap3A_2318[%swap3A_2319, %swap3A_2320, %swap3A_2321] {strides = array<i32>} : memref<50x8x128xf32, #tpu.memory_space<vmem>>, vector<1x1x16xf32>,
        %swap3A_2323 = vector.shape_cast %swap3A_2322 : vector<1x1x16xf32> to vector<16xf32>
        %swap3A_2324 = vector.shape_cast %add3A_2313 : vector<16xf32> to vector<1x1x16xf32>
        tpu.vector_store %swap3A_2318[%swap3A_2319, %swap3A_2320, %swap3A_2321], %swap3A_2324 {strides = array<i32>} : memref<50x8x128xf32, #tpu.memory_space<vmem>>, vector<1x1x16xf32>,
        %mul3A_2325 = arith.mulf %gather3A_2272, %sub3A_72 : vector<16xf32>
        %add3A_2326 = arith.addf %mul3A_2325, %get3A_28 : vector<16xf32>
        %swap3A_2327 = arith.constant 0 : i32
        %swap3A_2328 = arith.constant 0 : i32
        %swap3A_2329 = arith.constant 0 : i32
        %swap3A_2330 = tpu.memref_slice %arg7[%select_n3A_148, %swap3A_2327, %swap3A_2328, %swap3A_2329] : memref<2x50x8x128xf32, #tpu.memory_space<vmem>> -> memref<1x50x8x128xf32, #tpu.memory_space<vmem>>
        %swap3A_2331 = tpu.memref_squeeze %swap3A_2330 : memref<1x50x8x128xf32, #tpu.memory_space<vmem>> -> memref<50x8x128xf32, #tpu.memory_space<vmem>>
        %swap3A_2332 = arith.index_cast %sub3A_2268 : i32 to index
        %swap3A_2333 = arith.index_cast %select_n3A_2265 : i32 to index
        %swap3A_2334 = arith.constant 64 : index
        %swap3A_2335 = tpu.vector_load %swap3A_2331[%swap3A_2332, %swap3A_2333, %swap3A_2334] {strides = array<i32>} : memref<50x8x128xf32, #tpu.memory_space<vmem>>, vector<1x1x16xf32>,
        %swap3A_2336 = vector.shape_cast %swap3A_2335 : vector<1x1x16xf32> to vector<16xf32>
        %swap3A_2337 = vector.shape_cast %add3A_2326 : vector<16xf32> to vector<1x1x16xf32>
        tpu.vector_store %swap3A_2331[%swap3A_2332, %swap3A_2333, %swap3A_2334], %swap3A_2337 {strides = array<i32>} : memref<50x8x128xf32, #tpu.memory_space<vmem>>, vector<1x1x16xf32>,
        %mul3A_2338 = arith.mulf %gather3A_2272, %sub3A_78 : vector<16xf32>
        %add3A_2339 = arith.addf %mul3A_2338, %get3A_33 : vector<16xf32>
        %swap3A_2340 = arith.constant 0 : i32
        %swap3A_2341 = arith.constant 0 : i32
        %swap3A_2342 = arith.constant 0 : i32
        %swap3A_2343 = tpu.memref_slice %arg7[%select_n3A_148, %swap3A_2340, %swap3A_2341, %swap3A_2342] : memref<2x50x8x128xf32, #tpu.memory_space<vmem>> -> memref<1x50x8x128xf32, #tpu.memory_space<vmem>>
        %swap3A_2344 = tpu.memref_squeeze %swap3A_2343 : memref<1x50x8x128xf32, #tpu.memory_space<vmem>> -> memref<50x8x128xf32, #tpu.memory_space<vmem>>
        %swap3A_2345 = arith.index_cast %sub3A_2268 : i32 to index
        %swap3A_2346 = arith.index_cast %select_n3A_2265 : i32 to index
        %swap3A_2347 = arith.constant 80 : index
        %swap3A_2348 = tpu.vector_load %swap3A_2344[%swap3A_2345, %swap3A_2346, %swap3A_2347] {strides = array<i32>} : memref<50x8x128xf32, #tpu.memory_space<vmem>>, vector<1x1x16xf32>,
        %swap3A_2349 = vector.shape_cast %swap3A_2348 : vector<1x1x16xf32> to vector<16xf32>
        %swap3A_2350 = vector.shape_cast %add3A_2339 : vector<16xf32> to vector<1x1x16xf32>
        tpu.vector_store %swap3A_2344[%swap3A_2345, %swap3A_2346, %swap3A_2347], %swap3A_2350 {strides = array<i32>} : memref<50x8x128xf32, #tpu.memory_space<vmem>>, vector<1x1x16xf32>,
        %mul3A_2351 = arith.mulf %gather3A_2272, %sub3A_84 : vector<16xf32>
        %add3A_2352 = arith.addf %mul3A_2351, %get3A_38 : vector<16xf32>
        %swap3A_2353 = arith.constant 0 : i32
        %swap3A_2354 = arith.constant 0 : i32
        %swap3A_2355 = arith.constant 0 : i32
        %swap3A_2356 = tpu.memref_slice %arg7[%select_n3A_148, %swap3A_2353, %swap3A_2354, %swap3A_2355] : memref<2x50x8x128xf32, #tpu.memory_space<vmem>> -> memref<1x50x8x128xf32, #tpu.memory_space<vmem>>
        %swap3A_2357 = tpu.memref_squeeze %swap3A_2356 : memref<1x50x8x128xf32, #tpu.memory_space<vmem>> -> memref<50x8x128xf32, #tpu.memory_space<vmem>>
        %swap3A_2358 = arith.index_cast %sub3A_2268 : i32 to index
        %swap3A_2359 = arith.index_cast %select_n3A_2265 : i32 to index
        %swap3A_2360 = arith.constant 96 : index
        %swap3A_2361 = tpu.vector_load %swap3A_2357[%swap3A_2358, %swap3A_2359, %swap3A_2360] {strides = array<i32>} : memref<50x8x128xf32, #tpu.memory_space<vmem>>, vector<1x1x16xf32>,
        %swap3A_2362 = vector.shape_cast %swap3A_2361 : vector<1x1x16xf32> to vector<16xf32>
        %swap3A_2363 = vector.shape_cast %add3A_2352 : vector<16xf32> to vector<1x1x16xf32>
        tpu.vector_store %swap3A_2357[%swap3A_2358, %swap3A_2359, %swap3A_2360], %swap3A_2363 {strides = array<i32>} : memref<50x8x128xf32, #tpu.memory_space<vmem>>, vector<1x1x16xf32>,
        %mul3A_2364 = arith.mulf %gather3A_2272, %sub3A_90 : vector<16xf32>
        %add3A_2365 = arith.addf %mul3A_2364, %get3A_43 : vector<16xf32>
        %swap3A_2366 = arith.constant 0 : i32
        %swap3A_2367 = arith.constant 0 : i32
        %swap3A_2368 = arith.constant 0 : i32
        %swap3A_2369 = tpu.memref_slice %arg7[%select_n3A_148, %swap3A_2366, %swap3A_2367, %swap3A_2368] : memref<2x50x8x128xf32, #tpu.memory_space<vmem>> -> memref<1x50x8x128xf32, #tpu.memory_space<vmem>>
        %swap3A_2370 = tpu.memref_squeeze %swap3A_2369 : memref<1x50x8x128xf32, #tpu.memory_space<vmem>> -> memref<50x8x128xf32, #tpu.memory_space<vmem>>
        %swap3A_2371 = arith.index_cast %sub3A_2268 : i32 to index
        %swap3A_2372 = arith.index_cast %select_n3A_2265 : i32 to index
        %swap3A_2373 = arith.constant 112 : index
        %swap3A_2374 = tpu.vector_load %swap3A_2370[%swap3A_2371, %swap3A_2372, %swap3A_2373] {strides = array<i32>} : memref<50x8x128xf32, #tpu.memory_space<vmem>>, vector<1x1x16xf32>,
        %swap3A_2375 = vector.shape_cast %swap3A_2374 : vector<1x1x16xf32> to vector<16xf32>
        %swap3A_2376 = vector.shape_cast %add3A_2365 : vector<16xf32> to vector<1x1x16xf32>
        tpu.vector_store %swap3A_2370[%swap3A_2371, %swap3A_2372, %swap3A_2373], %swap3A_2376 {strides = array<i32>} : memref<50x8x128xf32, #tpu.memory_space<vmem>>, vector<1x1x16xf32>,
      }
      %scan3A_156 = arith.constant 25 : i32
      %mul3A_157 = arith.constant 8 : i32
      %mul3A_158 = arith.muli %scan3A_139, %mul3A_157 : i32
      %add3A_159 = arith.addi %mul3A_2, %mul3A_158 : i32
      %dma_start3A = arith.constant 0 : i32
      %dma_start3A_160 = arith.constant 0 : i32
      %dma_start3A_161 = arith.constant 0 : i32
      %dma_start3A_162 = tpu.memref_slice %arg7[%select_n3A_148, %dma_start3A, %dma_start3A_160, %dma_start3A_161] : memref<2x50x8x128xf32, #tpu.memory_space<vmem>> -> memref<1x50x8x128xf32, #tpu.memory_space<vmem>>
      %dma_start3A_163 = tpu.memref_squeeze %dma_start3A_162 : memref<1x50x8x128xf32, #tpu.memory_space<vmem>> -> memref<50x8x128xf32, #tpu.memory_space<vmem>>
      %dma_start3A_164 = arith.constant 0 : i32
      %dma_start3A_165 = arith.constant 0 : i32
      %dma_start3A_166 = tpu.memref_slice %arg4[%dma_start3A_164, %add3A_159, %dma_start3A_165] : memref<50x4096x128xf32, #tpu.memory_space<hbm>> -> memref<50x8x128xf32, #tpu.memory_space<hbm>>
      %dma_start3A_167 = tpu.memref_slice %arg8[%select_n3A_148] : memref<2x!tpu.dma_semaphore, #tpu.memory_space<semaphore_mem>> -> memref<1x!tpu.dma_semaphore, #tpu.memory_space<semaphore_mem>>
      %dma_start3A_168 = tpu.memref_squeeze %dma_start3A_167 : memref<1x!tpu.dma_semaphore, #tpu.memory_space<semaphore_mem>> -> memref<!tpu.dma_semaphore, #tpu.memory_space<semaphore_mem>>
      %dma_start3A_169 = arith.constant 0 : i32
      %dma_start3A_170 = arith.constant 0 : i32
      %dma_start3A_171 = tpu.memref_slice %arg4[%dma_start3A_169, %add3A_159, %dma_start3A_170] : memref<50x4096x128xf32, #tpu.memory_space<hbm>> -> memref<50x8x128xf32, #tpu.memory_space<hbm>>
      %dma_start3A_172 = arith.constant 0 : i32
      %dma_start3A_173 = arith.constant 0 : i32
      %dma_start3A_174 = arith.constant 0 : i32
      %dma_start3A_175 = tpu.memref_slice %arg7[%select_n3A_148, %dma_start3A_172, %dma_start3A_173, %dma_start3A_174] : memref<2x50x8x128xf32, #tpu.memory_space<vmem>> -> memref<1x50x8x128xf32, #tpu.memory_space<vmem>>
      %dma_start3A_176 = tpu.memref_squeeze %dma_start3A_175 : memref<1x50x8x128xf32, #tpu.memory_space<vmem>> -> memref<50x8x128xf32, #tpu.memory_space<vmem>>
      tpu.enqueue_dma source(%dma_start3A_176 : memref<50x8x128xf32, #tpu.memory_space<vmem>>) target(%dma_start3A_171 : memref<50x8x128xf32, #tpu.memory_space<hbm>>) target_semaphore(%dma_start3A_168 : memref<!tpu.dma_semaphore, #tpu.memory_space<semaphore_mem>>)
    }
    %scan3A_95 = arith.constant 16 : i32
    %add3A_96 = arith.constant 112 : i32
    %add3A_97 = arith.addi %mul3A_2, %add3A_96 : i32
    %dma_wait3A = arith.constant 0 : i32
    %dma_wait3A_98 = arith.constant 0 : i32
    %dma_wait3A_99 = arith.constant 0 : i32
    %dma_wait3A_100 = arith.constant 0 : i32
    %dma_wait3A_101 = arith.constant 0 : i32
    %dma_wait3A_102 = tpu.memref_slice %arg7[%dma_wait3A, %dma_wait3A_99, %dma_wait3A_100, %dma_wait3A_101] : memref<2x50x8x128xf32, #tpu.memory_space<vmem>> -> memref<1x50x8x128xf32, #tpu.memory_space<vmem>>
    %dma_wait3A_103 = tpu.memref_squeeze %dma_wait3A_102 : memref<1x50x8x128xf32, #tpu.memory_space<vmem>> -> memref<50x8x128xf32, #tpu.memory_space<vmem>>
    %dma_wait3A_104 = arith.constant 0 : i32
    %dma_wait3A_105 = arith.constant 0 : i32
    %dma_wait3A_106 = tpu.memref_slice %arg4[%dma_wait3A_104, %add3A_97, %dma_wait3A_105] : memref<50x4096x128xf32, #tpu.memory_space<hbm>> -> memref<50x8x128xf32, #tpu.memory_space<hbm>>
    %dma_wait3A_107 = tpu.memref_slice %arg8[%dma_wait3A_98] : memref<2x!tpu.dma_semaphore, #tpu.memory_space<semaphore_mem>> -> memref<1x!tpu.dma_semaphore, #tpu.memory_space<semaphore_mem>>
    %dma_wait3A_108 = tpu.memref_squeeze %dma_wait3A_107 : memref<1x!tpu.dma_semaphore, #tpu.memory_space<semaphore_mem>> -> memref<!tpu.dma_semaphore, #tpu.memory_space<semaphore_mem>>
    %dma_wait3A_109 = arith.constant 0 : i32
    %dma_wait3A_110 = arith.constant 0 : i32
    %dma_wait3A_111 = tpu.memref_slice %arg4[%dma_wait3A_109, %add3A_97, %dma_wait3A_110] : memref<50x4096x128xf32, #tpu.memory_space<hbm>> -> memref<50x8x128xf32, #tpu.memory_space<hbm>>
    %dma_wait3A_112 = arith.constant 0 : i32
    %dma_wait3A_113 = arith.constant 0 : i32
    %dma_wait3A_114 = arith.constant 0 : i32
    %dma_wait3A_115 = tpu.memref_slice %arg7[%dma_wait3A, %dma_wait3A_112, %dma_wait3A_113, %dma_wait3A_114] : memref<2x50x8x128xf32, #tpu.memory_space<vmem>> -> memref<1x50x8x128xf32, #tpu.memory_space<vmem>>
    %dma_wait3A_116 = tpu.memref_squeeze %dma_wait3A_115 : memref<1x50x8x128xf32, #tpu.memory_space<vmem>> -> memref<50x8x128xf32, #tpu.memory_space<vmem>>
    tpu.wait_dma2 semaphore(%dma_wait3A_108 : memref<!tpu.dma_semaphore, #tpu.memory_space<semaphore_mem>>) src(%dma_wait3A_116 : memref<50x8x128xf32, #tpu.memory_space<vmem>>) dst(%dma_wait3A_111 : memref<50x8x128xf32, #tpu.memory_space<hbm>>)
    %add3A_117 = arith.constant 120 : i32
    %add3A_118 = arith.addi %mul3A_2, %add3A_117 : i32
    %dma_wait3A_119 = arith.constant 1 : i32
    %dma_wait3A_120 = arith.constant 1 : i32
    %dma_wait3A_121 = arith.constant 0 : i32
    %dma_wait3A_122 = arith.constant 0 : i32
    %dma_wait3A_123 = arith.constant 0 : i32
    %dma_wait3A_124 = tpu.memref_slice %arg7[%dma_wait3A_119, %dma_wait3A_121, %dma_wait3A_122, %dma_wait3A_123] : memref<2x50x8x128xf32, #tpu.memory_space<vmem>> -> memref<1x50x8x128xf32, #tpu.memory_space<vmem>>
    %dma_wait3A_125 = tpu.memref_squeeze %dma_wait3A_124 : memref<1x50x8x128xf32, #tpu.memory_space<vmem>> -> memref<50x8x128xf32, #tpu.memory_space<vmem>>
    %dma_wait3A_126 = arith.constant 0 : i32
    %dma_wait3A_127 = arith.constant 0 : i32
    %dma_wait3A_128 = tpu.memref_slice %arg4[%dma_wait3A_126, %add3A_118, %dma_wait3A_127] : memref<50x4096x128xf32, #tpu.memory_space<hbm>> -> memref<50x8x128xf32, #tpu.memory_space<hbm>>
    %dma_wait3A_129 = tpu.memref_slice %arg8[%dma_wait3A_120] : memref<2x!tpu.dma_semaphore, #tpu.memory_space<semaphore_mem>> -> memref<1x!tpu.dma_semaphore, #tpu.memory_space<semaphore_mem>>
    %dma_wait3A_130 = tpu.memref_squeeze %dma_wait3A_129 : memref<1x!tpu.dma_semaphore, #tpu.memory_space<semaphore_mem>> -> memref<!tpu.dma_semaphore, #tpu.memory_space<semaphore_mem>>
    %dma_wait3A_131 = arith.constant 0 : i32
    %dma_wait3A_132 = arith.constant 0 : i32
    %dma_wait3A_133 = tpu.memref_slice %arg4[%dma_wait3A_131, %add3A_118, %dma_wait3A_132] : memref<50x4096x128xf32, #tpu.memory_space<hbm>> -> memref<50x8x128xf32, #tpu.memory_space<hbm>>
    %dma_wait3A_134 = arith.constant 0 : i32
    %dma_wait3A_135 = arith.constant 0 : i32
    %dma_wait3A_136 = arith.constant 0 : i32
    %dma_wait3A_137 = tpu.memref_slice %arg7[%dma_wait3A_119, %dma_wait3A_134, %dma_wait3A_135, %dma_wait3A_136] : memref<2x50x8x128xf32, #tpu.memory_space<vmem>> -> memref<1x50x8x128xf32, #tpu.memory_space<vmem>>
    %dma_wait3A_138 = tpu.memref_squeeze %dma_wait3A_137 : memref<1x50x8x128xf32, #tpu.memory_space<vmem>> -> memref<50x8x128xf32, #tpu.memory_space<vmem>>
    tpu.wait_dma2 semaphore(%dma_wait3A_130 : memref<!tpu.dma_semaphore, #tpu.memory_space<semaphore_mem>>) src(%dma_wait3A_138 : memref<50x8x128xf32, #tpu.memory_space<vmem>>) dst(%dma_wait3A_133 : memref<50x8x128xf32, #tpu.memory_space<hbm>>)
    return
  }
}

</mosaic_0001>

<sc_bundles>
// kernel: kernel.3.cloned.1.call-start
scs
__scs_entry_jumppad:
0x0: {  	(pc) =	sbr.rel $0x88, $3  }
0x1: {  	(tag) =	ssettag $0x0;
	lr =	simm.s32 $0x1  }
0x2: {  	[smem:$0x3F9F] =	sst lr;
	_ =	strace $0xD0000000  }
0x3: {  	_ = 	snop  }
0x4: {  	_ = 	snop  }
0x5: {  	_ = 	snop  }
0x6: {  	_ = 	snop  }
0x7: {  	_ = 	snop  }
__scs_overlays_trampoline_lowered:
0x8: {  	[smem:$0x3FAE] =	sst s0  }
0x9: {  	[smem:$0x3FAF] =	sst s1  }
0xa: {  	[smem:$0x3FB0] =	sst s2  }
0xb: {  	[smem:$0x3FB1] =	sst s3  }
0xc: {  	[smem:$0x3FB2] =	sst s4  }
0xd: {  	[smem:$0x3FB3] =	sst s5  }
0xe: {  	[smem:$0x3FB4] =	sst s6  }
0xf: {  	[smem:$0x3FB5] =	sst s7  }
0x10: {  	[smem:$0x3FB6] =	sst s8  }
0x11: {  	[smem:$0x3FB7] =	sst s9;
	s0 =	simm.s32 @!p0 $0x0  }
0x12: {  	s1 =	sld [smem:$0x3F9D];
	s0 =	simm.s32 @p0 $0x1  }
0x13: {  	[smem:$0x3FB8] =	sst s0;
	s0 =	simm.s32 @!p1 $0x0  }
0x14: {  	s2 =	sld [smem:$0x3F9C];
	s0 =	simm.s32 @p1 $0x1  }
0x15: {  	[smem:$0x3FB9] =	sst s0;
	s0 =	simm.s32 @!p2 $0x0  }
0x16: {  	s3 =	sld [smem:$0x3FDB];
	s0 =	simm.s32 @p2 $0x1  }
0x17: {  	s4 =	simm.s32 $0x1BF5;
	[smem:$0x3FBB] =	sst s0  }
0x18: {  	s0 =	sld [smem:$0x3F9E];
	_ =	swait.ge [sflag:s4], $0x0  }
0x19: {  	s7 =	sld [smem:$0x3F9F]  }
0x1a: {  	s8 =	sadd.s32 $0xFFFFE003, lr  }
0x1b: {  	s9 =	sadd.s32 $0xFFFFFEF7, lr;
	s5 =	simm.s32 $0xFFFFFFFF;
	p2 =	slt.u32 s8, $0xFFFFF086  }
0x1c: {  	p1 =	slt.u32 s9, $0xF7A;
	s5 =	simm.s32 @!p2 $0x0  }
0x1d: {  	s5 =	simm.s32 @p1 $0x1;
	p0 =	seq.s32 s7, s2  }
0x1e: {  	s7 =	smul.u32 @!p0 $0xF7A, s2;
	p2 =	seq.s32 @!p0 s5, $0x0  }
0x1f: {  	s9 =	smul.u32 $0xF7A, s1;
	s8 =	simm.s32 @!p0 $0x1BF5;
	p2 =	por !p2, p0  }
0x20: {  	[sflag:s8] =	ssyncset.s32 @!p0 $0xFFFFF086;
	s6 =	sadd.s32 @!p0 s3, s7;
	s7 =	simm.s32 @!p0 $0x108  }
0x21: {  	s3 =	sadd.s32 s3, s9;
	s6 =	sadd.s32 @!p0 $0x88, s6;
	s7 =	simm.s32 @p2 $0x1082  }
0x22: {  	[simem:s7], [sflag:s8] =	dma.local @!p0 [hbm:s6], $0xF7A  }
0x23: {  	s9 =	sor.u32 $0xD0000000, s2;
	s6 =	simm.s32 $0x108;
	_ =	swait.ge @!p0 [sflag:s8], $0x0  }
0x24: {  	s3 =	sadd.s32 $0x88, s3;
	s6 =	simm.s32 @!p1 $0x1082;
	[sflag:s4] =	ssyncset.s32 $0xFFFFF086  }
0x25: {  	[simem:s6], [sflag:s4] =	dma.local [hbm:s3], $0xF7A  }
0x26: {  	[smem:$0x3F9F] =	sst s1;
	(tag) =	ssettag s2;
	_ =	strace s9  }
0x27: {  	s1 =	sld [smem:$0x3FAF]  }
0x28: {  	s2 =	sld [smem:$0x3FB0]  }
0x29: {  	s4 =	sld [smem:$0x3FB2]  }
0x2a: {  	p0 =	seq.s32 s5, $0x0;
	s5 =	sld [smem:$0x3FB3]  }
0x2b: {  	s6 =	sld [smem:$0x3FB4]  }
0x2c: {  	s7 =	sld [smem:$0x3FB5]  }
0x2d: {  	s3 =	simm.s32 $0x108;
	s8 =	sld [smem:$0x3FB6]  }
0x2e: {  	s3 =	simm.s32 @!p0 $0x1082;
	s9 =	sld [smem:$0x3FB7]  }
0x2f: {  	lr =	sadd.s32 s0, s3;
	s0 =	sld [smem:$0x3FAE]  }
0x30: {  	s3 =	sld [smem:$0x3FB1]  }
0x31: {  	[smem:$0x3FBA] =	sst s10  }
0x32: {  	s10 =	sld [smem:$0x3FB8];
	_ =	sdelay $0x3  }
0x33: {  	p0 =	seq.s32 s10, $0x1;
	s10 =	sld [smem:$0x3FBA];
	_ =	sdelay $0x3  }
0x34: {  	[smem:$0x3FBA] =	sst s10  }
0x35: {  	s10 =	sld [smem:$0x3FB9];
	_ =	sdelay $0x3  }
0x36: {  	p1 =	seq.s32 s10, $0x1;
	s10 =	sld [smem:$0x3FBA];
	_ =	sdelay $0x3  }
0x37: {  	[smem:$0x3FBA] =	sst s10  }
0x38: {  	s10 =	sld [smem:$0x3FBB]  }
0x39: {  	_ = 	snop;
	(pc) =	sbr.ind lr, $3  }
0x3a: {  	_ = 	snop  }
0x3b: {  	_ = 	snop  }
0x3c: {  	p2 =	seq.s32 s10, $0x1;
	s10 =	sld [smem:$0x3FBA]  }
0x3d: {  	_ =	shalt  }
0x3e: {  	_ =	shalt  }
0x3f: {  	_ =	shalt  }
0x40: {  	_ =	shalt  }
0x41: {  	_ =	shalt  }
0x42: {  	_ =	shalt  }
0x43: {  	_ =	shalt  }
0x44: {  	_ =	shalt  }
0x45: {  	_ =	shalt  }
0x46: {  	_ =	shalt  }
0x47: {  	_ =	shalt  }
0x48: {  	_ =	shalt  }
0x49: {  	_ =	shalt  }
0x4a: {  	_ =	shalt  }
0x4b: {  	_ =	shalt  }
0x4c: {  	_ =	shalt  }
0x4d: {  	_ =	shalt  }
0x4e: {  	_ =	shalt  }
0x4f: {  	_ =	shalt  }
0x50: {  	_ =	shalt  }
0x51: {  	_ =	shalt  }
0x52: {  	_ =	shalt  }
0x53: {  	_ =	shalt  }
0x54: {  	_ =	shalt  }
0x55: {  	_ =	shalt  }
0x56: {  	_ =	shalt  }
0x57: {  	_ =	shalt  }
0x58: {  	_ =	shalt  }
0x59: {  	_ =	shalt  }
0x5a: {  	_ =	shalt  }
0x5b: {  	_ =	shalt  }
0x5c: {  	_ =	shalt  }
0x5d: {  	_ =	shalt  }
0x5e: {  	_ =	shalt  }
0x5f: {  	_ =	shalt  }
0x60: {  	_ =	shalt  }
0x61: {  	_ =	shalt  }
0x62: {  	_ =	shalt  }
0x63: {  	_ =	shalt  }
0x64: {  	_ =	shalt  }
0x65: {  	_ =	shalt  }
0x66: {  	_ =	shalt  }
0x67: {  	_ =	shalt  }
0x68: {  	_ =	shalt  }
0x69: {  	_ =	shalt  }
0x6a: {  	_ =	shalt  }
0x6b: {  	_ =	shalt  }
0x6c: {  	_ =	shalt  }
0x6d: {  	_ =	shalt  }
0x6e: {  	_ =	shalt  }
0x6f: {  	_ =	shalt  }
0x70: {  	_ =	shalt  }
0x71: {  	_ =	shalt  }
0x72: {  	_ =	shalt  }
0x73: {  	_ =	shalt  }
0x74: {  	_ =	shalt  }
0x75: {  	_ =	shalt  }
0x76: {  	_ =	shalt  }
0x77: {  	_ =	shalt  }
0x78: {  	_ =	shalt  }
0x79: {  	_ =	shalt  }
0x7a: {  	_ =	shalt  }
0x7b: {  	_ =	shalt  }
0x7c: {  	_ =	shalt  }
0x7d: {  	_ =	shalt  }
0x7e: {  	_ =	shalt  }
0x7f: {  	_ =	shalt  }
0x80: {  	_ =	shalt  }
0x81: {  	_ =	shalt  }
0x82: {  	_ =	shalt  }
0x83: {  	_ =	shalt  }
0x84: {  	_ =	shalt  }
0x85: {  	_ =	shalt  }
0x86: {  	_ =	shalt  }
0x87: {  	_ =	shalt  }
.Lfunc_end0:
.L_simem_size_0:
called_computation_lowered:
.L_overlay_start_0:
0x88: {  	s2 =	sld [smem:$0x3FD9]  }
0x89: {  	s3 =	sld [smem:$0x3FFE];
	_ =	sdelay $0x1  }
0x8a: {  	s1 =	srdreg.scid  }
0x8b: {  	s0 =	sand.u32 $0x1, s1  }
0x8c: {  	s17 =	sshll.u32 s0, $0xA;
	s2 =	sadd.s32 s3, s2  }
0x8d: {  	s2 =	sadd.s32 s2, s17  }
0x8e: {  	[smem:$0x3FC6] =	sst s2  }
0x8f: {  	_ = 	snop  }
0x90: {  	s2 =	sld [smem:$0x3FC8]  }
0x91: {  	s18 =	sld [smem:$0x3FD0];
	(tm) =	ssettm $0x1  }
0x92: {  	s4 =	sld [smem:$0x3FFB];
	_ =	sdelay $0x3  }
0x93: {  	_ =	strace s4  }
0x94: {  	s4 =	sld [smem:$0x3FFC];
	_ =	sdelay $0x3  }
0x95: {  	_ =	strace s4  }
0x96: {  	s4 =	sld [smem:$0x3FFD];
	_ =	sdelay $0x3  }
0x97: {  	_ =	strace s4  }
0x98: {  	_ =	strace $0x8FFFFFFF  }
0x99: {  	s19 =	sld [smem:$0x3FDB];
	_ =	sdelay $0x1  }
0x9a: {  	s5 =	simm.s32 $_scs_section_size  }
0x9b: {  	s6 =	simm.s32 $_size__tile_overlayer_lowered;
	s7 =	simm.s32 $_tile_overlayer_lowered  }
0x9c: {  	s22 =	simm.s32 $0x1BFF;
	s21 =	sshll.u32 s7, $0x1;
	s4 =	sadd.s32 s5, s19  }
0x9d: {  	s8 =	simm.s32 $0x0;
	s20 =	sshll.u32 s6, $0x1;
	s6 =	sadd.s32 s21, s4  }
0x9e: {  	[timem:s8], [sflag:s22] =	dma.local [hbm:s6], s20  }
0x9f: {  	_ =	swait.ge [sflag:s22], s20  }
0xa0: {  	s5 =	ssub.s32 $0x0, s20;
	[sflag:s22] =	ssyncset.done $0x0  }
0xa1: {  	[sflag:s22] =	ssyncadd.s32 s5;
	_ =	sdelay $0x1  }
0xa2: {  	s23 =	simm.s32 $0x1B8B  }
0xa3: {  	_ =	swait.ge [sflag:s23], $0x1  }
0xa4: {  	[sflag:s23] =	ssyncset.done $0x0  }
0xa5: {  	s25 =	simm.s32 $0x1B8E;
	s24 =	sld [smem:$0x3FFE];
	[sflag:s23] =	ssyncadd.s32 $0xFFFFFFFF  }
0xa6: {  	s26 =	simm.s32 $execute0_lowered;
	[smem:$0x3FD2] =	sst s25  }
0xa7: {  	s6 =	sshll.u32 s26, $0x1;
	_ =	strace $0x80000046;
	[dreg:$0x1] =	wrdreg $0xFFFFFFFF  }
0xa8: {  	s28 =	simm.s32 $_size_execute0_lowered;
	s4 =	sadd.s32 s4, s6;
	[dreg:$0x0] =	wrdreg $0x0  }
0xa9: {  	s6 =	sshll.u32 s28, $0x1;
	[dreg:$0x2] =	wrdreg s4  }
0xaa: {  	[dreg:$0x3] =	wrdreg s6  }
0xab: {  	[dreg:$0x4] =	wrdreg $0xC0  }
0xac: {  	_ =	task [dreg:s8], $0x5FFFF  }
0xad: {  	[dreg:$0x1] =	wrdreg $0xFFFFFFFF  }
0xae: {  	[dreg:$0x0] =	wrdreg $0x60  }
0xaf: {  	[dreg:$0x2] =	wrdreg s24  }
0xb0: {  	[dreg:$0x3] =	wrdreg s2  }
0xb1: {  	[dreg:$0x4] =	wrdreg s18  }
0xb2: {  	[dreg:$0x5] =	wrdreg $0x9  }
0xb3: {  	_ =	task.clear_ibuf [dreg:s8], $0x6FFFF;
	_ =	strace $0x90000046  }
0xb4: {  	s29 =	simm.s32 $0x9;
	_ =	strace $0x80000048  }
0xb5: {  	_ =	swait.ge [sflag:s29], $0x1  }
0xb6: {  	[sflag:s29] =	ssyncadd.s32 $0xFFFFFFFF  }
0xb7: {  	_ =	strace $0x90000048  }
0xb8: {  	_ =	sfence  }
0xb9: {  	s30 =	sld [smem:$0x0];
	_ =	sdelay $0x2  }
0xba: {  	s31 =	sshll.u32 s1, $0xD;
	s1 =	sshrl.u32 s1, $0x2  }
0xbb: {  	s3 =	sand.u32 $0x4000, s31;
	s1 =	sadd.s32 s1, s30  }
0xbc: {  	s0 =	sor.u32 s3, s0;
	s1 =	sshll.u32 s1, $0x11  }
0xbd: {  	s0 =	sor.u32 s1, s0  }
0xbe: {  	s0 =	sadd.s32 $0x8F2B, s0  }
0xbf: {  	[sflag:s0] =	ssyncadd.remote.s32 $0x1  }
0xc0: {  	_ =	sfence.sel $0xFFFF  }
0xc1: {  	[dreg:$0x0] =	wrdreg $0xFFFFFFFF;
	(pc) =	sbr.abs _section_cstart, $3  }
0xc2: {  	[dreg:$0x1] =	wrdreg $0xFFFFFFFF  }
0xc3: {  	_ =	task.clear_ibuf [dreg:s8], $0x2FFFF;
	_ =	strace $0x9FFFFFFF  }
0xc4: {  	(tm) =	ssettm $0x7FFFFFFF  }
0xc5: {  	_ =	shalt  }
tec
execute0_lowered:
.L_overlay_start_1:
0x0: {  	(tag) =	ssettag $0x1  }
0x1: {  	s0 =	rddreg [dreg:$0x0];
	s1 =	srdreg.scid  }
0x2: {  	s3 =	stileid.u32;
	s2 =	rddreg [dreg:$0x2]  }
0x3: {  	s4 =	simm.s32 $0x0;
	s1 =	sand.u32 $0x1, s1;
	s3 =	sshll.u32 s3, $0x1  }
0x4: {  	v0 =	vimm.s32 $0x1;
	[smem:$0x7FF] =	sst s4;
	s3 =	sor.u32 s1, s3;
	s1 =	ssub.s32 $0x2, s1  }
0x5: {  	v1 =	vimm.s32 $0x0;
	v2 =	vimm.s32 $0x2;
	v3 =	vimm.s32 $0x3;
	s29 =	smul.u32 $0x320, s3;
	s5 =	sshrl.u32 s1, $0x1;
	s3 =	sshll.u32 s3, $0xB  }
0x6: {  	v4 =	vimm.s32 $0x4;
	v5 =	vimm.s32 $0x5;
	v6 =	vimm.s32 $0x6;
	_ =	strace $0x80000047;
	s1 =	ssub.s32 s1, s5;
	s30 =	sadd.s32 s2, s3  }
0x7: {  	v7 =	vimm.s32 $0x7;
	v8 =	vimm.s32 $0x8;
	v9 =	vimm.s32 $0x9;
	s0 =	sadd.s32 s29, s0;
	[dreg:$0x6] =	wrdreg s30;
	s31 =	smax.u32 s1, $0x1  }
0x8: {  	v10 =	vimm.s32 $0xA;
	v11 =	vimm.s32 $0xB;
	v12 =	vimm.s32 $0xC;
	s0 =	sadd.s32 $0x400, s0;
	[dreg:$0x7] =	wrdreg s31  }
0x9: {  	v13 =	vimm.s32 $0xD;
	v14 =	vimm.s32 $0xE;
	v15 =	vimm.s32 $0xF;
	s2 =	simm.s32 $0x0;
	[dreg:$0x5] =	wrdreg s0  }
.LBB2_1:
0xa: {  	[dreg:$0x8] =	wrdreg s2  }
0xb: {  	s0 =	rddreg [dreg:$0x1];
	s1 =	simm.s32 $0x0;
	s30 =	simm.s32 $0x3  }
0xc: {  	[tilespmem:s1], [sflag:$0x3] =	stream.linear.gather [hbm4b:s0+s1], $0x100, $0x38;
	[tilespmem:$0x1AA00] =	vst v63  }
0xd: {  	_ =	swait.ge [sflag:s30], $0x100  }
0xe: {  	[sflag:s30] =	ssyncset.done $0x0  }
0xf: {  	s13 =	simm.s32 $0x100;
	s31 =	rddreg [dreg:$0x5];
	[sflag:s30] =	ssyncadd.s32 $0xFFFFFF00  }
0x10: {  	[tilespmem:s13], [sflag:$0x3] =	stream.linear.gather [hbm4b:s31+s1], $0x1900, $0x38;
	[tilespmem:$0x1AA00] =	vst v63  }
0x11: {  	_ =	swait.ge [sflag:s30], $0x1900  }
0x12: {  	[sflag:s30] =	ssyncset.done $0x0  }
0x13: {  	[sflag:s30] =	ssyncadd.s32 $0xFFFFE700  }
0x14: {  	v16 =	vld [tilespmem:$0x80]  }
0x15: {  	v17 =	vld [tilespmem:$0x90]  }
0x16: {  	v18 =	vld [tilespmem:$0xA0]  }
0x17: {  	v19 =	vld [tilespmem:$0xB0]  }
0x18: {  	v20 =	vld [tilespmem:$0xC0]  }
0x19: {  	v21 =	vld [tilespmem:$0xD0]  }
0x1a: {  	v22 =	vld [tilespmem:$0xE0]  }
0x1b: {  	v23 =	vld [tilespmem:$0xF0]  }
0x1c: {  	v24 =	vld [tilespmem:$0x0]  }
0x1d: {  	v25 =	vld [tilespmem:$0x10]  }
0x1e: {  	v26 =	vld [tilespmem:$0x20]  }
0x1f: {  	v27 =	vld [tilespmem:$0x30]  }
0x20: {  	v28 =	vld [tilespmem:$0x40]  }
0x21: {  	v29 =	vld [tilespmem:$0x50]  }
0x22: {  	v30 =	vld [tilespmem:$0x60]  }
0x23: {  	v31 =	vld [tilespmem:$0x70];
	_ =	sdelay $0x1  }
0x24: {  	v24 =	vsub.f32 v24, v16;
	v25 =	vsub.f32 v25, v17  }
0x25: {  	v26 =	vsub.f32 v26, v18;
	v27 =	vsub.f32 v27, v19  }
0x26: {  	v28 =	vsub.f32 v28, v20;
	v29 =	vsub.f32 v29, v21  }
0x27: {  	p0 =	por $0x0, $0x0;
	s4 =	simm.s32 $0x0;
	v30 =	vsub.f32 v30, v22;
	v31 =	vsub.f32 v31, v23  }
.LBB2_2:
0x28: {  	s0 =	simm.s32 $0x1  }
0x29: {  	s1 =	sand.u32 $0x1, s4;
	[dreg:$0xa] =	wrdreg s4;
	p1 =	slt.u32 s4, $0x2  }
0x2a: {  	s3 =	simm.s32 $0x0;
	s10 =	simm.s32 $0x2;
	s21 =	simm.s32 $0xF  }
0x2b: {  	s22 =	simm.s32 $0xE;
	s23 =	simm.s32 $0xD;
	s24 =	simm.s32 $0xC  }
0x2c: {  	s28 =	simm.s32 $0x9;
	s29 =	simm.s32 $0x8;
	s0 =	simm.s32 @!p0 $0x0  }
0x2d: {  	s30 =	simm.s32 $0x7;
	s2 =	smul.u32 $0x32000, s0;
	s0 =	sadd.s32 @!p1 $0x1, s1  }
0x2e: {  	s31 =	simm.s32 $0x6;
	_ =	swait.ge @!p1 [sflag:s0], $0xC800;
	[dreg:$0xb] =	wrdreg s1  }
0x2f: {  	s4 =	simm.s32 $0x0;
	s1 =	smul.u32 $0x32000, s1;
	[dreg:$0x9] =	wrdreg s13  }
0x30: {  	[sflag:s0] =	ssyncset.done @!p1 $0x0;
	[dreg:$0xc] =	wrdreg s2;
	s2 =	sshrl.u32 s2, $0x2  }
0x31: {  	[sflag:s0] =	ssyncadd.s32 @!p1 $0xFFFF3800;
	s25 =	sshrl.u32 s1, $0x2;
	[dreg:$0xe] =	wrdreg s2  }
0x32: {  	s26 =	sadd.s32 $0x1A00, s2;
	s1 =	simm.s32 $0x5;
	s2 =	simm.s32 $0x3  }
0x33: {  	s0 =	sadd.s32 $0x1A00, s25;
	[dreg:$0x4] =	wrdreg s26;
	s25 =	simm.s32 $0xB  }
0x34: {  	s26 =	simm.s32 $0xA;
	[dreg:$0xd] =	wrdreg s0;
	s0 =	simm.s32 $0x4  }
.LBB2_3:
0x35: {  	v32 =	vld [tilespmem:s13+$0x0];
	_ =	sdelay $0x3  }
0x36: {  	[dreg:$0xf] =	wrdreg s3  }
0x37: {  	s3 =	rddreg [dreg:$0xf];
	v32 =	vsub.s32 $0x1, v32  }
0x38: {  	s3 =	smulhi.u32 $0x51EB851F, s3;
	v32 =	vcvt.s32.f32 v32;
	_ =	sdelay $0x1  }
0x39: {  	s3 =	sshrl.u32 s3, $0x4;
	v33 =	vperm.xlane v32, v1  }
0x3a: {  	s3 =	smul.u32 $0xFFFCE200, s3  }
0x3b: {  	v34 =	vmul.f32 v33, v24  }
0x3c: {  	s5 =	rddreg [dreg:$0xe];
	s3 =	sshra.s32 s3, $0x2;
	v35 =	vmul.f32 v33, v25  }
0x3d: {  	s9 =	sshra.s32 s4, $0x2;
	s6 =	smulhi.u32 $0x51EB851F, s21;
	s3 =	sadd.s32 s5, s3;
	v36 =	vmul.f32 v33, v26;
	v34 =	vadd.f32 v34, v16  }
0x3e: {  	s16 =	smulhi.u32 $0x51EB851F, s10;
	s18 =	sadd.s32 s9, s3;
	v37 =	vmul.f32 v33, v27;
	v35 =	vadd.f32 v35, v17  }
0x3f: {  	[dreg:$0x10] =	wrdreg s10;
	s14 =	smulhi.u32 $0x51EB851F, s25;
	s20 =	sshrl.u32 s6, $0x4;
	v46 =	vmul.f32 v33, v28;
	v45 =	vadd.f32 v36, v18;
	[tilespmem:s18+$0x1A00] =	vst v34  }
0x40: {  	s13 =	sadd.s32 $0x10, s13;
	s21 =	sadd.s32 $0x10, s21;
	s7 =	smul.u32 $0x31E00, s20;
	v48 =	vmul.f32 v33, v29;
	v47 =	vadd.f32 v37, v19;
	[tilespmem:s18+$0x1A10] =	vst v35  }
0x41: {  	s25 =	sadd.s32 $0x10, s25;
	p1 =	sne.s32 s4, $0x180000;
	[dreg:$0x17] =	wrdreg s14;
	v38 =	vperm.xlane v32, v0;
	v50 =	vmul.f32 v33, v30;
	v49 =	vadd.f32 v46, v20;
	[tilespmem:s18+$0x1A20] =	vst v45  }
0x42: {  	[dreg:$0x16] =	wrdreg s20;
	s20 =	smulhi.u32 $0x51EB851F, s26;
	s14 =	ssub.s32 $0xF0C0, s7;
	v33 =	vmul.f32 v33, v31;
	v51 =	vadd.f32 v48, v21;
	[tilespmem:s18+$0x1A30] =	vst v47  }
0x43: {  	s26 =	sadd.s32 $0x10, s26;
	[dreg:$0x15] =	wrdreg s14;
	s14 =	smulhi.u32 $0x51EB851F, s30;
	v53 =	vmul.f32 v38, v24;
	v52 =	vadd.f32 v50, v22;
	[tilespmem:s18+$0x1A40] =	vst v49  }
0x44: {  	s30 =	sadd.s32 $0x10, s30;
	s5 =	ssub.s32 $0xF180, s7;
	s3 =	sshrl.u32 s16, $0x4;
	v54 =	vmul.f32 v38, v25;
	v33 =	vadd.f32 v33, v23;
	[tilespmem:s18+$0x1A50] =	vst v51  }
0x45: {  	s14 =	sshrl.u32 s14, $0x4;
	[dreg:$0x12] =	wrdreg s5;
	s17 =	smul.u32 $0xFFFCE200, s3;
	v56 =	vmul.f32 v38, v26;
	v55 =	vadd.f32 v53, v16;
	[tilespmem:s18+$0x1A60] =	vst v52  }
0x46: {  	s16 =	ssub.s32 $0xF140, s7;
	s19 =	smul.u32 $0x31E00, s3;
	v58 =	vmul.f32 v38, v27;
	s3 =	ssub.s32 $0xF1C0, s7;
	v57 =	vadd.f32 v54, v17;
	[tilespmem:s18+$0x1A70] =	vst v33  }
0x47: {  	v60 =	vmul.f32 v38, v28;
	[dreg:$0x13] =	wrdreg s16;
	s16 =	smulhi.u32 $0x51EB851F, s31;
	s31 =	sadd.s32 $0x10, s31;
	v59 =	vadd.f32 v56, v18;
	[tilespmem:s18+$0x1E00] =	vst v55  }
0x48: {  	v62 =	vmul.f32 v38, v29;
	[dreg:$0x11] =	wrdreg s3;
	s3 =	sshrl.u32 s20, $0x4;
	s20 =	smulhi.u32 $0x51EB851F, s2;
	v61 =	vadd.f32 v58, v19;
	[tilespmem:s18+$0x1E10] =	vst v57  }
0x49: {  	v41 =	vperm.xlane v32, v2;
	v40 =	vmul.f32 v38, v30;
	s8 =	sshra.s32 s17, $0x2;
	s11 =	ssub.s32 $0x2040, s19;
	v63 =	vadd.f32 v60, v20;
	s17 =	ssub.s32 $0xF100, s7;
	[tilespmem:s18+$0x1E20] =	vst v59  }
0x4a: {  	v43 =	vmul.f32 v38, v31;
	s12 =	ssub.s32 $0x2080, s19;
	s10 =	ssub.s32 $0x20C0, s19;
	v42 =	vadd.f32 v62, v21;
	[dreg:$0x14] =	wrdreg s17;
	[tilespmem:s18+$0x1E30] =	vst v61  }
0x4b: {  	s15 =	ssub.s32 $0x2100, s19;
	s6 =	ssub.s32 $0x2140, s19;
	v44 =	vadd.f32 v40, v22;
	s17 =	rddreg [dreg:$0xc];
	[tilespmem:s18+$0x1E40] =	vst v63;
	v45 =	vmul.f32 v41, v24  }
0x4c: {  	v46 =	vadd.f32 v43, v23;
	s16 =	sshrl.u32 s16, $0x4;
	s11 =	sshra.s32 s11, $0x2;
	s5 =	sadd.s32 s4, s17;
	[tilespmem:s18+$0x1E50] =	vst v42;
	v47 =	vmul.f32 v41, v25  }
0x4d: {  	s12 =	sshra.s32 s12, $0x2;
	s17 =	rddreg [dreg:$0x4];
	[tilespmem:s18+$0x1E60] =	vst v44;
	v49 =	vmul.f32 v41, v26;
	s5 =	sshra.s32 s5, $0x2;
	v48 =	vadd.f32 v45, v16  }
0x4e: {  	s10 =	sshra.s32 s10, $0x2;
	[tilespmem:s18+$0x1E70] =	vst v46;
	v51 =	vmul.f32 v41, v27;
	s9 =	sadd.s32 s9, s17;
	s8 =	sadd.s32 s5, s8;
	v50 =	vadd.f32 v47, v17  }
0x4f: {  	v53 =	vmul.f32 v41, v28;
	s15 =	sshra.s32 s15, $0x2;
	s6 =	sshra.s32 s6, $0x2;
	s11 =	sadd.s32 s11, s9;
	v52 =	vadd.f32 v49, v18;
	[tilespmem:s8+$0x2200] =	vst v48  }
0x50: {  	s18 =	sshrl.u32 s20, $0x4;
	v55 =	vmul.f32 v41, v29;
	s17 =	smulhi.u32 $0x51EB851F, s0;
	s12 =	sadd.s32 s12, s9;
	v54 =	vadd.f32 v51, v19;
	[tilespmem:s11+$0x0] =	vst v50  }
0x51: {  	v58 =	vperm.xlane v32, v3;
	v56 =	vadd.f32 v53, v20;
	v57 =	vmul.f32 v41, v30;
	s20 =	ssub.s32 $0x2180, s19;
	s10 =	sadd.s32 s10, s9;
	s11 =	smul.u32 $0x31E00, s18;
	[tilespmem:s12+$0x0] =	vst v52  }
0x52: {  	v60 =	vmul.f32 v41, v31;
	s20 =	sshra.s32 s20, $0x2;
	s19 =	sadd.s32 s15, s9;
	v59 =	vadd.f32 v55, v21;
	s12 =	smul.u32 $0xFFFCE200, s18;
	[tilespmem:s10+$0x0] =	vst v54  }
0x53: {  	v62 =	vmul.f32 v58, v24;
	s6 =	sadd.s32 s6, s9;
	v61 =	vadd.f32 v57, v22;
	s15 =	smulhi.u32 $0x51EB851F, s1;
	s17 =	sshrl.u32 s17, $0x4;
	[tilespmem:s19+$0x0] =	vst v56  }
0x54: {  	v63 =	vadd.f32 v60, v23;
	v40 =	vmul.f32 v58, v25;
	s10 =	sadd.s32 s20, s9;
	s20 =	ssub.s32 $0x3040, s11;
	s19 =	sshra.s32 s12, $0x2;
	[tilespmem:s6+$0x0] =	vst v59  }
0x55: {  	v42 =	vmul.f32 v58, v26;
	v41 =	vadd.f32 v62, v16;
	s6 =	sadd.s32 s5, s19;
	s19 =	sshra.s32 s20, $0x2;
	s20 =	ssub.s32 $0x30C0, s11;
	[tilespmem:s10+$0x0] =	vst v61  }
0x56: {  	v44 =	vmul.f32 v58, v27;
	v43 =	vadd.f32 v40, v17;
	s18 =	smul.u32 $0x31E00, s17;
	s10 =	ssub.s32 $0x3080, s11;
	s12 =	sshra.s32 s20, $0x2;
	[tilespmem:s8+$0x2270] =	vst v63  }
0x57: {  	v46 =	vmul.f32 v58, v28;
	v45 =	vadd.f32 v42, v18;
	s20 =	ssub.s32 $0x3140, s11;
	s8 =	sadd.s32 s19, s9;
	s10 =	sshra.s32 s10, $0x2;
	[tilespmem:s6+$0x2600] =	vst v41  }
0x58: {  	v47 =	vadd.f32 v44, v19;
	v48 =	vmul.f32 v58, v29;
	s19 =	ssub.s32 $0x3100, s11;
	s11 =	ssub.s32 $0x3180, s11;
	s10 =	sadd.s32 s10, s9;
	[tilespmem:s8+$0x0] =	vst v43  }
0x59: {  	v49 =	vadd.f32 v46, v20;
	v51 =	vperm.xlane v32, v4;
	v50 =	vmul.f32 v58, v30;
	s12 =	sadd.s32 s12, s9;
	s8 =	sshra.s32 s19, $0x2;
	s19 =	sshra.s32 s11, $0x2;
	[tilespmem:s10+$0x0] =	vst v45  }
0x5a: {  	v53 =	vmul.f32 v58, v31;
	v52 =	vadd.f32 v48, v21;
	s8 =	sadd.s32 s8, s9;
	s10 =	sshra.s32 s20, $0x2;
	s20 =	ssub.s32 $0x4000, s18;
	[tilespmem:s12+$0x0] =	vst v47  }
0x5b: {  	v55 =	vmul.f32 v51, v24;
	v54 =	vadd.f32 v50, v22;
	s12 =	sshrl.u32 s15, $0x4;
	s15 =	sadd.s32 s10, s9;
	s10 =	sadd.s32 s19, s9;
	[tilespmem:s8+$0x0] =	vst v49  }
0x5c: {  	v57 =	vmul.f32 v51, v25;
	v56 =	vadd.f32 v53, v23;
	s19 =	ssub.s32 $0x4080, s18;
	s11 =	smul.u32 $0xFFFCE200, s12;
	s8 =	sshra.s32 s20, $0x2;
	[tilespmem:s15+$0x0] =	vst v52  }
0x5d: {  	v58 =	vadd.f32 v55, v16;
	v59 =	vmul.f32 v51, v26;
	s20 =	ssub.s32 $0x40C0, s18;
	s15 =	smul.u32 $0xFFFCE200, s17;
	s17 =	ssub.s32 $0x4040, s18;
	[tilespmem:s10+$0x0] =	vst v54  }
0x5e: {  	v60 =	vadd.f32 v57, v17;
	v61 =	vmul.f32 v51, v27;
	s12 =	smul.u32 $0x31E00, s12;
	s8 =	sadd.s32 s8, s9;
	s10 =	sshra.s32 s17, $0x2;
	[tilespmem:s6+$0x2670] =	vst v56  }
0x5f: {  	v62 =	vadd.f32 v59, v18;
	v63 =	vmul.f32 v51, v28;
	s17 =	ssub.s32 $0x4100, s18;
	s10 =	sadd.s32 s10, s9;
	s6 =	sshra.s32 s19, $0x2;
	[tilespmem:s8+$0x0] =	vst v58  }
0x60: {  	v40 =	vadd.f32 v61, v19;
	v41 =	vmul.f32 v51, v29;
	s11 =	sshra.s32 s11, $0x2;
	s6 =	sadd.s32 s6, s9;
	s8 =	sshra.s32 s20, $0x2;
	[tilespmem:s10+$0x0] =	vst v60  }
0x61: {  	v44 =	vperm.xlane v32, v5;
	v42 =	vadd.f32 v63, v20;
	v43 =	vmul.f32 v51, v30;
	s19 =	ssub.s32 $0x4140, s18;
	s8 =	sadd.s32 s8, s9;
	s10 =	sshra.s32 s17, $0x2;
	[tilespmem:s6+$0x0] =	vst v62  }
0x62: {  	v46 =	vmul.f32 v51, v31;
	v45 =	vadd.f32 v41, v21;
	s20 =	ssub.s32 $0x4180, s18;
	s10 =	sadd.s32 s10, s9;
	s6 =	sshra.s32 s19, $0x2;
	[tilespmem:s8+$0x0] =	vst v40  }
0x63: {  	v48 =	vmul.f32 v44, v24;
	v47 =	vadd.f32 v43, v22;
	s15 =	sshra.s32 s15, $0x2;
	s6 =	sadd.s32 s6, s9;
	s8 =	sshra.s32 s20, $0x2;
	[tilespmem:s10+$0x0] =	vst v42  }
0x64: {  	v50 =	vmul.f32 v44, v25;
	v49 =	vadd.f32 v46, v23;
	s15 =	sadd.s32 s5, s15;
	s18 =	ssub.s32 $0x5080, s12;
	s8 =	sadd.s32 s8, s9;
	[tilespmem:s6+$0x0] =	vst v45  }
0x65: {  	v51 =	vadd.f32 v48, v16;
	v52 =	vmul.f32 v44, v26;
	s17 =	ssub.s32 $0x5040, s12;
	s19 =	ssub.s32 $0x50C0, s12;
	s20 =	ssub.s32 $0x5100, s12;
	[tilespmem:s8+$0x0] =	vst v47  }
0x66: {  	v53 =	vadd.f32 v50, v17;
	v54 =	vmul.f32 v44, v27;
	s10 =	smul.u32 $0xFFFCE200, s16;
	s6 =	sadd.s32 s5, s11;
	s11 =	sshra.s32 s17, $0x2;
	[tilespmem:s15+$0x2A70] =	vst v49  }
0x67: {  	v55 =	vadd.f32 v52, v18;
	v56 =	vmul.f32 v44, v28;
	s17 =	ssub.s32 $0x5140, s12;
	s11 =	sadd.s32 s11, s9;
	s8 =	sshra.s32 s18, $0x2;
	[tilespmem:s6+$0x2E00] =	vst v51  }
0x68: {  	v57 =	vadd.f32 v54, v19;
	v58 =	vmul.f32 v44, v29;
	s12 =	ssub.s32 $0x5180, s12;
	s8 =	sadd.s32 s8, s9;
	s15 =	sshra.s32 s19, $0x2;
	[tilespmem:s11+$0x0] =	vst v53  }
0x69: {  	v61 =	vperm.xlane v32, v6;
	v59 =	vadd.f32 v56, v20;
	v60 =	vmul.f32 v44, v30;
	s18 =	sshra.s32 s12, $0x2;
	s15 =	sadd.s32 s15, s9;
	s11 =	sshra.s32 s20, $0x2;
	[tilespmem:s8+$0x0] =	vst v55  }
0x6a: {  	v63 =	vmul.f32 v44, v31;
	v62 =	vadd.f32 v58, v21;
	s12 =	smulhi.u32 $0x51EB851F, s29;
	s11 =	sadd.s32 s11, s9;
	s8 =	sshra.s32 s17, $0x2;
	[tilespmem:s15+$0x0] =	vst v57  }
0x6b: {  	s2 =	sadd.s32 $0x10, s2;
	v41 =	vmul.f32 v61, v24;
	v40 =	vadd.f32 v60, v22;
	s15 =	smul.u32 $0x31E00, s16;
	s8 =	sadd.s32 s8, s9;
	[tilespmem:s11+$0x0] =	vst v59  }
0x6c: {  	v43 =	vmul.f32 v61, v25;
	v42 =	vadd.f32 v63, v23;
	s10 =	sshra.s32 s10, $0x2;
	s19 =	sadd.s32 s18, s9;
	s12 =	sshrl.u32 s12, $0x4;
	[tilespmem:s8+$0x0] =	vst v62  }
0x6d: {  	v44 =	vadd.f32 v41, v16;
	v45 =	vmul.f32 v61, v26;
	s11 =	smul.u32 $0xFFFCE200, s14;
	s16 =	ssub.s32 $0x6040, s15;
	s8 =	sadd.s32 s5, s10;
	[tilespmem:s19+$0x0] =	vst v40  }
0x6e: {  	v46 =	vadd.f32 v43, v17;
	v47 =	vmul.f32 v61, v27;
	s20 =	ssub.s32 $0x6080, s15;
	s18 =	ssub.s32 $0x60C0, s15;
	s17 =	sshra.s32 s16, $0x2;
	[tilespmem:s6+$0x2E70] =	vst v42  }
0x6f: {  	v48 =	vadd.f32 v45, v18;
	v49 =	vmul.f32 v61, v28;
	s10 =	sshra.s32 s20, $0x2;
	s19 =	ssub.s32 $0x6100, s15;
	s6 =	sadd.s32 s17, s9;
	[tilespmem:s8+$0x3200] =	vst v44  }
0x70: {  	v50 =	vadd.f32 v47, v19;
	v51 =	vmul.f32 v61, v29;
	s16 =	sshra.s32 s18, $0x2;
	s20 =	ssub.s32 $0x6140, s15;
	s10 =	sadd.s32 s10, s9;
	[tilespmem:s6+$0x0] =	vst v46  }
0x71: {  	v54 =	vperm.xlane v32, v7;
	v52 =	vadd.f32 v49, v20;
	v53 =	vmul.f32 v61, v30;
	s15 =	ssub.s32 $0x6180, s15;
	s16 =	sadd.s32 s16, s9;
	s6 =	sshra.s32 s19, $0x2;
	[tilespmem:s10+$0x0] =	vst v48  }
0x72: {  	v56 =	vmul.f32 v61, v31;
	v55 =	vadd.f32 v51, v21;
	s6 =	sadd.s32 s6, s9;
	s10 =	sshra.s32 s20, $0x2;
	[tilespmem:s16+$0x0] =	vst v50;
	s16 =	smul.u32 $0x31E00, s14  }
0x73: {  	v58 =	vmul.f32 v54, v24;
	v57 =	vadd.f32 v53, v22;
	s10 =	sadd.s32 s10, s9;
	s14 =	sshra.s32 s15, $0x2;
	s15 =	smulhi.u32 $0x51EB851F, s28;
	[tilespmem:s6+$0x0] =	vst v52  }
0x74: {  	v60 =	vmul.f32 v54, v25;
	v59 =	vadd.f32 v56, v23;
	s18 =	sshra.s32 s11, $0x2;
	s17 =	sadd.s32 s14, s9;
	s14 =	smul.u32 $0x31E00, s12;
	[tilespmem:s10+$0x0] =	vst v55  }
0x75: {  	v61 =	vadd.f32 v58, v16;
	v62 =	vmul.f32 v54, v26;
	s6 =	sadd.s32 s5, s18;
	s12 =	smul.u32 $0xFFFCE200, s12;
	s19 =	ssub.s32 $0x7040, s16;
	[tilespmem:s17+$0x0] =	vst v57  }
0x76: {  	v63 =	vadd.f32 v60, v17;
	v40 =	vmul.f32 v54, v27;
	s20 =	ssub.s32 $0x7080, s16;
	s18 =	ssub.s32 $0x70C0, s16;
	s17 =	sshra.s32 s19, $0x2;
	[tilespmem:s8+$0x3270] =	vst v59  }
0x77: {  	v41 =	vadd.f32 v62, v18;
	v42 =	vmul.f32 v54, v28;
	s15 =	sshrl.u32 s15, $0x4;
	s10 =	sshra.s32 s20, $0x2;
	s8 =	sadd.s32 s17, s9;
	[tilespmem:s6+$0x3600] =	vst v61  }
0x78: {  	v43 =	vadd.f32 v40, v19;
	v44 =	vmul.f32 v54, v29;
	s19 =	ssub.s32 $0x7100, s16;
	s11 =	sshra.s32 s18, $0x2;
	s10 =	sadd.s32 s10, s9;
	[tilespmem:s8+$0x0] =	vst v63  }
0x79: {  	v47 =	vperm.xlane v32, v8;
	v45 =	vadd.f32 v42, v20;
	v46 =	vmul.f32 v54, v30;
	s20 =	ssub.s32 $0x7140, s16;
	s11 =	sadd.s32 s11, s9;
	s8 =	sshra.s32 s19, $0x2;
	[tilespmem:s10+$0x0] =	vst v41  }
0x7a: {  	v49 =	vmul.f32 v54, v31;
	v48 =	vadd.f32 v44, v21;
	s16 =	ssub.s32 $0x7180, s16;
	s8 =	sadd.s32 s8, s9;
	s10 =	sshra.s32 s20, $0x2;
	[tilespmem:s11+$0x0] =	vst v43  }
0x7b: {  	v51 =	vmul.f32 v47, v24;
	v50 =	vadd.f32 v46, v22;
	s12 =	sshra.s32 s12, $0x2;
	s18 =	sshra.s32 s16, $0x2;
	s17 =	sadd.s32 s10, s9;
	[tilespmem:s8+$0x0] =	vst v45  }
0x7c: {  	v53 =	vmul.f32 v47, v25;
	v52 =	vadd.f32 v49, v23;
	s16 =	ssub.s32 $0x8080, s14;
	s19 =	ssub.s32 $0x8000, s14;
	s10 =	sadd.s32 s18, s9;
	[tilespmem:s17+$0x0] =	vst v48  }
0x7d: {  	v54 =	vadd.f32 v51, v16;
	v55 =	vmul.f32 v47, v26;
	s20 =	ssub.s32 $0x8040, s14;
	s11 =	smul.u32 $0xFFFCE200, s15;
	s8 =	sshra.s32 s19, $0x2;
	[tilespmem:s10+$0x0] =	vst v50  }
0x7e: {  	v56 =	vadd.f32 v53, v17;
	v57 =	vmul.f32 v47, v27;
	s18 =	ssub.s32 $0x8100, s14;
	s8 =	sadd.s32 s8, s9;
	s10 =	sshra.s32 s20, $0x2;
	[tilespmem:s6+$0x3670] =	vst v52  }
0x7f: {  	v58 =	vadd.f32 v55, v18;
	v59 =	vmul.f32 v47, v28;
	s17 =	ssub.s32 $0x80C0, s14;
	s10 =	sadd.s32 s10, s9;
	s6 =	sshra.s32 s16, $0x2;
	[tilespmem:s8+$0x0] =	vst v54  }
0x80: {  	v60 =	vadd.f32 v57, v19;
	v61 =	vmul.f32 v47, v29;
	s19 =	ssub.s32 $0x8140, s14;
	s6 =	sadd.s32 s6, s9;
	s8 =	sshra.s32 s17, $0x2;
	[tilespmem:s10+$0x0] =	vst v56  }
0x81: {  	v40 =	vperm.xlane v32, v9;
	v62 =	vadd.f32 v59, v20;
	v63 =	vmul.f32 v47, v30;
	s20 =	ssub.s32 $0x8180, s14;
	s8 =	sadd.s32 s8, s9;
	s10 =	sshra.s32 s18, $0x2;
	[tilespmem:s6+$0x0] =	vst v58  }
0x82: {  	v42 =	vmul.f32 v47, v31;
	v41 =	vadd.f32 v61, v21;
	s14 =	smul.u32 $0x31E00, s15;
	s10 =	sadd.s32 s10, s9;
	s6 =	sshra.s32 s19, $0x2;
	[tilespmem:s8+$0x0] =	vst v60  }
0x83: {  	v44 =	vmul.f32 v40, v24;
	s12 =	sadd.s32 s5, s12;
	v43 =	vadd.f32 v63, v22;
	s6 =	sadd.s32 s6, s9;
	s8 =	sshra.s32 s20, $0x2;
	[tilespmem:s10+$0x0] =	vst v62  }
0x84: {  	v46 =	vmul.f32 v40, v25;
	v45 =	vadd.f32 v42, v23;
	s16 =	sshra.s32 s11, $0x2;
	s17 =	ssub.s32 $0x9040, s14;
	s15 =	sadd.s32 s8, s9;
	[tilespmem:s6+$0x0] =	vst v41  }
0x85: {  	v47 =	vadd.f32 v44, v16;
	v48 =	vmul.f32 v40, v26;
	s18 =	ssub.s32 $0x9080, s14;
	s11 =	sshra.s32 s17, $0x2;
	s17 =	rddreg [dreg:$0x17];
	[tilespmem:s15+$0x0] =	vst v43  }
0x86: {  	v49 =	vadd.f32 v46, v17;
	v50 =	vmul.f32 v40, v27;
	s19 =	ssub.s32 $0x90C0, s14;
	s11 =	sadd.s32 s11, s9;
	s6 =	sadd.s32 s5, s16;
	[tilespmem:s12+$0x3A70] =	vst v45  }
0x87: {  	v51 =	vadd.f32 v48, v18;
	v52 =	vmul.f32 v40, v28;
	s20 =	ssub.s32 $0x9100, s14;
	s10 =	smul.u32 $0xFFFCE200, s3;
	s8 =	sshra.s32 s18, $0x2;
	[tilespmem:s6+$0x3E00] =	vst v47  }
0x88: {  	v53 =	vadd.f32 v50, v19;
	v54 =	vmul.f32 v40, v29;
	s3 =	smul.u32 $0x31E00, s3;
	s8 =	sadd.s32 s8, s9;
	s12 =	sshra.s32 s19, $0x2;
	[tilespmem:s11+$0x0] =	vst v49  }
0x89: {  	v57 =	vperm.xlane v32, v10;
	v55 =	vadd.f32 v52, v20;
	v56 =	vmul.f32 v40, v30;
	s15 =	ssub.s32 $0x9140, s14;
	s12 =	sadd.s32 s12, s9;
	s11 =	sshra.s32 s20, $0x2;
	[tilespmem:s8+$0x0] =	vst v51  }
0x8a: {  	v59 =	vmul.f32 v40, v31;
	v58 =	vadd.f32 v54, v21;
	s14 =	ssub.s32 $0x9180, s14;
	s11 =	sadd.s32 s11, s9;
	s8 =	sshra.s32 s15, $0x2;
	[tilespmem:s12+$0x0] =	vst v53  }
0x8b: {  	v61 =	vmul.f32 v57, v24;
	v60 =	vadd.f32 v56, v22;
	s10 =	sshra.s32 s10, $0x2;
	s16 =	sshra.s32 s14, $0x2;
	s8 =	sadd.s32 s8, s9;
	[tilespmem:s11+$0x0] =	vst v55  }
0x8c: {  	v63 =	vmul.f32 v57, v25;
	v62 =	vadd.f32 v59, v23;
	s14 =	sshrl.u32 s17, $0x4;
	s19 =	ssub.s32 $0xA040, s3;
	s18 =	sadd.s32 s16, s9;
	[tilespmem:s8+$0x0] =	vst v58  }
0x8d: {  	v40 =	vadd.f32 v61, v16;
	v41 =	vmul.f32 v57, v26;
	s17 =	ssub.s32 $0xA100, s3;
	s16 =	ssub.s32 $0xA0C0, s3;
	s20 =	ssub.s32 $0xA080, s3;
	[tilespmem:s18+$0x0] =	vst v60  }
0x8e: {  	v42 =	vadd.f32 v63, v17;
	v43 =	vmul.f32 v57, v27;
	s15 =	sshra.s32 s19, $0x2;
	s12 =	smulhi.u32 $0x51EB851F, s24;
	s8 =	sadd.s32 s5, s10;
	[tilespmem:s6+$0x3E70] =	vst v62  }
0x8f: {  	v44 =	vadd.f32 v41, v18;
	v45 =	vmul.f32 v57, v28;
	s11 =	smul.u32 $0xFFFCE200, s14;
	s10 =	sshra.s32 s20, $0x2;
	s6 =	sadd.s32 s15, s9;
	[tilespmem:s8+$0x4200] =	vst v40  }
0x90: {  	v46 =	vadd.f32 v43, v19;
	v47 =	vmul.f32 v57, v29;
	s14 =	smul.u32 $0x31E00, s14;
	s10 =	sadd.s32 s10, s9;
	s15 =	sshra.s32 s16, $0x2;
	[tilespmem:s6+$0x0] =	vst v42  }
0x91: {  	v50 =	vperm.xlane v32, v11;
	v48 =	vadd.f32 v45, v20;
	v49 =	vmul.f32 v57, v30;
	s18 =	ssub.s32 $0xA140, s3;
	s15 =	sadd.s32 s15, s9;
	s6 =	sshra.s32 s17, $0x2;
	[tilespmem:s10+$0x0] =	vst v44  }
0x92: {  	v52 =	vmul.f32 v57, v31;
	v51 =	vadd.f32 v47, v21;
	s3 =	ssub.s32 $0xA180, s3;
	s6 =	sadd.s32 s6, s9;
	s10 =	sshra.s32 s18, $0x2;
	[tilespmem:s15+$0x0] =	vst v46  }
0x93: {  	v54 =	vmul.f32 v50, v24;
	v53 =	vadd.f32 v49, v22;
	s12 =	sshrl.u32 s12, $0x4;
	s3 =	sshra.s32 s3, $0x2;
	s19 =	sadd.s32 s10, s9;
	[tilespmem:s6+$0x0] =	vst v48  }
0x94: {  	v56 =	vmul.f32 v50, v25;
	v55 =	vadd.f32 v52, v23;
	s11 =	sshra.s32 s11, $0x2;
	s20 =	ssub.s32 $0xB040, s14;
	s3 =	sadd.s32 s3, s9;
	[tilespmem:s19+$0x0] =	vst v51  }
0x95: {  	v57 =	vadd.f32 v54, v16;
	v58 =	vmul.f32 v50, v26;
	s16 =	ssub.s32 $0xB080, s14;
	s17 =	sshra.s32 s20, $0x2;
	s20 =	ssub.s32 $0xB140, s14;
	[tilespmem:s3+$0x0] =	vst v53  }
0x96: {  	v59 =	vadd.f32 v56, v17;
	v60 =	vmul.f32 v50, v27;
	s18 =	ssub.s32 $0xB0C0, s14;
	s10 =	smulhi.u32 $0x51EB851F, s23;
	s3 =	sadd.s32 s5, s11;
	[tilespmem:s8+$0x4270] =	vst v55  }
0x97: {  	v61 =	vadd.f32 v58, v18;
	v62 =	vmul.f32 v50, v28;
	s15 =	sshra.s32 s18, $0x2;
	s11 =	sshra.s32 s16, $0x2;
	s8 =	sadd.s32 s17, s9;
	[tilespmem:s3+$0x4600] =	vst v57  }
0x98: {  	v63 =	vadd.f32 v60, v19;
	v40 =	vmul.f32 v50, v29;
	s6 =	smul.u32 $0xFFFCE200, s12;
	s19 =	ssub.s32 $0xB100, s14;
	s11 =	sadd.s32 s11, s9;
	[tilespmem:s8+$0x0] =	vst v59  }
0x99: {  	v43 =	vperm.xlane v32, v12;
	v41 =	vadd.f32 v62, v20;
	v42 =	vmul.f32 v50, v30;
	s15 =	sadd.s32 s15, s9;
	s12 =	smul.u32 $0x31E00, s12;
	s8 =	sshra.s32 s19, $0x2;
	[tilespmem:s11+$0x0] =	vst v61  }
0x9a: {  	v45 =	vmul.f32 v50, v31;
	v44 =	vadd.f32 v40, v21;
	s14 =	ssub.s32 $0xB180, s14;
	s8 =	sadd.s32 s8, s9;
	s11 =	sshra.s32 s20, $0x2;
	[tilespmem:s15+$0x0] =	vst v63  }
0x9b: {  	v47 =	vmul.f32 v43, v24;
	v46 =	vadd.f32 v42, v22;
	s10 =	sshrl.u32 s10, $0x4;
	s11 =	sadd.s32 s11, s9;
	s15 =	sshra.s32 s14, $0x2;
	[tilespmem:s8+$0x0] =	vst v41  }
0x9c: {  	v49 =	vmul.f32 v43, v25;
	v48 =	vadd.f32 v45, v23;
	s6 =	sshra.s32 s6, $0x2;
	s17 =	ssub.s32 $0xC040, s12;
	s16 =	sadd.s32 s15, s9;
	[tilespmem:s11+$0x0] =	vst v44  }
0x9d: {  	v50 =	vadd.f32 v47, v16;
	v51 =	vmul.f32 v43, v26;
	s18 =	ssub.s32 $0xC080, s12;
	s6 =	sadd.s32 s5, s6;
	s19 =	sshra.s32 s17, $0x2;
	[tilespmem:s16+$0x0] =	vst v46  }
0x9e: {  	v52 =	vadd.f32 v49, v17;
	v53 =	vmul.f32 v43, v27;
	s17 =	ssub.s32 $0xC140, s12;
	s20 =	ssub.s32 $0xC0C0, s12;
	s14 =	smulhi.u32 $0x51EB851F, s22;
	[tilespmem:s3+$0x4670] =	vst v48  }
0x9f: {  	v54 =	vadd.f32 v51, v18;
	v55 =	vmul.f32 v43, v28;
	s8 =	sshra.s32 s18, $0x2;
	s15 =	sshra.s32 s20, $0x2;
	s3 =	sadd.s32 s19, s9;
	[tilespmem:s6+$0x4A00] =	vst v50  }
0xa0: {  	v56 =	vadd.f32 v53, v19;
	v57 =	vmul.f32 v43, v29;
	s20 =	rddreg [dreg:$0x16];
	s8 =	sadd.s32 s8, s9;
	s16 =	ssub.s32 $0xC100, s12;
	[tilespmem:s3+$0x0] =	vst v52  }
0xa1: {  	v60 =	vperm.xlane v32, v13;
	v58 =	vadd.f32 v55, v20;
	v59 =	vmul.f32 v43, v30;
	s11 =	smul.u32 $0xFFFCE200, s10;
	s15 =	sadd.s32 s15, s9;
	s3 =	sshra.s32 s16, $0x2;
	[tilespmem:s8+$0x0] =	vst v54  }
0xa2: {  	v62 =	vmul.f32 v43, v31;
	v61 =	vadd.f32 v57, v21;
	s12 =	ssub.s32 $0xC180, s12;
	s3 =	sadd.s32 s3, s9;
	s8 =	sshra.s32 s17, $0x2;
	[tilespmem:s15+$0x0] =	vst v56  }
0xa3: {  	v40 =	vmul.f32 v60, v24;
	v63 =	vadd.f32 v59, v22;
	s10 =	smul.u32 $0x31E00, s10;
	s19 =	sshra.s32 s12, $0x2;
	s18 =	sadd.s32 s8, s9;
	[tilespmem:s3+$0x0] =	vst v58  }
0xa4: {  	v42 =	vmul.f32 v60, v25;
	v41 =	vadd.f32 v62, v23;
	s14 =	sshrl.u32 s14, $0x4;
	s12 =	smul.u32 $0xFFFCE200, s20;
	s15 =	sadd.s32 s19, s9;
	[tilespmem:s18+$0x0] =	vst v61  }
0xa5: {  	v43 =	vadd.f32 v40, v16;
	v44 =	vmul.f32 v60, v26;
	s11 =	sshra.s32 s11, $0x2;
	s20 =	ssub.s32 $0xD100, s10;
	s16 =	ssub.s32 $0xD040, s10;
	[tilespmem:s15+$0x0] =	vst v63  }
0xa6: {  	v45 =	vadd.f32 v42, v17;
	v46 =	vmul.f32 v60, v27;
	s17 =	ssub.s32 $0xD080, s10;
	s3 =	sadd.s32 s5, s11;
	s18 =	sshra.s32 s16, $0x2;
	[tilespmem:s6+$0x4A70] =	vst v41  }
0xa7: {  	v47 =	vadd.f32 v44, v18;
	v48 =	vmul.f32 v60, v28;
	s19 =	ssub.s32 $0xD0C0, s10;
	s11 =	sshra.s32 s17, $0x2;
	s6 =	sadd.s32 s18, s9;
	[tilespmem:s3+$0x4E00] =	vst v43  }
0xa8: {  	v49 =	vadd.f32 v46, v19;
	v50 =	vmul.f32 v60, v29;
	s8 =	smul.u32 $0xFFFCE200, s14;
	s11 =	sadd.s32 s11, s9;
	s15 =	sshra.s32 s19, $0x2;
	[tilespmem:s6+$0x0] =	vst v45  }
0xa9: {  	v53 =	vperm.xlane v32, v14;
	v51 =	vadd.f32 v48, v20;
	v52 =	vmul.f32 v60, v30;
	s16 =	ssub.s32 $0xD140, s10;
	s15 =	sadd.s32 s15, s9;
	s6 =	sshra.s32 s20, $0x2;
	[tilespmem:s11+$0x0] =	vst v47  }
0xaa: {  	v55 =	vmul.f32 v60, v31;
	v54 =	vadd.f32 v50, v21;
	s10 =	ssub.s32 $0xD180, s10;
	s6 =	sadd.s32 s6, s9;
	s11 =	sshra.s32 s16, $0x2;
	[tilespmem:s15+$0x0] =	vst v49  }
0xab: {  	v57 =	vmul.f32 v53, v24;
	v56 =	vadd.f32 v52, v22;
	s17 =	smul.u32 $0x31E00, s14;
	s10 =	sshra.s32 s10, $0x2;
	s11 =	sadd.s32 s11, s9;
	[tilespmem:s6+$0x0] =	vst v51  }
0xac: {  	s4 =	sadd.s32 $0x10000, s4;
	v59 =	vmul.f32 v53, v25;
	s12 =	sshra.s32 s12, $0x2;
	v58 =	vadd.f32 v55, v23;
	s10 =	sadd.s32 s10, s9;
	[tilespmem:s11+$0x0] =	vst v54  }
0xad: {  	v60 =	vadd.f32 v57, v16;
	s12 =	sadd.s32 s5, s12;
	s8 =	sshra.s32 s8, $0x2;
	v61 =	vmul.f32 v53, v26;
	s19 =	ssub.s32 $0xE040, s17;
	[tilespmem:s10+$0x0] =	vst v56  }
0xae: {  	v62 =	vadd.f32 v59, v17;
	s5 =	sadd.s32 s5, s8;
	v63 =	vmul.f32 v53, v27;
	s20 =	ssub.s32 $0xE080, s17;
	s10 =	sshra.s32 s19, $0x2;
	[tilespmem:s3+$0x4E70] =	vst v58  }
0xaf: {  	s14 =	ssub.s32 $0xE0C0, s17;
	v40 =	vadd.f32 v61, v18;
	v41 =	vmul.f32 v53, v28;
	s8 =	sshra.s32 s20, $0x2;
	s3 =	sadd.s32 s10, s9;
	[tilespmem:s5+$0x5200] =	vst v60  }
0xb0: {  	v42 =	vadd.f32 v63, v19;
	v43 =	vmul.f32 v53, v29;
	s15 =	ssub.s32 $0xE100, s17;
	s8 =	sadd.s32 s8, s9;
	s10 =	sshra.s32 s14, $0x2;
	[tilespmem:s3+$0x0] =	vst v62  }
0xb1: {  	v32 =	vperm.xlane v32, v15;
	v44 =	vadd.f32 v41, v20;
	v45 =	vmul.f32 v53, v30;
	s16 =	ssub.s32 $0xE140, s17;
	s10 =	sadd.s32 s10, s9;
	s3 =	sshra.s32 s15, $0x2;
	[tilespmem:s8+$0x0] =	vst v40  }
0xb2: {  	v46 =	vadd.f32 v43, v21;
	v47 =	vmul.f32 v53, v31;
	s6 =	ssub.s32 $0xE180, s17;
	s3 =	sadd.s32 s3, s9;
	s8 =	sshra.s32 s16, $0x2;
	[tilespmem:s10+$0x0] =	vst v42  }
0xb3: {  	s0 =	sadd.s32 $0x10, s0;
	v48 =	vadd.f32 v45, v22;
	v49 =	vmul.f32 v32, v24;
	s6 =	sshra.s32 s6, $0x2;
	s17 =	sadd.s32 s8, s9;
	[tilespmem:s3+$0x0] =	vst v44  }
0xb4: {  	s1 =	sadd.s32 $0x10, s1;
	s29 =	sadd.s32 $0x10, s29;
	v50 =	vadd.f32 v47, v23;
	v51 =	vmul.f32 v32, v25;
	s6 =	sadd.s32 s6, s9;
	[tilespmem:s17+$0x0] =	vst v46  }
0xb5: {  	s28 =	sadd.s32 $0x10, s28;
	s24 =	sadd.s32 $0x10, s24;
	s18 =	ssub.s32 $0xF040, s7;
	v53 =	vmul.f32 v32, v26;
	v52 =	vadd.f32 v49, v16;
	[tilespmem:s6+$0x0] =	vst v48  }
0xb6: {  	v55 =	vmul.f32 v32, v27;
	s18 =	sshra.s32 s18, $0x2;
	s11 =	rddreg [dreg:$0x14];
	s19 =	ssub.s32 $0xF080, s7;
	v54 =	vadd.f32 v51, v17;
	[tilespmem:s5+$0x5270] =	vst v50  }
0xb7: {  	v57 =	vmul.f32 v32, v28;
	s20 =	sadd.s32 s18, s9;
	v56 =	vadd.f32 v53, v18;
	s10 =	rddreg [dreg:$0x15];
	s3 =	sshra.s32 s19, $0x2;
	[tilespmem:s12+$0x5600] =	vst v52  }
0xb8: {  	v59 =	vmul.f32 v32, v29;
	s14 =	rddreg [dreg:$0x13];
	v58 =	vadd.f32 v55, v19;
	s3 =	sadd.s32 s3, s9;
	s6 =	sshra.s32 s10, $0x2;
	[tilespmem:s20+$0x0] =	vst v54  }
0xb9: {  	v61 =	vmul.f32 v32, v30;
	v60 =	vadd.f32 v57, v20;
	s15 =	rddreg [dreg:$0x12];
	s8 =	sshra.s32 s11, $0x2;
	s5 =	sadd.s32 s6, s9;
	[tilespmem:s3+$0x0] =	vst v56  }
.Ltmp0:
0xba: {  	v32 =	vmul.f32 v32, v31;
	v62 =	vadd.f32 v59, v21;
	s6 =	sadd.s32 s8, s9;
	s8 =	sshra.s32 s14, $0x2;
	[tilespmem:s5+$0x0] =	vst v58;
	(pc) =	sbr.rel @p1 .LBB2_3-.Ltmp0, $4  }
0xbb: {  	v63 =	vadd.f32 v61, v22;
	s16 =	rddreg [dreg:$0x11];
	s10 =	sshra.s32 s15, $0x2;
	s17 =	sadd.s32 s8, s9;
	[tilespmem:s6+$0x0] =	vst v60  }
0xbc: {  	v32 =	vadd.f32 v32, v23;
	s11 =	sshra.s32 s16, $0x2;
	s19 =	rddreg [dreg:$0x10];
	s18 =	sadd.s32 s10, s9;
	[tilespmem:s17+$0x0] =	vst v62  }
0xbd: {  	s23 =	sadd.s32 $0x10, s23;
	s9 =	sadd.s32 s11, s9;
	s20 =	rddreg [dreg:$0xf];
	[tilespmem:s18+$0x0] =	vst v63  }
0xbe: {  	s22 =	sadd.s32 $0x10, s22;
	s10 =	sadd.s32 $0x10, s19;
	s3 =	sadd.s32 $0x10, s20;
	[tilespmem:s9+$0x0] =	vst v32  }
0xbf: {  	s4 =	rddreg [dreg:$0xa]  }
0xc0: {  	s0 =	sshll.u32 s4, $0x7;
	s4 =	sadd.s32 $0x1, s4  }
0xc1: {  	s1 =	rddreg [dreg:$0xb];
	p1 =	sne.s32 s4, $0x10  }
.Ltmp1:
0xc2: {  	s2 =	rddreg [dreg:$0x6];
	(pc) =	sbr.rel @p1 .LBB2_2-.Ltmp1, $4  }
0xc3: {  	s31 =	simm.s32 $0x400;
	s5 =	rddreg [dreg:$0xd]  }
0xc4: {  	s3 =	simm.s32 $0x80000;
	s13 =	rddreg [dreg:$0x9];
	p0 =	por !p0, !p0  }
0xc5: {  	s1 =	sadd.s32 $0x1, s1;
	s13 =	sadd.s32 $0x190, s13;
	s0 =	sadd.s32 s0, s2  }
0xc6: {  	[hbm4b:s0+s31] =	stream.strided.scatter [tilespmem:s5], [sflag:s1], $0xC800, s3, s31, $0x38;
	[tilespmem:$0x1AA00] =	vst v63  }
0xc7: {  	s0 =	simm.s32 $0x1  }
0xc8: {  	_ =	swait.ge [sflag:s0], $0xC800  }
0xc9: {  	[sflag:s0] =	ssyncset.done $0x0  }
0xca: {  	s1 =	simm.s32 $0x2;
	[sflag:s0] =	ssyncadd.s32 $0xFFFF3800  }
0xcb: {  	_ =	swait.ge [sflag:s1], $0xC800  }
0xcc: {  	s2 =	rddreg [dreg:$0x8]  }
0xcd: {  	s31 =	rddreg [dreg:$0x7];
	s2 =	sadd.s32 $0x1, s2  }
0xce: {  	p0 =	sne.s32 s2, s31  }
.Ltmp2:
0xcf: {  	_ = 	snop;
	(pc) =	sbr.rel @p0 .LBB2_1-.Ltmp2, $3  }
0xd0: {  	_ =	sdelay $0x1  }
0xd1: {  	[sflag:s1] =	ssyncset.done $0x0  }
0xd2: {  	[sflag:s1] =	ssyncadd.s32 $0xFFFF3800  }
0xd3: {  	_ =	sfence.sel $0x180000  }
0xd4: {  	[bflag:$0x0] =	sbarrier.arrive $0xFFFF  }
0xd5: {  	_ =	strace $0x90000047  }
0xd6: {  	s0 =	stileid.u32;
	[bflag:$0x2] =	sbarrier.arrive $0xFFFF  }
0xd7: {  	p0 =	sne.s32 s0, $0x0;
	s0 =	rddreg [dreg:$0x3]  }
0xd8: {  	s0 =	sadd.s32 @!p0 $0x100000, s0  }
0xd9: {  	[sflag:s0] =	ssyncadd.tile.s32 @!p0 $0x1;
	_ =	shalt  }
.Lfunc_end2:
_tile_overlayer_lowered:
.L_overlay_start_2:
0xda: {  	(tag) =	ssettag $0x2  }
0xdb: {  	s0 =	rddreg [dreg:$0x0];
	s2 =	stileid.u32  }
0xdc: {  	s1 =	rddreg [dreg:$0x1];
	p0 =	sne.s32 s2, $0x0  }
0xdd: {  	s3 =	rddreg [dreg:$0x2];
	[bflag:$0x3] =	sbarrier.arrive $0xFFFF;
	s2 =	simm.s32 @!p0 $0x1C03  }
0xde: {  	[timem:s3], [sflag:s2] =	dma.local @!p0 [hbm:s0], s1  }
0xdf: {  	s0 =	simm.s32 @!p0 $0x3  }
0xe0: {  	_ =	swait.ge @!p0 [sflag:s0], s1  }
0xe1: {  	s1 =	ssub.s32 @!p0 $0x0, s1;
	[sflag:s0] =	ssyncset.done @!p0 $0x0  }
0xe2: {  	[sflag:s0] =	ssyncadd.s32 @!p0 s1  }
0xe3: {  	[bflag:$0x3] =	sbarrier.arrive $0xFFFF  }
0xe4: {  	_ =	shalt  }

</sc_bundles>
